<compile_context>
chip_gen: v7x
topology: tpu7x:2x2x1
jax: 0.10.2.dev20260603
libtpu: 0.0.44.dev20260713+nightly
codegen_flags: <defaults>
</compile_context>

<pallas_src>
import functools

import jax
import jax.numpy as jnp
from jax import lax
from jax.experimental import pallas as pl
from jax.experimental.pallas import tpu as pltpu
from jax.experimental.pallas import tpu_sc as plsc

N_BASE = 1000
N_REL = 8
N_CAM = 5000
N_PTS = 100000
N_OBS = 2000000

NC = 2
NS = 16
NW = NC * NS
L = 16

CAMS_PER_TILE = 320
CAM_PAD = NS * CAMS_PER_TILE
RCOLS = 16
B = 800
NCHUNK = N_OBS // B
CHUNK_ITERS = -(-NCHUNK // NW)
BV = B // L


def _bf(x):
    u = plsc.bitcast(x, jnp.int32)
    r = u + jnp.int32(0x7FFF) + ((u >> 16) & 1)
    r = r & jnp.int32(-65536)
    return plsc.bitcast(r, jnp.float32)


def _rotmat(x, y, z, w):
    s = (x * x + y * y) + (z * z + w * w)
    i2 = 2.0 / s
    return [
        [1.0 - (y * y + z * z) * i2, (x * y - w * z) * i2, (x * z + w * y) * i2],
        [(x * y + w * z) * i2, 1.0 - (x * x + z * z) * i2, (y * z - w * x) * i2],
        [(x * z - w * y) * i2, (y * z + w * x) * i2, 1.0 - (x * x + y * y) * i2],
    ]


def _sc_body(base_hbm, rel_hbm, ptx_hbm, pty_hbm, ptz_hbm, intr_hbm, look_hbm,
             pti_hbm, ci16_hbm, pxm_hbm, pym_hbm, out_hbm,
             base_v, rel_v, look_v, k_v, relrec_v, brec_v, mloc_v, cam_tab,
             pti_va, pti_vb, ci_va, ci_vb, pxm_va, pxm_vb, pym_va, pym_vb,
             px_va, py_va, pz_va, px_vb, py_vb, pz_vb, out_v, cam_sh, sem):
    cid = lax.axis_index("c")
    sid = lax.axis_index("s")
    wid = sid * NC + cid
    lanes = lax.iota(jnp.int32, L)

    pltpu.sync_copy(base_hbm, base_v)
    pltpu.sync_copy(rel_hbm, rel_v)
    pltpu.sync_copy(look_hbm.at[pl.ds(sid * CAMS_PER_TILE * 2, CAMS_PER_TILE * 2)],
                    look_v)
    pltpu.sync_copy(intr_hbm.at[pl.ds(sid * CAMS_PER_TILE * 9, CAMS_PER_TILE * 9)],
                    k_v)

    ridx8 = jnp.minimum(lanes, N_REL - 1) * 8

    def rcol(c):
        return plsc.load_gather(rel_v, [ridx8 + c])

    rrm = _rotmat(rcol(3), rcol(4), rcol(5), rcol(6))
    rows12 = lanes * 12
    for a in range(3):
        for c in range(3):
            plsc.store_scatter(relrec_v, [rows12 + (3 * a + c)], _bf(rrm[a][c]))
        plsc.store_scatter(relrec_v, [rows12 + (9 + a)], _bf(rcol(a)))

    def base_iter(i, carry):
        rows = lanes + i * L
        b8 = plsc.load_gather(look_v, [rows * 2]) * 8

        def bcol(c):
            return plsc.load_gather(base_v, [b8 + c])

        rbm = _rotmat(bcol(3), bcol(4), bcol(5), bcol(6))
        r12 = rows * 12
        for a in range(3):
            for c in range(3):
                plsc.store_scatter(brec_v, [r12 + (3 * a + c)], _bf(rbm[a][c]))
            plsc.store_scatter(brec_v, [r12 + (9 + a)], bcol(a))
        return carry

    lax.fori_loop(0, CAMS_PER_TILE // L, base_iter, 0)

    def comp_iter(i, carry):
        rows = lanes + i * L
        r = plsc.load_gather(look_v, [rows * 2 + 1])
        msk = r >= 0
        rel12 = jnp.maximum(r, 0) * 12
        r12 = rows * 12

        def bcol(c):
            return plsc.load_gather(brec_v, [r12 + c])

        def relc(c):
            return plsc.load_gather(relrec_v, [rel12 + c])

        rb = [[bcol(3 * a + c) for c in range(3)] for a in range(3)]
        tb = [bcol(9 + a) for a in range(3)]
        rr = [[relc(3 * a + c) for c in range(3)] for a in range(3)]
        tr = [relc(9 + a) for a in range(3)]

        r16 = rows * RCOLS
        for a in range(3):
            for c in range(3):
                comp = (rb[a][0] * rr[0][c] + rb[a][1] * rr[1][c]) + rb[a][2] * rr[2][c]
                rfac = jnp.where(msk, _bf(comp), rb[a][c])
                plsc.store_scatter(mloc_v, [r16 + (3 * a + c)], rfac)
            tcomp = tb[a] + ((rb[a][0] * tr[0] + rb[a][1] * tr[1]) + rb[a][2] * tr[2])
            plsc.store_scatter(mloc_v, [r16 + (9 + a)], jnp.where(msk, tcomp, tb[a]))

        rows9 = rows * 9
        for j, kc in enumerate((0, 4, 2, 5)):
            kv = plsc.load_gather(k_v, [rows9 + kc])
            plsc.store_scatter(mloc_v, [r16 + (12 + j)], _bf(kv))
        return carry

    lax.fori_loop(0, CAMS_PER_TILE // L, comp_iter, 0)

    pltpu.sync_copy(mloc_v,
                    cam_sh.at[pl.ds(sid * CAMS_PER_TILE * RCOLS, CAMS_PER_TILE * RCOLS)])
    plsc.subcore_barrier()
    pltpu.sync_copy(cam_sh, cam_tab)

    pti_b = (pti_va, pti_vb)
    ci_b = (ci_va, ci_vb)
    pxm_b = (pxm_va, pxm_vb)
    pym_b = (pym_va, pym_vb)
    px_b = (px_va, px_vb)
    py_b = (py_va, py_vb)
    pz_b = (pz_va, pz_vb)

    def load_chunk(g, s):
        o = g * B
        pltpu.sync_copy(pti_hbm.at[pl.ds(o, B)], pti_b[s])
        pltpu.sync_copy(ci16_hbm.at[pl.ds(o, B)], ci_b[s])
        pltpu.sync_copy(pxm_hbm.at[pl.ds(o, B)], pxm_b[s])
        pltpu.sync_copy(pym_hbm.at[pl.ds(o, B)], pym_b[s])
        pltpu.async_copy(ptx_hbm.at[pti_b[s]], px_b[s], sem)
        pltpu.async_copy(pty_hbm.at[pti_b[s]], py_b[s], sem)
        pltpu.async_copy(ptz_hbm.at[pti_b[s]], pz_b[s], sem)

    def drain_gathers(s):
        pltpu.make_async_copy(ptx_hbm.at[pti_b[s]], px_b[s], sem).wait()
        pltpu.make_async_copy(pty_hbm.at[pti_b[s]], py_b[s], sem).wait()
        pltpu.make_async_copy(ptz_hbm.at[pti_b[s]], pz_b[s], sem).wait()

    def project_chunk(g, s):
        ci_v, pxm_v, pym_v = ci_b[s], pxm_b[s], pym_b[s]
        px_v, py_v, pz_v = px_b[s], py_b[s], pz_b[s]

        @plsc.parallel_loop(0, BV, unroll=2)
        def project(i):
            sl = pl.ds(i * L, L)
            ci = ci_v[sl]

            def cc(c2):
                return plsc.load_gather(cam_tab, [ci + c2])

            x = px_v[sl]
            y = py_v[sl]
            z = pz_v[sl]
            p0 = _bf(((cc(0) * x + cc(1) * y) + cc(2) * z) + cc(9))
            p1 = _bf(((cc(3) * x + cc(4) * y) + cc(5) * z) + cc(10))
            p2 = _bf(((cc(6) * x + cc(7) * y) + cc(8) * z) + cc(11))
            u = cc(12) * p0 + cc(14) * p2
            v = cc(13) * p1 + cc(15) * p2
            rows2 = (lanes + i * L) * 2
            plsc.store_scatter(out_v, [rows2], u / p2 - pxm_v[sl])
            plsc.store_scatter(out_v, [rows2 + 1], v / p2 - pym_v[sl])

        pltpu.sync_copy(out_v, out_hbm.at[pl.ds(g * 2 * B, 2 * B)])

    load_chunk(wid, 0)

    def pair_iter(t, carry):
        for s in (0, 1):
            j = 2 * t + s
            g = wid + NW * j

            @pl.when(g < NCHUNK)
            def _():
                drain_gathers(s)
                gn = g + NW

                @pl.when(gn < NCHUNK)
                def _():
                    load_chunk(gn, 1 - s)

                project_chunk(g, s)

        return carry

    lax.fori_loop(0, (CHUNK_ITERS + 1) // 2, pair_iter, 0)


@jax.jit
def kernel(base_poses, relative_poses, points, intrinsics, lookup_indices, observations):
    pu = jax.lax.bitcast_convert_type(points, jnp.int32)
    pu = (pu + jnp.int32(0x7FFF) + ((pu >> 16) & 1)) & jnp.int32(-65536)
    pts_bf = jax.lax.bitcast_convert_type(pu, jnp.float32).T
    base8 = jnp.pad(base_poses, ((0, 0), (0, 1))).reshape(-1)
    rel8 = jnp.pad(relative_poses, ((0, 0), (0, 1))).reshape(-1)
    intr_flat = jnp.pad(intrinsics.reshape(N_CAM, 9),
                        ((0, CAM_PAD - N_CAM), (0, 0))).reshape(-1)
    look_flat = jnp.pad(lookup_indices, ((0, CAM_PAD - N_CAM), (0, 0))).reshape(-1)

    mesh = plsc.VectorSubcoreMesh(core_axis_name="c", subcore_axis_name="s")
    run = functools.partial(
        pl.kernel,
        mesh=mesh,
        compiler_params=pltpu.CompilerParams(needs_layout_passes=False),
        out_type=jax.ShapeDtypeStruct((2 * N_OBS,), jnp.float32),
        scratch_types=[
            pltpu.VMEM((N_BASE * 8,), jnp.float32),
            pltpu.VMEM((N_REL * 8,), jnp.float32),
            pltpu.VMEM((CAMS_PER_TILE * 2,), jnp.int32),
            pltpu.VMEM((CAMS_PER_TILE * 9,), jnp.float32),
            pltpu.VMEM((L * 12,), jnp.float32),
            pltpu.VMEM((CAMS_PER_TILE * 12,), jnp.float32),
            pltpu.VMEM((CAMS_PER_TILE * RCOLS,), jnp.float32),
            pltpu.VMEM((CAM_PAD * RCOLS,), jnp.float32),
            pltpu.VMEM((B,), jnp.int32),
            pltpu.VMEM((B,), jnp.int32),
            pltpu.VMEM((B,), jnp.int32),
            pltpu.VMEM((B,), jnp.int32),
            pltpu.VMEM((B,), jnp.float32),
            pltpu.VMEM((B,), jnp.float32),
            pltpu.VMEM((B,), jnp.float32),
            pltpu.VMEM((B,), jnp.float32),
            pltpu.VMEM((B,), jnp.float32),
            pltpu.VMEM((B,), jnp.float32),
            pltpu.VMEM((B,), jnp.float32),
            pltpu.VMEM((B,), jnp.float32),
            pltpu.VMEM((B,), jnp.float32),
            pltpu.VMEM((B,), jnp.float32),
            pltpu.VMEM((2 * B,), jnp.float32),
            pltpu.VMEM_SHARED((CAM_PAD * RCOLS,), jnp.float32),
            pltpu.SemaphoreType.DMA,
        ],
    )(_sc_body)
    obs_t = observations.T
    pti = obs_t[1].astype(jnp.int32)
    ci16 = obs_t[0].astype(jnp.int32) * RCOLS
    return run(base8, rel8, pts_bf[0], pts_bf[1], pts_bf[2],
               intr_flat, look_flat, pti, ci16, obs_t[2], obs_t[3])

# --- scband reference (transcript-rebuilt; emitter-appended) ---
"""Pipeline reference for scband-rig-bundle-adjustment-model-74629351735836 (READ-ONLY COPY).

The authoritative reference and input builder live on the scoring server;
editing this copy changes nothing except your own understanding.
"""

import jax, jax.numpy as jnp
import numpy as np

N_BASE = 1000
N_REL = 8
N_CAM = 5000
P = 100000
N_OBS = 2000000


def quat_to_rotmat(q):
    # pypose convention: (qx, qy, qz, qw)
    q = q / jnp.linalg.norm(q, axis=-1, keepdims=True)
    x, y, z, w = q[..., 0], q[..., 1], q[..., 2], q[..., 3]
    R = jnp.stack([
        1 - 2 * (y * y + z * z), 2 * (x * y - w * z), 2 * (x * z + w * y),
        2 * (x * y + w * z), 1 - 2 * (x * x + z * z), 2 * (y * z - w * x),
        2 * (x * z - w * y), 2 * (y * z + w * x), 1 - 2 * (x * x + y * y),
    ], axis=-1)
    return R.reshape(q.shape[:-1] + (3, 3))


def bmv(M, v):
    return jnp.einsum('...ij,...j->...i', M, v)


def setup_inputs(seed: int = 0) -> dict:
    key = jax.random.key(seed)
    ks = jax.random.split(key, 12)
    # base poses: (tx,ty,tz, qx,qy,qz,qw)
    base_t = jax.random.normal(ks[0], (N_BASE, 3), dtype=jnp.float32) * 2.0
    base_q = jax.random.normal(ks[1], (N_BASE, 4), dtype=jnp.float32)
    base_q = base_q / jnp.linalg.norm(base_q, axis=-1, keepdims=True)
    base_poses = jnp.concatenate([base_t, base_q], axis=-1)
    # relative (rig) poses: small offsets
    rel_t = jax.random.normal(ks[2], (N_REL, 3), dtype=jnp.float32) * 0.1
    rel_q = jax.random.normal(ks[3], (N_REL, 4), dtype=jnp.float32) * 0.05
    rel_q = rel_q.at[:, 3].add(1.0)
    rel_q = rel_q / jnp.linalg.norm(rel_q, axis=-1, keepdims=True)
    relative_poses = jnp.concatenate([rel_t, rel_q], axis=-1)
    # 3D points, pushed away from camera origin so depths stay well-conditioned
    points = jax.random.normal(ks[4], (P, 3), dtype=jnp.float32) * 5.0 + jnp.array([0.0, 0.0, 12.0], dtype=jnp.float32)
    # intrinsics K for each physical camera
    fx = 500.0 + 50.0 * jax.random.uniform(ks[5], (N_CAM,), dtype=jnp.float32)
    fy = 500.0 + 50.0 * jax.random.uniform(ks[6], (N_CAM,), dtype=jnp.float32)
    K = jnp.zeros((N_CAM, 3, 3), dtype=jnp.float32)
    K = K.at[:, 0, 0].set(fx)
    K = K.at[:, 1, 1].set(fy)
    K = K.at[:, 0, 2].set(320.0)
    K = K.at[:, 1, 2].set(240.0)
    K = K.at[:, 2, 2].set(1.0)
    # lookup: each camera -> (base pose idx, relative pose idx or -1)
    look_base = jax.random.randint(ks[7], (N_CAM,), 0, N_BASE)
    look_rel = jax.random.randint(ks[8], (N_CAM,), -1, N_REL)
    lookup_indices = jnp.stack([look_base, look_rel], axis=-1).astype(jnp.int32)
    # observations: (cam_idx, pt_idx, px, py) packed as float32
    cam_idx = jax.random.randint(ks[9], (N_OBS,), 0, N_CAM)
    pt_idx = jax.random.randint(ks[10], (N_OBS,), 0, P)
    pixels = jax.random.uniform(ks[11], (N_OBS, 2), dtype=jnp.float32) * jnp.array([640.0, 480.0], dtype=jnp.float32)
    observations = jnp.concatenate([
        cam_idx[:, None].astype(jnp.float32),
        pt_idx[:, None].astype(jnp.float32),
        pixels,
    ], axis=-1)
    return {
        'base_poses': base_poses,
        'relative_poses': relative_poses,
        'points': points,
        'intrinsics': K,
        'lookup_indices': lookup_indices,
        'observations': observations,
    }


def reference(base_poses, relative_poses, points, intrinsics, lookup_indices, observations):
    cam_indices = observations[:, 0].astype(jnp.int32)
    pt_indices = observations[:, 1].astype(jnp.int32)
    pixels_measured = observations[:, 2:]
    base_pose_indices = lookup_indices[cam_indices, 0]
    relative_pose_indices = lookup_indices[cam_indices, 1]
    bp = base_poses[base_pose_indices]
    R_base = quat_to_rotmat(bp[:, 3:])
    t_base = bp[:, :3]
    is_relative_mask = relative_pose_indices != -1
    rel_safe = jnp.maximum(relative_pose_indices, 0)
    rp = relative_poses[rel_safe]
    R_rel = quat_to_rotmat(rp[:, 3:])
    t_rel = rp[:, :3]
    R_comb = jnp.matmul(R_base, R_rel)
    t_comb = t_base + bmv(R_base, t_rel)
    R_cam_final = jnp.where(is_relative_mask[:, None, None], R_comb, R_base)
    t_cam_final = jnp.where(is_relative_mask[:, None], t_comb, t_base)
    selected_points = points[pt_indices]
    points_in_cam_frame = bmv(R_cam_final, selected_points) + t_cam_final
    selected_intrinsics = intrinsics[cam_indices]
    projected_points = bmv(selected_intrinsics, points_in_cam_frame)
    px = projected_points[..., 0] / projected_points[..., 2]
    py = projected_points[..., 1] / projected_points[..., 2]
    pixels_predicted = jnp.stack([px, py], axis=-1)
    error = pixels_predicted - pixels_measured
    return error.reshape(-1)

if __name__ == "__main__":
    import jax
    _d = setup_inputs()
    print(jax.jit(kernel)(*tuple(_d.values())))

</pallas_src>

<mosaic_0001>
#map = affine_map<(d0, d1) -> (0)>
module attributes {stable_mosaic.version = 14 : i64} {
  func.func @_sc_body(%arg0: i32, %arg1: i32, %arg2: memref<8000xf32, #tpu.memory_space<hbm>>, %arg3: memref<64xf32, #tpu.memory_space<hbm>>, %arg4: memref<100000xf32, #tpu.memory_space<hbm>>, %arg5: memref<100000xf32, #tpu.memory_space<hbm>>, %arg6: memref<100000xf32, #tpu.memory_space<hbm>>, %arg7: memref<46080xf32, #tpu.memory_space<hbm>>, %arg8: memref<10240xi32, #tpu.memory_space<hbm>>, %arg9: memref<2000000xi32, #tpu.memory_space<hbm>>, %arg10: memref<2000000xi32, #tpu.memory_space<hbm>>, %arg11: memref<2000000xf32, #tpu.memory_space<hbm>>, %arg12: memref<2000000xf32, #tpu.memory_space<hbm>>, %arg13: memref<4000000xf32, #tpu.memory_space<hbm>>, %arg14: memref<8000xf32, #tpu.memory_space<vmem>>, %arg15: memref<64xf32, #tpu.memory_space<vmem>>, %arg16: memref<640xi32, #tpu.memory_space<vmem>>, %arg17: memref<2880xf32, #tpu.memory_space<vmem>>, %arg18: memref<192xf32, #tpu.memory_space<vmem>>, %arg19: memref<3840xf32, #tpu.memory_space<vmem>>, %arg20: memref<5120xf32, #tpu.memory_space<vmem>>, %arg21: memref<81920xf32, #tpu.memory_space<vmem>>, %arg22: memref<800xi32, #tpu.memory_space<vmem>>, %arg23: memref<800xi32, #tpu.memory_space<vmem>>, %arg24: memref<800xi32, #tpu.memory_space<vmem>>, %arg25: memref<800xi32, #tpu.memory_space<vmem>>, %arg26: memref<800xf32, #tpu.memory_space<vmem>>, %arg27: memref<800xf32, #tpu.memory_space<vmem>>, %arg28: memref<800xf32, #tpu.memory_space<vmem>>, %arg29: memref<800xf32, #tpu.memory_space<vmem>>, %arg30: memref<800xf32, #tpu.memory_space<vmem>>, %arg31: memref<800xf32, #tpu.memory_space<vmem>>, %arg32: memref<800xf32, #tpu.memory_space<vmem>>, %arg33: memref<800xf32, #tpu.memory_space<vmem>>, %arg34: memref<800xf32, #tpu.memory_space<vmem>>, %arg35: memref<800xf32, #tpu.memory_space<vmem>>, %arg36: memref<1600xf32, #tpu.memory_space<vmem>>, %arg37: memref<81920xf32, #tpu.memory_space<vmem_shared>>, %arg38: memref<!tpu.dma_semaphore, #tpu.memory_space<semaphore_mem>>) attributes {dimension_semantics = [#tpu.dimension_semantics<core_parallel>, #tpu.dimension_semantics<subcore_parallel>], iteration_bounds = array<i64: 2, 16>, scalar_prefetch = 0 : i64, scratch_operands = 25 : i64, tpu.core_type = #tpu.core_type<sc_vector_subcore>, window_params = [{transform_indices = #map}, {transform_indices = #map}, {transform_indices = #map}, {transform_indices = #map}, {transform_indices = #map}, {transform_indices = #map}, {transform_indices = #map}, {transform_indices = #map}, {transform_indices = #map}, {transform_indices = #map}, {transform_indices = #map}, {transform_indices = #map}]} {
    %mul3A = arith.constant 2 : i32
    %mul3A_0 = arith.muli %arg1, %mul3A : i32
    %add3A = arith.addi %mul3A_0, %arg0 : i32
    %iota3A = tpu.iota {dimensions = array<i32: 0>} : vector<16xi32>
    "tpu.region"() ({
      %run_scoped3A = tpu.sem_alloc : memref<!tpu.dma_semaphore, #tpu.memory_space<semaphore_mem>>
      tpu.enqueue_dma source(%arg2 : memref<8000xf32, #tpu.memory_space<hbm>>) target(%arg14 : memref<8000xf32, #tpu.memory_space<vmem>>) target_semaphore(%run_scoped3A : memref<!tpu.dma_semaphore, #tpu.memory_space<semaphore_mem>>)
      tpu.wait_dma2 semaphore(%run_scoped3A : memref<!tpu.dma_semaphore, #tpu.memory_space<semaphore_mem>>) src(%arg2 : memref<8000xf32, #tpu.memory_space<hbm>>) dst(%arg14 : memref<8000xf32, #tpu.memory_space<vmem>>)
      tpu.yield
    }) : () -> ()
    "tpu.region"() ({
      %run_scoped3A = tpu.sem_alloc : memref<!tpu.dma_semaphore, #tpu.memory_space<semaphore_mem>>
      tpu.enqueue_dma source(%arg3 : memref<64xf32, #tpu.memory_space<hbm>>) target(%arg15 : memref<64xf32, #tpu.memory_space<vmem>>) target_semaphore(%run_scoped3A : memref<!tpu.dma_semaphore, #tpu.memory_space<semaphore_mem>>)
      tpu.wait_dma2 semaphore(%run_scoped3A : memref<!tpu.dma_semaphore, #tpu.memory_space<semaphore_mem>>) src(%arg3 : memref<64xf32, #tpu.memory_space<hbm>>) dst(%arg15 : memref<64xf32, #tpu.memory_space<vmem>>)
      tpu.yield
    }) : () -> ()
    %mul3A_1 = arith.constant 320 : i32
    %mul3A_2 = arith.muli %arg1, %mul3A_1 : i32
    %mul3A_3 = arith.constant 2 : i32
    %mul3A_4 = arith.muli %mul3A_2, %mul3A_3 : i32
    "tpu.region"() ({
      %run_scoped3A = tpu.sem_alloc : memref<!tpu.dma_semaphore, #tpu.memory_space<semaphore_mem>>
      %dma_start3A_338 = tpu.memref_slice %arg8[%mul3A_4] : memref<10240xi32, #tpu.memory_space<hbm>> -> memref<640xi32, #tpu.memory_space<hbm>>
      %dma_start3A_339 = tpu.memref_slice %arg8[%mul3A_4] : memref<10240xi32, #tpu.memory_space<hbm>> -> memref<640xi32, #tpu.memory_space<hbm>>
      tpu.enqueue_dma source(%dma_start3A_339 : memref<640xi32, #tpu.memory_space<hbm>>) target(%arg16 : memref<640xi32, #tpu.memory_space<vmem>>) target_semaphore(%run_scoped3A : memref<!tpu.dma_semaphore, #tpu.memory_space<semaphore_mem>>)
      %dma_wait3A = tpu.memref_slice %arg8[%mul3A_4] : memref<10240xi32, #tpu.memory_space<hbm>> -> memref<640xi32, #tpu.memory_space<hbm>>
      %dma_wait3A_340 = tpu.memref_slice %arg8[%mul3A_4] : memref<10240xi32, #tpu.memory_space<hbm>> -> memref<640xi32, #tpu.memory_space<hbm>>
      tpu.wait_dma2 semaphore(%run_scoped3A : memref<!tpu.dma_semaphore, #tpu.memory_space<semaphore_mem>>) src(%dma_wait3A_340 : memref<640xi32, #tpu.memory_space<hbm>>) dst(%arg16 : memref<640xi32, #tpu.memory_space<vmem>>)
      tpu.yield
    }) : () -> ()
    %mul3A_5 = arith.constant 320 : i32
    %mul3A_6 = arith.muli %arg1, %mul3A_5 : i32
    %mul3A_7 = arith.constant 9 : i32
    %mul3A_8 = arith.muli %mul3A_6, %mul3A_7 : i32
    "tpu.region"() ({
      %run_scoped3A = tpu.sem_alloc : memref<!tpu.dma_semaphore, #tpu.memory_space<semaphore_mem>>
      %dma_start3A_338 = tpu.memref_slice %arg7[%mul3A_8] : memref<46080xf32, #tpu.memory_space<hbm>> -> memref<2880xf32, #tpu.memory_space<hbm>>
      %dma_start3A_339 = tpu.memref_slice %arg7[%mul3A_8] : memref<46080xf32, #tpu.memory_space<hbm>> -> memref<2880xf32, #tpu.memory_space<hbm>>
      tpu.enqueue_dma source(%dma_start3A_339 : memref<2880xf32, #tpu.memory_space<hbm>>) target(%arg17 : memref<2880xf32, #tpu.memory_space<vmem>>) target_semaphore(%run_scoped3A : memref<!tpu.dma_semaphore, #tpu.memory_space<semaphore_mem>>)
      %dma_wait3A = tpu.memref_slice %arg7[%mul3A_8] : memref<46080xf32, #tpu.memory_space<hbm>> -> memref<2880xf32, #tpu.memory_space<hbm>>
      %dma_wait3A_340 = tpu.memref_slice %arg7[%mul3A_8] : memref<46080xf32, #tpu.memory_space<hbm>> -> memref<2880xf32, #tpu.memory_space<hbm>>
      tpu.wait_dma2 semaphore(%run_scoped3A : memref<!tpu.dma_semaphore, #tpu.memory_space<semaphore_mem>>) src(%dma_wait3A_340 : memref<2880xf32, #tpu.memory_space<hbm>>) dst(%arg17 : memref<2880xf32, #tpu.memory_space<vmem>>)
      tpu.yield
    }) : () -> ()
    %min3A = arith.constant 7 : i32
    %min3A_9 = vector.broadcast %min3A : i32 to vector<16xi32>
    %min3A_10 = arith.minsi %iota3A, %min3A_9 : vector<16xi32>
    %mul3A_11 = arith.constant 8 : i32
    %mul3A_12 = vector.broadcast %mul3A_11 : i32 to vector<16xi32>
    %mul3A_13 = arith.muli %min3A_10, %mul3A_12 : vector<16xi32>
    %add3A_14 = arith.constant 3 : i32
    %add3A_15 = vector.broadcast %add3A_14 : i32 to vector<16xi32>
    %add3A_16 = arith.addi %mul3A_13, %add3A_15 : vector<16xi32>
    %gather3A = tpu.vector_load_idx %arg15[%add3A_16] : memref<64xf32, #tpu.memory_space<vmem>>[vector<16xi32>], vector<16xf32>,
    %add3A_17 = arith.constant 4 : i32
    %add3A_18 = vector.broadcast %add3A_17 : i32 to vector<16xi32>
    %add3A_19 = arith.addi %mul3A_13, %add3A_18 : vector<16xi32>
    %gather3A_20 = tpu.vector_load_idx %arg15[%add3A_19] : memref<64xf32, #tpu.memory_space<vmem>>[vector<16xi32>], vector<16xf32>,
    %add3A_21 = arith.constant 5 : i32
    %add3A_22 = vector.broadcast %add3A_21 : i32 to vector<16xi32>
    %add3A_23 = arith.addi %mul3A_13, %add3A_22 : vector<16xi32>
    %gather3A_24 = tpu.vector_load_idx %arg15[%add3A_23] : memref<64xf32, #tpu.memory_space<vmem>>[vector<16xi32>], vector<16xf32>,
    %add3A_25 = arith.constant 6 : i32
    %add3A_26 = vector.broadcast %add3A_25 : i32 to vector<16xi32>
    %add3A_27 = arith.addi %mul3A_13, %add3A_26 : vector<16xi32>
    %gather3A_28 = tpu.vector_load_idx %arg15[%add3A_27] : memref<64xf32, #tpu.memory_space<vmem>>[vector<16xi32>], vector<16xf32>,
    %mul3A_29 = arith.mulf %gather3A, %gather3A : vector<16xf32>
    %mul3A_30 = arith.mulf %gather3A_20, %gather3A_20 : vector<16xf32>
    %add3A_31 = arith.addf %mul3A_29, %mul3A_30 : vector<16xf32>
    %mul3A_32 = arith.mulf %gather3A_24, %gather3A_24 : vector<16xf32>
    %mul3A_33 = arith.mulf %gather3A_28, %gather3A_28 : vector<16xf32>
    %add3A_34 = arith.addf %mul3A_32, %mul3A_33 : vector<16xf32>
    %add3A_35 = arith.addf %add3A_31, %add3A_34 : vector<16xf32>
    %div3A = arith.constant 2.000000e+00 : f32
    %div3A_36 = vector.broadcast %div3A : f32 to vector<16xf32>
    %div3A_37 = arith.divf %div3A_36, %add3A_35 : vector<16xf32>
    %mul3A_38 = arith.mulf %gather3A_20, %gather3A_20 : vector<16xf32>
    %mul3A_39 = arith.mulf %gather3A_24, %gather3A_24 : vector<16xf32>
    %add3A_40 = arith.addf %mul3A_38, %mul3A_39 : vector<16xf32>
    %mul3A_41 = arith.mulf %add3A_40, %div3A_37 : vector<16xf32>
    %sub3A = arith.constant 1.000000e+00 : f32
    %sub3A_42 = vector.broadcast %sub3A : f32 to vector<16xf32>
    %sub3A_43 = arith.subf %sub3A_42, %mul3A_41 : vector<16xf32>
    %mul3A_44 = arith.mulf %gather3A, %gather3A_20 : vector<16xf32>
    %mul3A_45 = arith.mulf %gather3A_28, %gather3A_24 : vector<16xf32>
    %sub3A_46 = arith.subf %mul3A_44, %mul3A_45 : vector<16xf32>
    %mul3A_47 = arith.mulf %sub3A_46, %div3A_37 : vector<16xf32>
    %mul3A_48 = arith.mulf %gather3A, %gather3A_24 : vector<16xf32>
    %mul3A_49 = arith.mulf %gather3A_28, %gather3A_20 : vector<16xf32>
    %add3A_50 = arith.addf %mul3A_48, %mul3A_49 : vector<16xf32>
    %mul3A_51 = arith.mulf %add3A_50, %div3A_37 : vector<16xf32>
    %mul3A_52 = arith.mulf %gather3A, %gather3A_20 : vector<16xf32>
    %mul3A_53 = arith.mulf %gather3A_28, %gather3A_24 : vector<16xf32>
    %add3A_54 = arith.addf %mul3A_52, %mul3A_53 : vector<16xf32>
    %mul3A_55 = arith.mulf %add3A_54, %div3A_37 : vector<16xf32>
    %mul3A_56 = arith.mulf %gather3A, %gather3A : vector<16xf32>
    %mul3A_57 = arith.mulf %gather3A_24, %gather3A_24 : vector<16xf32>
    %add3A_58 = arith.addf %mul3A_56, %mul3A_57 : vector<16xf32>
    %mul3A_59 = arith.mulf %add3A_58, %div3A_37 : vector<16xf32>
    %sub3A_60 = arith.constant 1.000000e+00 : f32
    %sub3A_61 = vector.broadcast %sub3A_60 : f32 to vector<16xf32>
    %sub3A_62 = arith.subf %sub3A_61, %mul3A_59 : vector<16xf32>
    %mul3A_63 = arith.mulf %gather3A_20, %gather3A_24 : vector<16xf32>
    %mul3A_64 = arith.mulf %gather3A_28, %gather3A : vector<16xf32>
    %sub3A_65 = arith.subf %mul3A_63, %mul3A_64 : vector<16xf32>
    %mul3A_66 = arith.mulf %sub3A_65, %div3A_37 : vector<16xf32>
    %mul3A_67 = arith.mulf %gather3A, %gather3A_24 : vector<16xf32>
    %mul3A_68 = arith.mulf %gather3A_28, %gather3A_20 : vector<16xf32>
    %sub3A_69 = arith.subf %mul3A_67, %mul3A_68 : vector<16xf32>
    %mul3A_70 = arith.mulf %sub3A_69, %div3A_37 : vector<16xf32>
    %mul3A_71 = arith.mulf %gather3A_20, %gather3A_24 : vector<16xf32>
    %mul3A_72 = arith.mulf %gather3A_28, %gather3A : vector<16xf32>
    %add3A_73 = arith.addf %mul3A_71, %mul3A_72 : vector<16xf32>
    %mul3A_74 = arith.mulf %add3A_73, %div3A_37 : vector<16xf32>
    %mul3A_75 = arith.mulf %gather3A, %gather3A : vector<16xf32>
    %mul3A_76 = arith.mulf %gather3A_20, %gather3A_20 : vector<16xf32>
    %add3A_77 = arith.addf %mul3A_75, %mul3A_76 : vector<16xf32>
    %mul3A_78 = arith.mulf %add3A_77, %div3A_37 : vector<16xf32>
    %sub3A_79 = arith.constant 1.000000e+00 : f32
    %sub3A_80 = vector.broadcast %sub3A_79 : f32 to vector<16xf32>
    %sub3A_81 = arith.subf %sub3A_80, %mul3A_78 : vector<16xf32>
    %mul3A_82 = arith.constant 12 : i32
    %mul3A_83 = vector.broadcast %mul3A_82 : i32 to vector<16xi32>
    %mul3A_84 = arith.muli %iota3A, %mul3A_83 : vector<16xi32>
    %add3A_85 = arith.constant 0 : i32
    %add3A_86 = vector.broadcast %add3A_85 : i32 to vector<16xi32>
    %add3A_87 = arith.addi %mul3A_84, %add3A_86 : vector<16xi32>
    %bitcast3A = vector.bitcast %sub3A_43 : vector<16xf32> to vector<16xi32>
    %add3A_88 = arith.constant 32767 : i32
    %add3A_89 = vector.broadcast %add3A_88 : i32 to vector<16xi32>
    %add3A_90 = arith.addi %bitcast3A, %add3A_89 : vector<16xi32>
    %shift_right_arithmetic3A = arith.constant 16 : i32
    %shift_right_arithmetic3A_91 = vector.broadcast %shift_right_arithmetic3A : i32 to vector<16xi32>
    %shift_right_arithmetic3A_92 = arith.shrsi %bitcast3A, %shift_right_arithmetic3A_91 : vector<16xi32>
    %and3A = arith.constant 1 : i32
    %and3A_93 = vector.broadcast %and3A : i32 to vector<16xi32>
    %and3A_94 = arith.andi %shift_right_arithmetic3A_92, %and3A_93 : vector<16xi32>
    %add3A_95 = arith.addi %add3A_90, %and3A_94 : vector<16xi32>
    %and3A_96 = arith.constant -65536 : i32
    %and3A_97 = vector.broadcast %and3A_96 : i32 to vector<16xi32>
    %and3A_98 = arith.andi %add3A_95, %and3A_97 : vector<16xi32>
    %bitcast3A_99 = vector.bitcast %and3A_98 : vector<16xi32> to vector<16xf32>
    tpu.vector_store_idx %arg18[%add3A_87], %bitcast3A_99 : memref<192xf32, #tpu.memory_space<vmem>>[vector<16xi32>], vector<16xf32>,
    %add3A_100 = arith.constant 1 : i32
    %add3A_101 = vector.broadcast %add3A_100 : i32 to vector<16xi32>
    %add3A_102 = arith.addi %mul3A_84, %add3A_101 : vector<16xi32>
    %bitcast3A_103 = vector.bitcast %mul3A_47 : vector<16xf32> to vector<16xi32>
    %add3A_104 = arith.constant 32767 : i32
    %add3A_105 = vector.broadcast %add3A_104 : i32 to vector<16xi32>
    %add3A_106 = arith.addi %bitcast3A_103, %add3A_105 : vector<16xi32>
    %shift_right_arithmetic3A_107 = arith.constant 16 : i32
    %shift_right_arithmetic3A_108 = vector.broadcast %shift_right_arithmetic3A_107 : i32 to vector<16xi32>
    %shift_right_arithmetic3A_109 = arith.shrsi %bitcast3A_103, %shift_right_arithmetic3A_108 : vector<16xi32>
    %and3A_110 = arith.constant 1 : i32
    %and3A_111 = vector.broadcast %and3A_110 : i32 to vector<16xi32>
    %and3A_112 = arith.andi %shift_right_arithmetic3A_109, %and3A_111 : vector<16xi32>
    %add3A_113 = arith.addi %add3A_106, %and3A_112 : vector<16xi32>
    %and3A_114 = arith.constant -65536 : i32
    %and3A_115 = vector.broadcast %and3A_114 : i32 to vector<16xi32>
    %and3A_116 = arith.andi %add3A_113, %and3A_115 : vector<16xi32>
    %bitcast3A_117 = vector.bitcast %and3A_116 : vector<16xi32> to vector<16xf32>
    tpu.vector_store_idx %arg18[%add3A_102], %bitcast3A_117 : memref<192xf32, #tpu.memory_space<vmem>>[vector<16xi32>], vector<16xf32>,
    %add3A_118 = arith.constant 2 : i32
    %add3A_119 = vector.broadcast %add3A_118 : i32 to vector<16xi32>
    %add3A_120 = arith.addi %mul3A_84, %add3A_119 : vector<16xi32>
    %bitcast3A_121 = vector.bitcast %mul3A_51 : vector<16xf32> to vector<16xi32>
    %add3A_122 = arith.constant 32767 : i32
    %add3A_123 = vector.broadcast %add3A_122 : i32 to vector<16xi32>
    %add3A_124 = arith.addi %bitcast3A_121, %add3A_123 : vector<16xi32>
    %shift_right_arithmetic3A_125 = arith.constant 16 : i32
    %shift_right_arithmetic3A_126 = vector.broadcast %shift_right_arithmetic3A_125 : i32 to vector<16xi32>
    %shift_right_arithmetic3A_127 = arith.shrsi %bitcast3A_121, %shift_right_arithmetic3A_126 : vector<16xi32>
    %and3A_128 = arith.constant 1 : i32
    %and3A_129 = vector.broadcast %and3A_128 : i32 to vector<16xi32>
    %and3A_130 = arith.andi %shift_right_arithmetic3A_127, %and3A_129 : vector<16xi32>
    %add3A_131 = arith.addi %add3A_124, %and3A_130 : vector<16xi32>
    %and3A_132 = arith.constant -65536 : i32
    %and3A_133 = vector.broadcast %and3A_132 : i32 to vector<16xi32>
    %and3A_134 = arith.andi %add3A_131, %and3A_133 : vector<16xi32>
    %bitcast3A_135 = vector.bitcast %and3A_134 : vector<16xi32> to vector<16xf32>
    tpu.vector_store_idx %arg18[%add3A_120], %bitcast3A_135 : memref<192xf32, #tpu.memory_space<vmem>>[vector<16xi32>], vector<16xf32>,
    %add3A_136 = arith.constant 9 : i32
    %add3A_137 = vector.broadcast %add3A_136 : i32 to vector<16xi32>
    %add3A_138 = arith.addi %mul3A_84, %add3A_137 : vector<16xi32>
    %add3A_139 = arith.constant 0 : i32
    %add3A_140 = vector.broadcast %add3A_139 : i32 to vector<16xi32>
    %add3A_141 = arith.addi %mul3A_13, %add3A_140 : vector<16xi32>
    %gather3A_142 = tpu.vector_load_idx %arg15[%add3A_141] : memref<64xf32, #tpu.memory_space<vmem>>[vector<16xi32>], vector<16xf32>,
    %bitcast3A_143 = vector.bitcast %gather3A_142 : vector<16xf32> to vector<16xi32>
    %add3A_144 = arith.constant 32767 : i32
    %add3A_145 = vector.broadcast %add3A_144 : i32 to vector<16xi32>
    %add3A_146 = arith.addi %bitcast3A_143, %add3A_145 : vector<16xi32>
    %shift_right_arithmetic3A_147 = arith.constant 16 : i32
    %shift_right_arithmetic3A_148 = vector.broadcast %shift_right_arithmetic3A_147 : i32 to vector<16xi32>
    %shift_right_arithmetic3A_149 = arith.shrsi %bitcast3A_143, %shift_right_arithmetic3A_148 : vector<16xi32>
    %and3A_150 = arith.constant 1 : i32
    %and3A_151 = vector.broadcast %and3A_150 : i32 to vector<16xi32>
    %and3A_152 = arith.andi %shift_right_arithmetic3A_149, %and3A_151 : vector<16xi32>
    %add3A_153 = arith.addi %add3A_146, %and3A_152 : vector<16xi32>
    %and3A_154 = arith.constant -65536 : i32
    %and3A_155 = vector.broadcast %and3A_154 : i32 to vector<16xi32>
    %and3A_156 = arith.andi %add3A_153, %and3A_155 : vector<16xi32>
    %bitcast3A_157 = vector.bitcast %and3A_156 : vector<16xi32> to vector<16xf32>
    tpu.vector_store_idx %arg18[%add3A_138], %bitcast3A_157 : memref<192xf32, #tpu.memory_space<vmem>>[vector<16xi32>], vector<16xf32>,
    %add3A_158 = arith.constant 3 : i32
    %add3A_159 = vector.broadcast %add3A_158 : i32 to vector<16xi32>
    %add3A_160 = arith.addi %mul3A_84, %add3A_159 : vector<16xi32>
    %bitcast3A_161 = vector.bitcast %mul3A_55 : vector<16xf32> to vector<16xi32>
    %add3A_162 = arith.constant 32767 : i32
    %add3A_163 = vector.broadcast %add3A_162 : i32 to vector<16xi32>
    %add3A_164 = arith.addi %bitcast3A_161, %add3A_163 : vector<16xi32>
    %shift_right_arithmetic3A_165 = arith.constant 16 : i32
    %shift_right_arithmetic3A_166 = vector.broadcast %shift_right_arithmetic3A_165 : i32 to vector<16xi32>
    %shift_right_arithmetic3A_167 = arith.shrsi %bitcast3A_161, %shift_right_arithmetic3A_166 : vector<16xi32>
    %and3A_168 = arith.constant 1 : i32
    %and3A_169 = vector.broadcast %and3A_168 : i32 to vector<16xi32>
    %and3A_170 = arith.andi %shift_right_arithmetic3A_167, %and3A_169 : vector<16xi32>
    %add3A_171 = arith.addi %add3A_164, %and3A_170 : vector<16xi32>
    %and3A_172 = arith.constant -65536 : i32
    %and3A_173 = vector.broadcast %and3A_172 : i32 to vector<16xi32>
    %and3A_174 = arith.andi %add3A_171, %and3A_173 : vector<16xi32>
    %bitcast3A_175 = vector.bitcast %and3A_174 : vector<16xi32> to vector<16xf32>
    tpu.vector_store_idx %arg18[%add3A_160], %bitcast3A_175 : memref<192xf32, #tpu.memory_space<vmem>>[vector<16xi32>], vector<16xf32>,
    %add3A_176 = arith.constant 4 : i32
    %add3A_177 = vector.broadcast %add3A_176 : i32 to vector<16xi32>
    %add3A_178 = arith.addi %mul3A_84, %add3A_177 : vector<16xi32>
    %bitcast3A_179 = vector.bitcast %sub3A_62 : vector<16xf32> to vector<16xi32>
    %add3A_180 = arith.constant 32767 : i32
    %add3A_181 = vector.broadcast %add3A_180 : i32 to vector<16xi32>
    %add3A_182 = arith.addi %bitcast3A_179, %add3A_181 : vector<16xi32>
    %shift_right_arithmetic3A_183 = arith.constant 16 : i32
    %shift_right_arithmetic3A_184 = vector.broadcast %shift_right_arithmetic3A_183 : i32 to vector<16xi32>
    %shift_right_arithmetic3A_185 = arith.shrsi %bitcast3A_179, %shift_right_arithmetic3A_184 : vector<16xi32>
    %and3A_186 = arith.constant 1 : i32
    %and3A_187 = vector.broadcast %and3A_186 : i32 to vector<16xi32>
    %and3A_188 = arith.andi %shift_right_arithmetic3A_185, %and3A_187 : vector<16xi32>
    %add3A_189 = arith.addi %add3A_182, %and3A_188 : vector<16xi32>
    %and3A_190 = arith.constant -65536 : i32
    %and3A_191 = vector.broadcast %and3A_190 : i32 to vector<16xi32>
    %and3A_192 = arith.andi %add3A_189, %and3A_191 : vector<16xi32>
    %bitcast3A_193 = vector.bitcast %and3A_192 : vector<16xi32> to vector<16xf32>
    tpu.vector_store_idx %arg18[%add3A_178], %bitcast3A_193 : memref<192xf32, #tpu.memory_space<vmem>>[vector<16xi32>], vector<16xf32>,
    %add3A_194 = arith.constant 5 : i32
    %add3A_195 = vector.broadcast %add3A_194 : i32 to vector<16xi32>
    %add3A_196 = arith.addi %mul3A_84, %add3A_195 : vector<16xi32>
    %bitcast3A_197 = vector.bitcast %mul3A_66 : vector<16xf32> to vector<16xi32>
    %add3A_198 = arith.constant 32767 : i32
    %add3A_199 = vector.broadcast %add3A_198 : i32 to vector<16xi32>
    %add3A_200 = arith.addi %bitcast3A_197, %add3A_199 : vector<16xi32>
    %shift_right_arithmetic3A_201 = arith.constant 16 : i32
    %shift_right_arithmetic3A_202 = vector.broadcast %shift_right_arithmetic3A_201 : i32 to vector<16xi32>
    %shift_right_arithmetic3A_203 = arith.shrsi %bitcast3A_197, %shift_right_arithmetic3A_202 : vector<16xi32>
    %and3A_204 = arith.constant 1 : i32
    %and3A_205 = vector.broadcast %and3A_204 : i32 to vector<16xi32>
    %and3A_206 = arith.andi %shift_right_arithmetic3A_203, %and3A_205 : vector<16xi32>
    %add3A_207 = arith.addi %add3A_200, %and3A_206 : vector<16xi32>
    %and3A_208 = arith.constant -65536 : i32
    %and3A_209 = vector.broadcast %and3A_208 : i32 to vector<16xi32>
    %and3A_210 = arith.andi %add3A_207, %and3A_209 : vector<16xi32>
    %bitcast3A_211 = vector.bitcast %and3A_210 : vector<16xi32> to vector<16xf32>
    tpu.vector_store_idx %arg18[%add3A_196], %bitcast3A_211 : memref<192xf32, #tpu.memory_space<vmem>>[vector<16xi32>], vector<16xf32>,
    %add3A_212 = arith.constant 10 : i32
    %add3A_213 = vector.broadcast %add3A_212 : i32 to vector<16xi32>
    %add3A_214 = arith.addi %mul3A_84, %add3A_213 : vector<16xi32>
    %add3A_215 = arith.constant 1 : i32
    %add3A_216 = vector.broadcast %add3A_215 : i32 to vector<16xi32>
    %add3A_217 = arith.addi %mul3A_13, %add3A_216 : vector<16xi32>
    %gather3A_218 = tpu.vector_load_idx %arg15[%add3A_217] : memref<64xf32, #tpu.memory_space<vmem>>[vector<16xi32>], vector<16xf32>,
    %bitcast3A_219 = vector.bitcast %gather3A_218 : vector<16xf32> to vector<16xi32>
    %add3A_220 = arith.constant 32767 : i32
    %add3A_221 = vector.broadcast %add3A_220 : i32 to vector<16xi32>
    %add3A_222 = arith.addi %bitcast3A_219, %add3A_221 : vector<16xi32>
    %shift_right_arithmetic3A_223 = arith.constant 16 : i32
    %shift_right_arithmetic3A_224 = vector.broadcast %shift_right_arithmetic3A_223 : i32 to vector<16xi32>
    %shift_right_arithmetic3A_225 = arith.shrsi %bitcast3A_219, %shift_right_arithmetic3A_224 : vector<16xi32>
    %and3A_226 = arith.constant 1 : i32
    %and3A_227 = vector.broadcast %and3A_226 : i32 to vector<16xi32>
    %and3A_228 = arith.andi %shift_right_arithmetic3A_225, %and3A_227 : vector<16xi32>
    %add3A_229 = arith.addi %add3A_222, %and3A_228 : vector<16xi32>
    %and3A_230 = arith.constant -65536 : i32
    %and3A_231 = vector.broadcast %and3A_230 : i32 to vector<16xi32>
    %and3A_232 = arith.andi %add3A_229, %and3A_231 : vector<16xi32>
    %bitcast3A_233 = vector.bitcast %and3A_232 : vector<16xi32> to vector<16xf32>
    tpu.vector_store_idx %arg18[%add3A_214], %bitcast3A_233 : memref<192xf32, #tpu.memory_space<vmem>>[vector<16xi32>], vector<16xf32>,
    %add3A_234 = arith.constant 6 : i32
    %add3A_235 = vector.broadcast %add3A_234 : i32 to vector<16xi32>
    %add3A_236 = arith.addi %mul3A_84, %add3A_235 : vector<16xi32>
    %bitcast3A_237 = vector.bitcast %mul3A_70 : vector<16xf32> to vector<16xi32>
    %add3A_238 = arith.constant 32767 : i32
    %add3A_239 = vector.broadcast %add3A_238 : i32 to vector<16xi32>
    %add3A_240 = arith.addi %bitcast3A_237, %add3A_239 : vector<16xi32>
    %shift_right_arithmetic3A_241 = arith.constant 16 : i32
    %shift_right_arithmetic3A_242 = vector.broadcast %shift_right_arithmetic3A_241 : i32 to vector<16xi32>
    %shift_right_arithmetic3A_243 = arith.shrsi %bitcast3A_237, %shift_right_arithmetic3A_242 : vector<16xi32>
    %and3A_244 = arith.constant 1 : i32
    %and3A_245 = vector.broadcast %and3A_244 : i32 to vector<16xi32>
    %and3A_246 = arith.andi %shift_right_arithmetic3A_243, %and3A_245 : vector<16xi32>
    %add3A_247 = arith.addi %add3A_240, %and3A_246 : vector<16xi32>
    %and3A_248 = arith.constant -65536 : i32
    %and3A_249 = vector.broadcast %and3A_248 : i32 to vector<16xi32>
    %and3A_250 = arith.andi %add3A_247, %and3A_249 : vector<16xi32>
    %bitcast3A_251 = vector.bitcast %and3A_250 : vector<16xi32> to vector<16xf32>
    tpu.vector_store_idx %arg18[%add3A_236], %bitcast3A_251 : memref<192xf32, #tpu.memory_space<vmem>>[vector<16xi32>], vector<16xf32>,
    %add3A_252 = arith.constant 7 : i32
    %add3A_253 = vector.broadcast %add3A_252 : i32 to vector<16xi32>
    %add3A_254 = arith.addi %mul3A_84, %add3A_253 : vector<16xi32>
    %bitcast3A_255 = vector.bitcast %mul3A_74 : vector<16xf32> to vector<16xi32>
    %add3A_256 = arith.constant 32767 : i32
    %add3A_257 = vector.broadcast %add3A_256 : i32 to vector<16xi32>
    %add3A_258 = arith.addi %bitcast3A_255, %add3A_257 : vector<16xi32>
    %shift_right_arithmetic3A_259 = arith.constant 16 : i32
    %shift_right_arithmetic3A_260 = vector.broadcast %shift_right_arithmetic3A_259 : i32 to vector<16xi32>
    %shift_right_arithmetic3A_261 = arith.shrsi %bitcast3A_255, %shift_right_arithmetic3A_260 : vector<16xi32>
    %and3A_262 = arith.constant 1 : i32
    %and3A_263 = vector.broadcast %and3A_262 : i32 to vector<16xi32>
    %and3A_264 = arith.andi %shift_right_arithmetic3A_261, %and3A_263 : vector<16xi32>
    %add3A_265 = arith.addi %add3A_258, %and3A_264 : vector<16xi32>
    %and3A_266 = arith.constant -65536 : i32
    %and3A_267 = vector.broadcast %and3A_266 : i32 to vector<16xi32>
    %and3A_268 = arith.andi %add3A_265, %and3A_267 : vector<16xi32>
    %bitcast3A_269 = vector.bitcast %and3A_268 : vector<16xi32> to vector<16xf32>
    tpu.vector_store_idx %arg18[%add3A_254], %bitcast3A_269 : memref<192xf32, #tpu.memory_space<vmem>>[vector<16xi32>], vector<16xf32>,
    %add3A_270 = arith.constant 8 : i32
    %add3A_271 = vector.broadcast %add3A_270 : i32 to vector<16xi32>
    %add3A_272 = arith.addi %mul3A_84, %add3A_271 : vector<16xi32>
    %bitcast3A_273 = vector.bitcast %sub3A_81 : vector<16xf32> to vector<16xi32>
    %add3A_274 = arith.constant 32767 : i32
    %add3A_275 = vector.broadcast %add3A_274 : i32 to vector<16xi32>
    %add3A_276 = arith.addi %bitcast3A_273, %add3A_275 : vector<16xi32>
    %shift_right_arithmetic3A_277 = arith.constant 16 : i32
    %shift_right_arithmetic3A_278 = vector.broadcast %shift_right_arithmetic3A_277 : i32 to vector<16xi32>
    %shift_right_arithmetic3A_279 = arith.shrsi %bitcast3A_273, %shift_right_arithmetic3A_278 : vector<16xi32>
    %and3A_280 = arith.constant 1 : i32
    %and3A_281 = vector.broadcast %and3A_280 : i32 to vector<16xi32>
    %and3A_282 = arith.andi %shift_right_arithmetic3A_279, %and3A_281 : vector<16xi32>
    %add3A_283 = arith.addi %add3A_276, %and3A_282 : vector<16xi32>
    %and3A_284 = arith.constant -65536 : i32
    %and3A_285 = vector.broadcast %and3A_284 : i32 to vector<16xi32>
    %and3A_286 = arith.andi %add3A_283, %and3A_285 : vector<16xi32>
    %bitcast3A_287 = vector.bitcast %and3A_286 : vector<16xi32> to vector<16xf32>
    tpu.vector_store_idx %arg18[%add3A_272], %bitcast3A_287 : memref<192xf32, #tpu.memory_space<vmem>>[vector<16xi32>], vector<16xf32>,
    %add3A_288 = arith.constant 11 : i32
    %add3A_289 = vector.broadcast %add3A_288 : i32 to vector<16xi32>
    %add3A_290 = arith.addi %mul3A_84, %add3A_289 : vector<16xi32>
    %add3A_291 = arith.constant 2 : i32
    %add3A_292 = vector.broadcast %add3A_291 : i32 to vector<16xi32>
    %add3A_293 = arith.addi %mul3A_13, %add3A_292 : vector<16xi32>
    %gather3A_294 = tpu.vector_load_idx %arg15[%add3A_293] : memref<64xf32, #tpu.memory_space<vmem>>[vector<16xi32>], vector<16xf32>,
    %bitcast3A_295 = vector.bitcast %gather3A_294 : vector<16xf32> to vector<16xi32>
    %add3A_296 = arith.constant 32767 : i32
    %add3A_297 = vector.broadcast %add3A_296 : i32 to vector<16xi32>
    %add3A_298 = arith.addi %bitcast3A_295, %add3A_297 : vector<16xi32>
    %shift_right_arithmetic3A_299 = arith.constant 16 : i32
    %shift_right_arithmetic3A_300 = vector.broadcast %shift_right_arithmetic3A_299 : i32 to vector<16xi32>
    %shift_right_arithmetic3A_301 = arith.shrsi %bitcast3A_295, %shift_right_arithmetic3A_300 : vector<16xi32>
    %and3A_302 = arith.constant 1 : i32
    %and3A_303 = vector.broadcast %and3A_302 : i32 to vector<16xi32>
    %and3A_304 = arith.andi %shift_right_arithmetic3A_301, %and3A_303 : vector<16xi32>
    %add3A_305 = arith.addi %add3A_298, %and3A_304 : vector<16xi32>
    %and3A_306 = arith.constant -65536 : i32
    %and3A_307 = vector.broadcast %and3A_306 : i32 to vector<16xi32>
    %and3A_308 = arith.andi %add3A_305, %and3A_307 : vector<16xi32>
    %bitcast3A_309 = vector.bitcast %and3A_308 : vector<16xi32> to vector<16xf32>
    tpu.vector_store_idx %arg18[%add3A_290], %bitcast3A_309 : memref<192xf32, #tpu.memory_space<vmem>>[vector<16xi32>], vector<16xf32>,
    %scan3A = arith.constant 0 : i32
    %scan3A_310 = arith.constant 0 : i32
    %scan3A_311 = arith.constant 20 : i32
    %scan3A_312 = arith.addi %scan3A_310, %scan3A_311 : i32
    %scan3A_313 = arith.constant 1 : i32
    scf.for %scan3A_338 = %scan3A_310 to %scan3A_312 step %scan3A_313  : i32 {
      %mul3A_339 = arith.constant 16 : i32
      %mul3A_340 = arith.muli %scan3A_338, %mul3A_339 : i32
      %add3A_341 = vector.broadcast %mul3A_340 : i32 to vector<16xi32>
      %add3A_342 = arith.addi %iota3A, %add3A_341 : vector<16xi32>
      %mul3A_343 = arith.constant 2 : i32
      %mul3A_344 = vector.broadcast %mul3A_343 : i32 to vector<16xi32>
      %mul3A_345 = arith.muli %add3A_342, %mul3A_344 : vector<16xi32>
      %gather3A_346 = tpu.vector_load_idx %arg16[%mul3A_345] : memref<640xi32, #tpu.memory_space<vmem>>[vector<16xi32>], vector<16xi32>,
      %mul3A_347 = arith.constant 8 : i32
      %mul3A_348 = vector.broadcast %mul3A_347 : i32 to vector<16xi32>
      %mul3A_349 = arith.muli %gather3A_346, %mul3A_348 : vector<16xi32>
      %add3A_350 = arith.constant 3 : i32
      %add3A_351 = vector.broadcast %add3A_350 : i32 to vector<16xi32>
      %add3A_352 = arith.addi %mul3A_349, %add3A_351 : vector<16xi32>
      %gather3A_353 = tpu.vector_load_idx %arg14[%add3A_352] : memref<8000xf32, #tpu.memory_space<vmem>>[vector<16xi32>], vector<16xf32>,
      %add3A_354 = arith.constant 4 : i32
      %add3A_355 = vector.broadcast %add3A_354 : i32 to vector<16xi32>
      %add3A_356 = arith.addi %mul3A_349, %add3A_355 : vector<16xi32>
      %gather3A_357 = tpu.vector_load_idx %arg14[%add3A_356] : memref<8000xf32, #tpu.memory_space<vmem>>[vector<16xi32>], vector<16xf32>,
      %add3A_358 = arith.constant 5 : i32
      %add3A_359 = vector.broadcast %add3A_358 : i32 to vector<16xi32>
      %add3A_360 = arith.addi %mul3A_349, %add3A_359 : vector<16xi32>
      %gather3A_361 = tpu.vector_load_idx %arg14[%add3A_360] : memref<8000xf32, #tpu.memory_space<vmem>>[vector<16xi32>], vector<16xf32>,
      %add3A_362 = arith.constant 6 : i32
      %add3A_363 = vector.broadcast %add3A_362 : i32 to vector<16xi32>
      %add3A_364 = arith.addi %mul3A_349, %add3A_363 : vector<16xi32>
      %gather3A_365 = tpu.vector_load_idx %arg14[%add3A_364] : memref<8000xf32, #tpu.memory_space<vmem>>[vector<16xi32>], vector<16xf32>,
      %mul3A_366 = arith.mulf %gather3A_353, %gather3A_353 : vector<16xf32>
      %mul3A_367 = arith.mulf %gather3A_357, %gather3A_357 : vector<16xf32>
      %add3A_368 = arith.addf %mul3A_366, %mul3A_367 : vector<16xf32>
      %mul3A_369 = arith.mulf %gather3A_361, %gather3A_361 : vector<16xf32>
      %mul3A_370 = arith.mulf %gather3A_365, %gather3A_365 : vector<16xf32>
      %add3A_371 = arith.addf %mul3A_369, %mul3A_370 : vector<16xf32>
      %add3A_372 = arith.addf %add3A_368, %add3A_371 : vector<16xf32>
      %div3A_373 = arith.constant 2.000000e+00 : f32
      %div3A_374 = vector.broadcast %div3A_373 : f32 to vector<16xf32>
      %div3A_375 = arith.divf %div3A_374, %add3A_372 : vector<16xf32>
      %mul3A_376 = arith.mulf %gather3A_357, %gather3A_357 : vector<16xf32>
      %mul3A_377 = arith.mulf %gather3A_361, %gather3A_361 : vector<16xf32>
      %add3A_378 = arith.addf %mul3A_376, %mul3A_377 : vector<16xf32>
      %mul3A_379 = arith.mulf %add3A_378, %div3A_375 : vector<16xf32>
      %sub3A_380 = arith.constant 1.000000e+00 : f32
      %sub3A_381 = vector.broadcast %sub3A_380 : f32 to vector<16xf32>
      %sub3A_382 = arith.subf %sub3A_381, %mul3A_379 : vector<16xf32>
      %mul3A_383 = arith.mulf %gather3A_353, %gather3A_357 : vector<16xf32>
      %mul3A_384 = arith.mulf %gather3A_365, %gather3A_361 : vector<16xf32>
      %sub3A_385 = arith.subf %mul3A_383, %mul3A_384 : vector<16xf32>
      %mul3A_386 = arith.mulf %sub3A_385, %div3A_375 : vector<16xf32>
      %mul3A_387 = arith.mulf %gather3A_353, %gather3A_361 : vector<16xf32>
      %mul3A_388 = arith.mulf %gather3A_365, %gather3A_357 : vector<16xf32>
      %add3A_389 = arith.addf %mul3A_387, %mul3A_388 : vector<16xf32>
      %mul3A_390 = arith.mulf %add3A_389, %div3A_375 : vector<16xf32>
      %mul3A_391 = arith.mulf %gather3A_353, %gather3A_357 : vector<16xf32>
      %mul3A_392 = arith.mulf %gather3A_365, %gather3A_361 : vector<16xf32>
      %add3A_393 = arith.addf %mul3A_391, %mul3A_392 : vector<16xf32>
      %mul3A_394 = arith.mulf %add3A_393, %div3A_375 : vector<16xf32>
      %mul3A_395 = arith.mulf %gather3A_353, %gather3A_353 : vector<16xf32>
      %mul3A_396 = arith.mulf %gather3A_361, %gather3A_361 : vector<16xf32>
      %add3A_397 = arith.addf %mul3A_395, %mul3A_396 : vector<16xf32>
      %mul3A_398 = arith.mulf %add3A_397, %div3A_375 : vector<16xf32>
      %sub3A_399 = arith.constant 1.000000e+00 : f32
      %sub3A_400 = vector.broadcast %sub3A_399 : f32 to vector<16xf32>
      %sub3A_401 = arith.subf %sub3A_400, %mul3A_398 : vector<16xf32>
      %mul3A_402 = arith.mulf %gather3A_357, %gather3A_361 : vector<16xf32>
      %mul3A_403 = arith.mulf %gather3A_365, %gather3A_353 : vector<16xf32>
      %sub3A_404 = arith.subf %mul3A_402, %mul3A_403 : vector<16xf32>
      %mul3A_405 = arith.mulf %sub3A_404, %div3A_375 : vector<16xf32>
      %mul3A_406 = arith.mulf %gather3A_353, %gather3A_361 : vector<16xf32>
      %mul3A_407 = arith.mulf %gather3A_365, %gather3A_357 : vector<16xf32>
      %sub3A_408 = arith.subf %mul3A_406, %mul3A_407 : vector<16xf32>
      %mul3A_409 = arith.mulf %sub3A_408, %div3A_375 : vector<16xf32>
      %mul3A_410 = arith.mulf %gather3A_357, %gather3A_361 : vector<16xf32>
      %mul3A_411 = arith.mulf %gather3A_365, %gather3A_353 : vector<16xf32>
      %add3A_412 = arith.addf %mul3A_410, %mul3A_411 : vector<16xf32>
      %mul3A_413 = arith.mulf %add3A_412, %div3A_375 : vector<16xf32>
      %mul3A_414 = arith.mulf %gather3A_353, %gather3A_353 : vector<16xf32>
      %mul3A_415 = arith.mulf %gather3A_357, %gather3A_357 : vector<16xf32>
      %add3A_416 = arith.addf %mul3A_414, %mul3A_415 : vector<16xf32>
      %mul3A_417 = arith.mulf %add3A_416, %div3A_375 : vector<16xf32>
      %sub3A_418 = arith.constant 1.000000e+00 : f32
      %sub3A_419 = vector.broadcast %sub3A_418 : f32 to vector<16xf32>
      %sub3A_420 = arith.subf %sub3A_419, %mul3A_417 : vector<16xf32>
      %mul3A_421 = arith.constant 12 : i32
      %mul3A_422 = vector.broadcast %mul3A_421 : i32 to vector<16xi32>
      %mul3A_423 = arith.muli %add3A_342, %mul3A_422 : vector<16xi32>
      %add3A_424 = arith.constant 0 : i32
      %add3A_425 = vector.broadcast %add3A_424 : i32 to vector<16xi32>
      %add3A_426 = arith.addi %mul3A_423, %add3A_425 : vector<16xi32>
      %bitcast3A_427 = vector.bitcast %sub3A_382 : vector<16xf32> to vector<16xi32>
      %add3A_428 = arith.constant 32767 : i32
      %add3A_429 = vector.broadcast %add3A_428 : i32 to vector<16xi32>
      %add3A_430 = arith.addi %bitcast3A_427, %add3A_429 : vector<16xi32>
      %shift_right_arithmetic3A_431 = arith.constant 16 : i32
      %shift_right_arithmetic3A_432 = vector.broadcast %shift_right_arithmetic3A_431 : i32 to vector<16xi32>
      %shift_right_arithmetic3A_433 = arith.shrsi %bitcast3A_427, %shift_right_arithmetic3A_432 : vector<16xi32>
      %and3A_434 = arith.constant 1 : i32
      %and3A_435 = vector.broadcast %and3A_434 : i32 to vector<16xi32>
      %and3A_436 = arith.andi %shift_right_arithmetic3A_433, %and3A_435 : vector<16xi32>
      %add3A_437 = arith.addi %add3A_430, %and3A_436 : vector<16xi32>
      %and3A_438 = arith.constant -65536 : i32
      %and3A_439 = vector.broadcast %and3A_438 : i32 to vector<16xi32>
      %and3A_440 = arith.andi %add3A_437, %and3A_439 : vector<16xi32>
      %bitcast3A_441 = vector.bitcast %and3A_440 : vector<16xi32> to vector<16xf32>
      tpu.vector_store_idx %arg19[%add3A_426], %bitcast3A_441 : memref<3840xf32, #tpu.memory_space<vmem>>[vector<16xi32>], vector<16xf32>,
      %add3A_442 = arith.constant 1 : i32
      %add3A_443 = vector.broadcast %add3A_442 : i32 to vector<16xi32>
      %add3A_444 = arith.addi %mul3A_423, %add3A_443 : vector<16xi32>
      %bitcast3A_445 = vector.bitcast %mul3A_386 : vector<16xf32> to vector<16xi32>
      %add3A_446 = arith.constant 32767 : i32
      %add3A_447 = vector.broadcast %add3A_446 : i32 to vector<16xi32>
      %add3A_448 = arith.addi %bitcast3A_445, %add3A_447 : vector<16xi32>
      %shift_right_arithmetic3A_449 = arith.constant 16 : i32
      %shift_right_arithmetic3A_450 = vector.broadcast %shift_right_arithmetic3A_449 : i32 to vector<16xi32>
      %shift_right_arithmetic3A_451 = arith.shrsi %bitcast3A_445, %shift_right_arithmetic3A_450 : vector<16xi32>
      %and3A_452 = arith.constant 1 : i32
      %and3A_453 = vector.broadcast %and3A_452 : i32 to vector<16xi32>
      %and3A_454 = arith.andi %shift_right_arithmetic3A_451, %and3A_453 : vector<16xi32>
      %add3A_455 = arith.addi %add3A_448, %and3A_454 : vector<16xi32>
      %and3A_456 = arith.constant -65536 : i32
      %and3A_457 = vector.broadcast %and3A_456 : i32 to vector<16xi32>
      %and3A_458 = arith.andi %add3A_455, %and3A_457 : vector<16xi32>
      %bitcast3A_459 = vector.bitcast %and3A_458 : vector<16xi32> to vector<16xf32>
      tpu.vector_store_idx %arg19[%add3A_444], %bitcast3A_459 : memref<3840xf32, #tpu.memory_space<vmem>>[vector<16xi32>], vector<16xf32>,
      %add3A_460 = arith.constant 2 : i32
      %add3A_461 = vector.broadcast %add3A_460 : i32 to vector<16xi32>
      %add3A_462 = arith.addi %mul3A_423, %add3A_461 : vector<16xi32>
      %bitcast3A_463 = vector.bitcast %mul3A_390 : vector<16xf32> to vector<16xi32>
      %add3A_464 = arith.constant 32767 : i32
      %add3A_465 = vector.broadcast %add3A_464 : i32 to vector<16xi32>
      %add3A_466 = arith.addi %bitcast3A_463, %add3A_465 : vector<16xi32>
      %shift_right_arithmetic3A_467 = arith.constant 16 : i32
      %shift_right_arithmetic3A_468 = vector.broadcast %shift_right_arithmetic3A_467 : i32 to vector<16xi32>
      %shift_right_arithmetic3A_469 = arith.shrsi %bitcast3A_463, %shift_right_arithmetic3A_468 : vector<16xi32>
      %and3A_470 = arith.constant 1 : i32
      %and3A_471 = vector.broadcast %and3A_470 : i32 to vector<16xi32>
      %and3A_472 = arith.andi %shift_right_arithmetic3A_469, %and3A_471 : vector<16xi32>
      %add3A_473 = arith.addi %add3A_466, %and3A_472 : vector<16xi32>
      %and3A_474 = arith.constant -65536 : i32
      %and3A_475 = vector.broadcast %and3A_474 : i32 to vector<16xi32>
      %and3A_476 = arith.andi %add3A_473, %and3A_475 : vector<16xi32>
      %bitcast3A_477 = vector.bitcast %and3A_476 : vector<16xi32> to vector<16xf32>
      tpu.vector_store_idx %arg19[%add3A_462], %bitcast3A_477 : memref<3840xf32, #tpu.memory_space<vmem>>[vector<16xi32>], vector<16xf32>,
      %add3A_478 = arith.constant 9 : i32
      %add3A_479 = vector.broadcast %add3A_478 : i32 to vector<16xi32>
      %add3A_480 = arith.addi %mul3A_423, %add3A_479 : vector<16xi32>
      %add3A_481 = arith.constant 0 : i32
      %add3A_482 = vector.broadcast %add3A_481 : i32 to vector<16xi32>
      %add3A_483 = arith.addi %mul3A_349, %add3A_482 : vector<16xi32>
      %gather3A_484 = tpu.vector_load_idx %arg14[%add3A_483] : memref<8000xf32, #tpu.memory_space<vmem>>[vector<16xi32>], vector<16xf32>,
      tpu.vector_store_idx %arg19[%add3A_480], %gather3A_484 : memref<3840xf32, #tpu.memory_space<vmem>>[vector<16xi32>], vector<16xf32>,
      %add3A_485 = arith.constant 3 : i32
      %add3A_486 = vector.broadcast %add3A_485 : i32 to vector<16xi32>
      %add3A_487 = arith.addi %mul3A_423, %add3A_486 : vector<16xi32>
      %bitcast3A_488 = vector.bitcast %mul3A_394 : vector<16xf32> to vector<16xi32>
      %add3A_489 = arith.constant 32767 : i32
      %add3A_490 = vector.broadcast %add3A_489 : i32 to vector<16xi32>
      %add3A_491 = arith.addi %bitcast3A_488, %add3A_490 : vector<16xi32>
      %shift_right_arithmetic3A_492 = arith.constant 16 : i32
      %shift_right_arithmetic3A_493 = vector.broadcast %shift_right_arithmetic3A_492 : i32 to vector<16xi32>
      %shift_right_arithmetic3A_494 = arith.shrsi %bitcast3A_488, %shift_right_arithmetic3A_493 : vector<16xi32>
      %and3A_495 = arith.constant 1 : i32
      %and3A_496 = vector.broadcast %and3A_495 : i32 to vector<16xi32>
      %and3A_497 = arith.andi %shift_right_arithmetic3A_494, %and3A_496 : vector<16xi32>
      %add3A_498 = arith.addi %add3A_491, %and3A_497 : vector<16xi32>
      %and3A_499 = arith.constant -65536 : i32
      %and3A_500 = vector.broadcast %and3A_499 : i32 to vector<16xi32>
      %and3A_501 = arith.andi %add3A_498, %and3A_500 : vector<16xi32>
      %bitcast3A_502 = vector.bitcast %and3A_501 : vector<16xi32> to vector<16xf32>
      tpu.vector_store_idx %arg19[%add3A_487], %bitcast3A_502 : memref<3840xf32, #tpu.memory_space<vmem>>[vector<16xi32>], vector<16xf32>,
      %add3A_503 = arith.constant 4 : i32
      %add3A_504 = vector.broadcast %add3A_503 : i32 to vector<16xi32>
      %add3A_505 = arith.addi %mul3A_423, %add3A_504 : vector<16xi32>
      %bitcast3A_506 = vector.bitcast %sub3A_401 : vector<16xf32> to vector<16xi32>
      %add3A_507 = arith.constant 32767 : i32
      %add3A_508 = vector.broadcast %add3A_507 : i32 to vector<16xi32>
      %add3A_509 = arith.addi %bitcast3A_506, %add3A_508 : vector<16xi32>
      %shift_right_arithmetic3A_510 = arith.constant 16 : i32
      %shift_right_arithmetic3A_511 = vector.broadcast %shift_right_arithmetic3A_510 : i32 to vector<16xi32>
      %shift_right_arithmetic3A_512 = arith.shrsi %bitcast3A_506, %shift_right_arithmetic3A_511 : vector<16xi32>
      %and3A_513 = arith.constant 1 : i32
      %and3A_514 = vector.broadcast %and3A_513 : i32 to vector<16xi32>
      %and3A_515 = arith.andi %shift_right_arithmetic3A_512, %and3A_514 : vector<16xi32>
      %add3A_516 = arith.addi %add3A_509, %and3A_515 : vector<16xi32>
      %and3A_517 = arith.constant -65536 : i32
      %and3A_518 = vector.broadcast %and3A_517 : i32 to vector<16xi32>
      %and3A_519 = arith.andi %add3A_516, %and3A_518 : vector<16xi32>
      %bitcast3A_520 = vector.bitcast %and3A_519 : vector<16xi32> to vector<16xf32>
      tpu.vector_store_idx %arg19[%add3A_505], %bitcast3A_520 : memref<3840xf32, #tpu.memory_space<vmem>>[vector<16xi32>], vector<16xf32>,
      %add3A_521 = arith.constant 5 : i32
      %add3A_522 = vector.broadcast %add3A_521 : i32 to vector<16xi32>
      %add3A_523 = arith.addi %mul3A_423, %add3A_522 : vector<16xi32>
      %bitcast3A_524 = vector.bitcast %mul3A_405 : vector<16xf32> to vector<16xi32>
      %add3A_525 = arith.constant 32767 : i32
      %add3A_526 = vector.broadcast %add3A_525 : i32 to vector<16xi32>
      %add3A_527 = arith.addi %bitcast3A_524, %add3A_526 : vector<16xi32>
      %shift_right_arithmetic3A_528 = arith.constant 16 : i32
      %shift_right_arithmetic3A_529 = vector.broadcast %shift_right_arithmetic3A_528 : i32 to vector<16xi32>
      %shift_right_arithmetic3A_530 = arith.shrsi %bitcast3A_524, %shift_right_arithmetic3A_529 : vector<16xi32>
      %and3A_531 = arith.constant 1 : i32
      %and3A_532 = vector.broadcast %and3A_531 : i32 to vector<16xi32>
      %and3A_533 = arith.andi %shift_right_arithmetic3A_530, %and3A_532 : vector<16xi32>
      %add3A_534 = arith.addi %add3A_527, %and3A_533 : vector<16xi32>
      %and3A_535 = arith.constant -65536 : i32
      %and3A_536 = vector.broadcast %and3A_535 : i32 to vector<16xi32>
      %and3A_537 = arith.andi %add3A_534, %and3A_536 : vector<16xi32>
      %bitcast3A_538 = vector.bitcast %and3A_537 : vector<16xi32> to vector<16xf32>
      tpu.vector_store_idx %arg19[%add3A_523], %bitcast3A_538 : memref<3840xf32, #tpu.memory_space<vmem>>[vector<16xi32>], vector<16xf32>,
      %add3A_539 = arith.constant 10 : i32
      %add3A_540 = vector.broadcast %add3A_539 : i32 to vector<16xi32>
      %add3A_541 = arith.addi %mul3A_423, %add3A_540 : vector<16xi32>
      %add3A_542 = arith.constant 1 : i32
      %add3A_543 = vector.broadcast %add3A_542 : i32 to vector<16xi32>
      %add3A_544 = arith.addi %mul3A_349, %add3A_543 : vector<16xi32>
      %gather3A_545 = tpu.vector_load_idx %arg14[%add3A_544] : memref<8000xf32, #tpu.memory_space<vmem>>[vector<16xi32>], vector<16xf32>,
      tpu.vector_store_idx %arg19[%add3A_541], %gather3A_545 : memref<3840xf32, #tpu.memory_space<vmem>>[vector<16xi32>], vector<16xf32>,
      %add3A_546 = arith.constant 6 : i32
      %add3A_547 = vector.broadcast %add3A_546 : i32 to vector<16xi32>
      %add3A_548 = arith.addi %mul3A_423, %add3A_547 : vector<16xi32>
      %bitcast3A_549 = vector.bitcast %mul3A_409 : vector<16xf32> to vector<16xi32>
      %add3A_550 = arith.constant 32767 : i32
      %add3A_551 = vector.broadcast %add3A_550 : i32 to vector<16xi32>
      %add3A_552 = arith.addi %bitcast3A_549, %add3A_551 : vector<16xi32>
      %shift_right_arithmetic3A_553 = arith.constant 16 : i32
      %shift_right_arithmetic3A_554 = vector.broadcast %shift_right_arithmetic3A_553 : i32 to vector<16xi32>
      %shift_right_arithmetic3A_555 = arith.shrsi %bitcast3A_549, %shift_right_arithmetic3A_554 : vector<16xi32>
      %and3A_556 = arith.constant 1 : i32
      %and3A_557 = vector.broadcast %and3A_556 : i32 to vector<16xi32>
      %and3A_558 = arith.andi %shift_right_arithmetic3A_555, %and3A_557 : vector<16xi32>
      %add3A_559 = arith.addi %add3A_552, %and3A_558 : vector<16xi32>
      %and3A_560 = arith.constant -65536 : i32
      %and3A_561 = vector.broadcast %and3A_560 : i32 to vector<16xi32>
      %and3A_562 = arith.andi %add3A_559, %and3A_561 : vector<16xi32>
      %bitcast3A_563 = vector.bitcast %and3A_562 : vector<16xi32> to vector<16xf32>
      tpu.vector_store_idx %arg19[%add3A_548], %bitcast3A_563 : memref<3840xf32, #tpu.memory_space<vmem>>[vector<16xi32>], vector<16xf32>,
      %add3A_564 = arith.constant 7 : i32
      %add3A_565 = vector.broadcast %add3A_564 : i32 to vector<16xi32>
      %add3A_566 = arith.addi %mul3A_423, %add3A_565 : vector<16xi32>
      %bitcast3A_567 = vector.bitcast %mul3A_413 : vector<16xf32> to vector<16xi32>
      %add3A_568 = arith.constant 32767 : i32
      %add3A_569 = vector.broadcast %add3A_568 : i32 to vector<16xi32>
      %add3A_570 = arith.addi %bitcast3A_567, %add3A_569 : vector<16xi32>
      %shift_right_arithmetic3A_571 = arith.constant 16 : i32
      %shift_right_arithmetic3A_572 = vector.broadcast %shift_right_arithmetic3A_571 : i32 to vector<16xi32>
      %shift_right_arithmetic3A_573 = arith.shrsi %bitcast3A_567, %shift_right_arithmetic3A_572 : vector<16xi32>
      %and3A_574 = arith.constant 1 : i32
      %and3A_575 = vector.broadcast %and3A_574 : i32 to vector<16xi32>
      %and3A_576 = arith.andi %shift_right_arithmetic3A_573, %and3A_575 : vector<16xi32>
      %add3A_577 = arith.addi %add3A_570, %and3A_576 : vector<16xi32>
      %and3A_578 = arith.constant -65536 : i32
      %and3A_579 = vector.broadcast %and3A_578 : i32 to vector<16xi32>
      %and3A_580 = arith.andi %add3A_577, %and3A_579 : vector<16xi32>
      %bitcast3A_581 = vector.bitcast %and3A_580 : vector<16xi32> to vector<16xf32>
      tpu.vector_store_idx %arg19[%add3A_566], %bitcast3A_581 : memref<3840xf32, #tpu.memory_space<vmem>>[vector<16xi32>], vector<16xf32>,
      %add3A_582 = arith.constant 8 : i32
      %add3A_583 = vector.broadcast %add3A_582 : i32 to vector<16xi32>
      %add3A_584 = arith.addi %mul3A_423, %add3A_583 : vector<16xi32>
      %bitcast3A_585 = vector.bitcast %sub3A_420 : vector<16xf32> to vector<16xi32>
      %add3A_586 = arith.constant 32767 : i32
      %add3A_587 = vector.broadcast %add3A_586 : i32 to vector<16xi32>
      %add3A_588 = arith.addi %bitcast3A_585, %add3A_587 : vector<16xi32>
      %shift_right_arithmetic3A_589 = arith.constant 16 : i32
      %shift_right_arithmetic3A_590 = vector.broadcast %shift_right_arithmetic3A_589 : i32 to vector<16xi32>
      %shift_right_arithmetic3A_591 = arith.shrsi %bitcast3A_585, %shift_right_arithmetic3A_590 : vector<16xi32>
      %and3A_592 = arith.constant 1 : i32
      %and3A_593 = vector.broadcast %and3A_592 : i32 to vector<16xi32>
      %and3A_594 = arith.andi %shift_right_arithmetic3A_591, %and3A_593 : vector<16xi32>
      %add3A_595 = arith.addi %add3A_588, %and3A_594 : vector<16xi32>
      %and3A_596 = arith.constant -65536 : i32
      %and3A_597 = vector.broadcast %and3A_596 : i32 to vector<16xi32>
      %and3A_598 = arith.andi %add3A_595, %and3A_597 : vector<16xi32>
      %bitcast3A_599 = vector.bitcast %and3A_598 : vector<16xi32> to vector<16xf32>
      tpu.vector_store_idx %arg19[%add3A_584], %bitcast3A_599 : memref<3840xf32, #tpu.memory_space<vmem>>[vector<16xi32>], vector<16xf32>,
      %add3A_600 = arith.constant 11 : i32
      %add3A_601 = vector.broadcast %add3A_600 : i32 to vector<16xi32>
      %add3A_602 = arith.addi %mul3A_423, %add3A_601 : vector<16xi32>
      %add3A_603 = arith.constant 2 : i32
      %add3A_604 = vector.broadcast %add3A_603 : i32 to vector<16xi32>
      %add3A_605 = arith.addi %mul3A_349, %add3A_604 : vector<16xi32>
      %gather3A_606 = tpu.vector_load_idx %arg14[%add3A_605] : memref<8000xf32, #tpu.memory_space<vmem>>[vector<16xi32>], vector<16xf32>,
      tpu.vector_store_idx %arg19[%add3A_602], %gather3A_606 : memref<3840xf32, #tpu.memory_space<vmem>>[vector<16xi32>], vector<16xf32>,
    }
    %scan3A_314 = arith.constant 20 : i32
    %scan3A_315 = arith.constant 0 : i32
    %scan3A_316 = arith.constant 0 : i32
    %scan3A_317 = arith.constant 20 : i32
    %scan3A_318 = arith.addi %scan3A_316, %scan3A_317 : i32
    %scan3A_319 = arith.constant 1 : i32
    scf.for %scan3A_338 = %scan3A_316 to %scan3A_318 step %scan3A_319  : i32 {
      %mul3A_339 = arith.constant 16 : i32
      %mul3A_340 = arith.muli %scan3A_338, %mul3A_339 : i32
      %add3A_341 = vector.broadcast %mul3A_340 : i32 to vector<16xi32>
      %add3A_342 = arith.addi %iota3A, %add3A_341 : vector<16xi32>
      %mul3A_343 = arith.constant 2 : i32
      %mul3A_344 = vector.broadcast %mul3A_343 : i32 to vector<16xi32>
      %mul3A_345 = arith.muli %add3A_342, %mul3A_344 : vector<16xi32>
      %add3A_346 = arith.constant 1 : i32
      %add3A_347 = vector.broadcast %add3A_346 : i32 to vector<16xi32>
      %add3A_348 = arith.addi %mul3A_345, %add3A_347 : vector<16xi32>
      %gather3A_349 = tpu.vector_load_idx %arg16[%add3A_348] : memref<640xi32, #tpu.memory_space<vmem>>[vector<16xi32>], vector<16xi32>,
      %ge3A = arith.constant 0 : i32
      %ge3A_350 = vector.broadcast %ge3A : i32 to vector<16xi32>
      %ge3A_351 = arith.cmpi sge, %gather3A_349, %ge3A_350 : vector<16xi32>
      %max3A = arith.constant 0 : i32
      %max3A_352 = vector.broadcast %max3A : i32 to vector<16xi32>
      %max3A_353 = arith.maxsi %gather3A_349, %max3A_352 : vector<16xi32>
      %mul3A_354 = arith.constant 12 : i32
      %mul3A_355 = vector.broadcast %mul3A_354 : i32 to vector<16xi32>
      %mul3A_356 = arith.muli %max3A_353, %mul3A_355 : vector<16xi32>
      %mul3A_357 = arith.constant 12 : i32
      %mul3A_358 = vector.broadcast %mul3A_357 : i32 to vector<16xi32>
      %mul3A_359 = arith.muli %add3A_342, %mul3A_358 : vector<16xi32>
      %add3A_360 = arith.constant 0 : i32
      %add3A_361 = vector.broadcast %add3A_360 : i32 to vector<16xi32>
      %add3A_362 = arith.addi %mul3A_359, %add3A_361 : vector<16xi32>
      %gather3A_363 = tpu.vector_load_idx %arg19[%add3A_362] : memref<3840xf32, #tpu.memory_space<vmem>>[vector<16xi32>], vector<16xf32>,
      %add3A_364 = arith.constant 1 : i32
      %add3A_365 = vector.broadcast %add3A_364 : i32 to vector<16xi32>
      %add3A_366 = arith.addi %mul3A_359, %add3A_365 : vector<16xi32>
      %gather3A_367 = tpu.vector_load_idx %arg19[%add3A_366] : memref<3840xf32, #tpu.memory_space<vmem>>[vector<16xi32>], vector<16xf32>,
      %add3A_368 = arith.constant 2 : i32
      %add3A_369 = vector.broadcast %add3A_368 : i32 to vector<16xi32>
      %add3A_370 = arith.addi %mul3A_359, %add3A_369 : vector<16xi32>
      %gather3A_371 = tpu.vector_load_idx %arg19[%add3A_370] : memref<3840xf32, #tpu.memory_space<vmem>>[vector<16xi32>], vector<16xf32>,
      %add3A_372 = arith.constant 3 : i32
      %add3A_373 = vector.broadcast %add3A_372 : i32 to vector<16xi32>
      %add3A_374 = arith.addi %mul3A_359, %add3A_373 : vector<16xi32>
      %gather3A_375 = tpu.vector_load_idx %arg19[%add3A_374] : memref<3840xf32, #tpu.memory_space<vmem>>[vector<16xi32>], vector<16xf32>,
      %add3A_376 = arith.constant 4 : i32
      %add3A_377 = vector.broadcast %add3A_376 : i32 to vector<16xi32>
      %add3A_378 = arith.addi %mul3A_359, %add3A_377 : vector<16xi32>
      %gather3A_379 = tpu.vector_load_idx %arg19[%add3A_378] : memref<3840xf32, #tpu.memory_space<vmem>>[vector<16xi32>], vector<16xf32>,
      %add3A_380 = arith.constant 5 : i32
      %add3A_381 = vector.broadcast %add3A_380 : i32 to vector<16xi32>
      %add3A_382 = arith.addi %mul3A_359, %add3A_381 : vector<16xi32>
      %gather3A_383 = tpu.vector_load_idx %arg19[%add3A_382] : memref<3840xf32, #tpu.memory_space<vmem>>[vector<16xi32>], vector<16xf32>,
      %add3A_384 = arith.constant 6 : i32
      %add3A_385 = vector.broadcast %add3A_384 : i32 to vector<16xi32>
      %add3A_386 = arith.addi %mul3A_359, %add3A_385 : vector<16xi32>
      %gather3A_387 = tpu.vector_load_idx %arg19[%add3A_386] : memref<3840xf32, #tpu.memory_space<vmem>>[vector<16xi32>], vector<16xf32>,
      %add3A_388 = arith.constant 7 : i32
      %add3A_389 = vector.broadcast %add3A_388 : i32 to vector<16xi32>
      %add3A_390 = arith.addi %mul3A_359, %add3A_389 : vector<16xi32>
      %gather3A_391 = tpu.vector_load_idx %arg19[%add3A_390] : memref<3840xf32, #tpu.memory_space<vmem>>[vector<16xi32>], vector<16xf32>,
      %add3A_392 = arith.constant 8 : i32
      %add3A_393 = vector.broadcast %add3A_392 : i32 to vector<16xi32>
      %add3A_394 = arith.addi %mul3A_359, %add3A_393 : vector<16xi32>
      %gather3A_395 = tpu.vector_load_idx %arg19[%add3A_394] : memref<3840xf32, #tpu.memory_space<vmem>>[vector<16xi32>], vector<16xf32>,
      %add3A_396 = arith.constant 9 : i32
      %add3A_397 = vector.broadcast %add3A_396 : i32 to vector<16xi32>
      %add3A_398 = arith.addi %mul3A_359, %add3A_397 : vector<16xi32>
      %gather3A_399 = tpu.vector_load_idx %arg19[%add3A_398] : memref<3840xf32, #tpu.memory_space<vmem>>[vector<16xi32>], vector<16xf32>,
      %add3A_400 = arith.constant 10 : i32
      %add3A_401 = vector.broadcast %add3A_400 : i32 to vector<16xi32>
      %add3A_402 = arith.addi %mul3A_359, %add3A_401 : vector<16xi32>
      %gather3A_403 = tpu.vector_load_idx %arg19[%add3A_402] : memref<3840xf32, #tpu.memory_space<vmem>>[vector<16xi32>], vector<16xf32>,
      %add3A_404 = arith.constant 11 : i32
      %add3A_405 = vector.broadcast %add3A_404 : i32 to vector<16xi32>
      %add3A_406 = arith.addi %mul3A_359, %add3A_405 : vector<16xi32>
      %gather3A_407 = tpu.vector_load_idx %arg19[%add3A_406] : memref<3840xf32, #tpu.memory_space<vmem>>[vector<16xi32>], vector<16xf32>,
      %add3A_408 = arith.constant 0 : i32
      %add3A_409 = vector.broadcast %add3A_408 : i32 to vector<16xi32>
      %add3A_410 = arith.addi %mul3A_356, %add3A_409 : vector<16xi32>
      %gather3A_411 = tpu.vector_load_idx %arg18[%add3A_410] : memref<192xf32, #tpu.memory_space<vmem>>[vector<16xi32>], vector<16xf32>,
      %add3A_412 = arith.constant 1 : i32
      %add3A_413 = vector.broadcast %add3A_412 : i32 to vector<16xi32>
      %add3A_414 = arith.addi %mul3A_356, %add3A_413 : vector<16xi32>
      %gather3A_415 = tpu.vector_load_idx %arg18[%add3A_414] : memref<192xf32, #tpu.memory_space<vmem>>[vector<16xi32>], vector<16xf32>,
      %add3A_416 = arith.constant 2 : i32
      %add3A_417 = vector.broadcast %add3A_416 : i32 to vector<16xi32>
      %add3A_418 = arith.addi %mul3A_356, %add3A_417 : vector<16xi32>
      %gather3A_419 = tpu.vector_load_idx %arg18[%add3A_418] : memref<192xf32, #tpu.memory_space<vmem>>[vector<16xi32>], vector<16xf32>,
      %add3A_420 = arith.constant 3 : i32
      %add3A_421 = vector.broadcast %add3A_420 : i32 to vector<16xi32>
      %add3A_422 = arith.addi %mul3A_356, %add3A_421 : vector<16xi32>
      %gather3A_423 = tpu.vector_load_idx %arg18[%add3A_422] : memref<192xf32, #tpu.memory_space<vmem>>[vector<16xi32>], vector<16xf32>,
      %add3A_424 = arith.constant 4 : i32
      %add3A_425 = vector.broadcast %add3A_424 : i32 to vector<16xi32>
      %add3A_426 = arith.addi %mul3A_356, %add3A_425 : vector<16xi32>
      %gather3A_427 = tpu.vector_load_idx %arg18[%add3A_426] : memref<192xf32, #tpu.memory_space<vmem>>[vector<16xi32>], vector<16xf32>,
      %add3A_428 = arith.constant 5 : i32
      %add3A_429 = vector.broadcast %add3A_428 : i32 to vector<16xi32>
      %add3A_430 = arith.addi %mul3A_356, %add3A_429 : vector<16xi32>
      %gather3A_431 = tpu.vector_load_idx %arg18[%add3A_430] : memref<192xf32, #tpu.memory_space<vmem>>[vector<16xi32>], vector<16xf32>,
      %add3A_432 = arith.constant 6 : i32
      %add3A_433 = vector.broadcast %add3A_432 : i32 to vector<16xi32>
      %add3A_434 = arith.addi %mul3A_356, %add3A_433 : vector<16xi32>
      %gather3A_435 = tpu.vector_load_idx %arg18[%add3A_434] : memref<192xf32, #tpu.memory_space<vmem>>[vector<16xi32>], vector<16xf32>,
      %add3A_436 = arith.constant 7 : i32
      %add3A_437 = vector.broadcast %add3A_436 : i32 to vector<16xi32>
      %add3A_438 = arith.addi %mul3A_356, %add3A_437 : vector<16xi32>
      %gather3A_439 = tpu.vector_load_idx %arg18[%add3A_438] : memref<192xf32, #tpu.memory_space<vmem>>[vector<16xi32>], vector<16xf32>,
      %add3A_440 = arith.constant 8 : i32
      %add3A_441 = vector.broadcast %add3A_440 : i32 to vector<16xi32>
      %add3A_442 = arith.addi %mul3A_356, %add3A_441 : vector<16xi32>
      %gather3A_443 = tpu.vector_load_idx %arg18[%add3A_442] : memref<192xf32, #tpu.memory_space<vmem>>[vector<16xi32>], vector<16xf32>,
      %add3A_444 = arith.constant 9 : i32
      %add3A_445 = vector.broadcast %add3A_444 : i32 to vector<16xi32>
      %add3A_446 = arith.addi %mul3A_356, %add3A_445 : vector<16xi32>
      %gather3A_447 = tpu.vector_load_idx %arg18[%add3A_446] : memref<192xf32, #tpu.memory_space<vmem>>[vector<16xi32>], vector<16xf32>,
      %add3A_448 = arith.constant 10 : i32
      %add3A_449 = vector.broadcast %add3A_448 : i32 to vector<16xi32>
      %add3A_450 = arith.addi %mul3A_356, %add3A_449 : vector<16xi32>
      %gather3A_451 = tpu.vector_load_idx %arg18[%add3A_450] : memref<192xf32, #tpu.memory_space<vmem>>[vector<16xi32>], vector<16xf32>,
      %add3A_452 = arith.constant 11 : i32
      %add3A_453 = vector.broadcast %add3A_452 : i32 to vector<16xi32>
      %add3A_454 = arith.addi %mul3A_356, %add3A_453 : vector<16xi32>
      %gather3A_455 = tpu.vector_load_idx %arg18[%add3A_454] : memref<192xf32, #tpu.memory_space<vmem>>[vector<16xi32>], vector<16xf32>,
      %mul3A_456 = arith.constant 16 : i32
      %mul3A_457 = vector.broadcast %mul3A_456 : i32 to vector<16xi32>
      %mul3A_458 = arith.muli %add3A_342, %mul3A_457 : vector<16xi32>
      %mul3A_459 = arith.mulf %gather3A_363, %gather3A_411 : vector<16xf32>
      %mul3A_460 = arith.mulf %gather3A_367, %gather3A_423 : vector<16xf32>
      %add3A_461 = arith.addf %mul3A_459, %mul3A_460 : vector<16xf32>
      %mul3A_462 = arith.mulf %gather3A_371, %gather3A_435 : vector<16xf32>
      %add3A_463 = arith.addf %add3A_461, %mul3A_462 : vector<16xf32>
      %bitcast3A_464 = vector.bitcast %add3A_463 : vector<16xf32> to vector<16xi32>
      %add3A_465 = arith.constant 32767 : i32
      %add3A_466 = vector.broadcast %add3A_465 : i32 to vector<16xi32>
      %add3A_467 = arith.addi %bitcast3A_464, %add3A_466 : vector<16xi32>
      %shift_right_arithmetic3A_468 = arith.constant 16 : i32
      %shift_right_arithmetic3A_469 = vector.broadcast %shift_right_arithmetic3A_468 : i32 to vector<16xi32>
      %shift_right_arithmetic3A_470 = arith.shrsi %bitcast3A_464, %shift_right_arithmetic3A_469 : vector<16xi32>
      %and3A_471 = arith.constant 1 : i32
      %and3A_472 = vector.broadcast %and3A_471 : i32 to vector<16xi32>
      %and3A_473 = arith.andi %shift_right_arithmetic3A_470, %and3A_472 : vector<16xi32>
      %add3A_474 = arith.addi %add3A_467, %and3A_473 : vector<16xi32>
      %and3A_475 = arith.constant -65536 : i32
      %and3A_476 = vector.broadcast %and3A_475 : i32 to vector<16xi32>
      %and3A_477 = arith.andi %add3A_474, %and3A_476 : vector<16xi32>
      %bitcast3A_478 = vector.bitcast %and3A_477 : vector<16xi32> to vector<16xf32>
      %select_n3A = arith.select %ge3A_351, %bitcast3A_478, %gather3A_363 : vector<16xi1>, vector<16xf32>
      %add3A_479 = arith.constant 0 : i32
      %add3A_480 = vector.broadcast %add3A_479 : i32 to vector<16xi32>
      %add3A_481 = arith.addi %mul3A_458, %add3A_480 : vector<16xi32>
      tpu.vector_store_idx %arg20[%add3A_481], %select_n3A : memref<5120xf32, #tpu.memory_space<vmem>>[vector<16xi32>], vector<16xf32>,
      %mul3A_482 = arith.mulf %gather3A_363, %gather3A_415 : vector<16xf32>
      %mul3A_483 = arith.mulf %gather3A_367, %gather3A_427 : vector<16xf32>
      %add3A_484 = arith.addf %mul3A_482, %mul3A_483 : vector<16xf32>
      %mul3A_485 = arith.mulf %gather3A_371, %gather3A_439 : vector<16xf32>
      %add3A_486 = arith.addf %add3A_484, %mul3A_485 : vector<16xf32>
      %bitcast3A_487 = vector.bitcast %add3A_486 : vector<16xf32> to vector<16xi32>
      %add3A_488 = arith.constant 32767 : i32
      %add3A_489 = vector.broadcast %add3A_488 : i32 to vector<16xi32>
      %add3A_490 = arith.addi %bitcast3A_487, %add3A_489 : vector<16xi32>
      %shift_right_arithmetic3A_491 = arith.constant 16 : i32
      %shift_right_arithmetic3A_492 = vector.broadcast %shift_right_arithmetic3A_491 : i32 to vector<16xi32>
      %shift_right_arithmetic3A_493 = arith.shrsi %bitcast3A_487, %shift_right_arithmetic3A_492 : vector<16xi32>
      %and3A_494 = arith.constant 1 : i32
      %and3A_495 = vector.broadcast %and3A_494 : i32 to vector<16xi32>
      %and3A_496 = arith.andi %shift_right_arithmetic3A_493, %and3A_495 : vector<16xi32>
      %add3A_497 = arith.addi %add3A_490, %and3A_496 : vector<16xi32>
      %and3A_498 = arith.constant -65536 : i32
      %and3A_499 = vector.broadcast %and3A_498 : i32 to vector<16xi32>
      %and3A_500 = arith.andi %add3A_497, %and3A_499 : vector<16xi32>
      %bitcast3A_501 = vector.bitcast %and3A_500 : vector<16xi32> to vector<16xf32>
      %select_n3A_502 = arith.select %ge3A_351, %bitcast3A_501, %gather3A_367 : vector<16xi1>, vector<16xf32>
      %add3A_503 = arith.constant 1 : i32
      %add3A_504 = vector.broadcast %add3A_503 : i32 to vector<16xi32>
      %add3A_505 = arith.addi %mul3A_458, %add3A_504 : vector<16xi32>
      tpu.vector_store_idx %arg20[%add3A_505], %select_n3A_502 : memref<5120xf32, #tpu.memory_space<vmem>>[vector<16xi32>], vector<16xf32>,
      %mul3A_506 = arith.mulf %gather3A_363, %gather3A_419 : vector<16xf32>
      %mul3A_507 = arith.mulf %gather3A_367, %gather3A_431 : vector<16xf32>
      %add3A_508 = arith.addf %mul3A_506, %mul3A_507 : vector<16xf32>
      %mul3A_509 = arith.mulf %gather3A_371, %gather3A_443 : vector<16xf32>
      %add3A_510 = arith.addf %add3A_508, %mul3A_509 : vector<16xf32>
      %bitcast3A_511 = vector.bitcast %add3A_510 : vector<16xf32> to vector<16xi32>
      %add3A_512 = arith.constant 32767 : i32
      %add3A_513 = vector.broadcast %add3A_512 : i32 to vector<16xi32>
      %add3A_514 = arith.addi %bitcast3A_511, %add3A_513 : vector<16xi32>
      %shift_right_arithmetic3A_515 = arith.constant 16 : i32
      %shift_right_arithmetic3A_516 = vector.broadcast %shift_right_arithmetic3A_515 : i32 to vector<16xi32>
      %shift_right_arithmetic3A_517 = arith.shrsi %bitcast3A_511, %shift_right_arithmetic3A_516 : vector<16xi32>
      %and3A_518 = arith.constant 1 : i32
      %and3A_519 = vector.broadcast %and3A_518 : i32 to vector<16xi32>
      %and3A_520 = arith.andi %shift_right_arithmetic3A_517, %and3A_519 : vector<16xi32>
      %add3A_521 = arith.addi %add3A_514, %and3A_520 : vector<16xi32>
      %and3A_522 = arith.constant -65536 : i32
      %and3A_523 = vector.broadcast %and3A_522 : i32 to vector<16xi32>
      %and3A_524 = arith.andi %add3A_521, %and3A_523 : vector<16xi32>
      %bitcast3A_525 = vector.bitcast %and3A_524 : vector<16xi32> to vector<16xf32>
      %select_n3A_526 = arith.select %ge3A_351, %bitcast3A_525, %gather3A_371 : vector<16xi1>, vector<16xf32>
      %add3A_527 = arith.constant 2 : i32
      %add3A_528 = vector.broadcast %add3A_527 : i32 to vector<16xi32>
      %add3A_529 = arith.addi %mul3A_458, %add3A_528 : vector<16xi32>
      tpu.vector_store_idx %arg20[%add3A_529], %select_n3A_526 : memref<5120xf32, #tpu.memory_space<vmem>>[vector<16xi32>], vector<16xf32>,
      %mul3A_530 = arith.mulf %gather3A_363, %gather3A_447 : vector<16xf32>
      %mul3A_531 = arith.mulf %gather3A_367, %gather3A_451 : vector<16xf32>
      %add3A_532 = arith.addf %mul3A_530, %mul3A_531 : vector<16xf32>
      %mul3A_533 = arith.mulf %gather3A_371, %gather3A_455 : vector<16xf32>
      %add3A_534 = arith.addf %add3A_532, %mul3A_533 : vector<16xf32>
      %add3A_535 = arith.addf %gather3A_399, %add3A_534 : vector<16xf32>
      %add3A_536 = arith.constant 9 : i32
      %add3A_537 = vector.broadcast %add3A_536 : i32 to vector<16xi32>
      %add3A_538 = arith.addi %mul3A_458, %add3A_537 : vector<16xi32>
      %select_n3A_539 = arith.select %ge3A_351, %add3A_535, %gather3A_399 : vector<16xi1>, vector<16xf32>
      tpu.vector_store_idx %arg20[%add3A_538], %select_n3A_539 : memref<5120xf32, #tpu.memory_space<vmem>>[vector<16xi32>], vector<16xf32>,
      %mul3A_540 = arith.mulf %gather3A_375, %gather3A_411 : vector<16xf32>
      %mul3A_541 = arith.mulf %gather3A_379, %gather3A_423 : vector<16xf32>
      %add3A_542 = arith.addf %mul3A_540, %mul3A_541 : vector<16xf32>
      %mul3A_543 = arith.mulf %gather3A_383, %gather3A_435 : vector<16xf32>
      %add3A_544 = arith.addf %add3A_542, %mul3A_543 : vector<16xf32>
      %bitcast3A_545 = vector.bitcast %add3A_544 : vector<16xf32> to vector<16xi32>
      %add3A_546 = arith.constant 32767 : i32
      %add3A_547 = vector.broadcast %add3A_546 : i32 to vector<16xi32>
      %add3A_548 = arith.addi %bitcast3A_545, %add3A_547 : vector<16xi32>
      %shift_right_arithmetic3A_549 = arith.constant 16 : i32
      %shift_right_arithmetic3A_550 = vector.broadcast %shift_right_arithmetic3A_549 : i32 to vector<16xi32>
      %shift_right_arithmetic3A_551 = arith.shrsi %bitcast3A_545, %shift_right_arithmetic3A_550 : vector<16xi32>
      %and3A_552 = arith.constant 1 : i32
      %and3A_553 = vector.broadcast %and3A_552 : i32 to vector<16xi32>
      %and3A_554 = arith.andi %shift_right_arithmetic3A_551, %and3A_553 : vector<16xi32>
      %add3A_555 = arith.addi %add3A_548, %and3A_554 : vector<16xi32>
      %and3A_556 = arith.constant -65536 : i32
      %and3A_557 = vector.broadcast %and3A_556 : i32 to vector<16xi32>
      %and3A_558 = arith.andi %add3A_555, %and3A_557 : vector<16xi32>
      %bitcast3A_559 = vector.bitcast %and3A_558 : vector<16xi32> to vector<16xf32>
      %select_n3A_560 = arith.select %ge3A_351, %bitcast3A_559, %gather3A_375 : vector<16xi1>, vector<16xf32>
      %add3A_561 = arith.constant 3 : i32
      %add3A_562 = vector.broadcast %add3A_561 : i32 to vector<16xi32>
      %add3A_563 = arith.addi %mul3A_458, %add3A_562 : vector<16xi32>
      tpu.vector_store_idx %arg20[%add3A_563], %select_n3A_560 : memref<5120xf32, #tpu.memory_space<vmem>>[vector<16xi32>], vector<16xf32>,
      %mul3A_564 = arith.mulf %gather3A_375, %gather3A_415 : vector<16xf32>
      %mul3A_565 = arith.mulf %gather3A_379, %gather3A_427 : vector<16xf32>
      %add3A_566 = arith.addf %mul3A_564, %mul3A_565 : vector<16xf32>
      %mul3A_567 = arith.mulf %gather3A_383, %gather3A_439 : vector<16xf32>
      %add3A_568 = arith.addf %add3A_566, %mul3A_567 : vector<16xf32>
      %bitcast3A_569 = vector.bitcast %add3A_568 : vector<16xf32> to vector<16xi32>
      %add3A_570 = arith.constant 32767 : i32
      %add3A_571 = vector.broadcast %add3A_570 : i32 to vector<16xi32>
      %add3A_572 = arith.addi %bitcast3A_569, %add3A_571 : vector<16xi32>
      %shift_right_arithmetic3A_573 = arith.constant 16 : i32
      %shift_right_arithmetic3A_574 = vector.broadcast %shift_right_arithmetic3A_573 : i32 to vector<16xi32>
      %shift_right_arithmetic3A_575 = arith.shrsi %bitcast3A_569, %shift_right_arithmetic3A_574 : vector<16xi32>
      %and3A_576 = arith.constant 1 : i32
      %and3A_577 = vector.broadcast %and3A_576 : i32 to vector<16xi32>
      %and3A_578 = arith.andi %shift_right_arithmetic3A_575, %and3A_577 : vector<16xi32>
      %add3A_579 = arith.addi %add3A_572, %and3A_578 : vector<16xi32>
      %and3A_580 = arith.constant -65536 : i32
      %and3A_581 = vector.broadcast %and3A_580 : i32 to vector<16xi32>
      %and3A_582 = arith.andi %add3A_579, %and3A_581 : vector<16xi32>
      %bitcast3A_583 = vector.bitcast %and3A_582 : vector<16xi32> to vector<16xf32>
      %select_n3A_584 = arith.select %ge3A_351, %bitcast3A_583, %gather3A_379 : vector<16xi1>, vector<16xf32>
      %add3A_585 = arith.constant 4 : i32
      %add3A_586 = vector.broadcast %add3A_585 : i32 to vector<16xi32>
      %add3A_587 = arith.addi %mul3A_458, %add3A_586 : vector<16xi32>
      tpu.vector_store_idx %arg20[%add3A_587], %select_n3A_584 : memref<5120xf32, #tpu.memory_space<vmem>>[vector<16xi32>], vector<16xf32>,
      %mul3A_588 = arith.mulf %gather3A_375, %gather3A_419 : vector<16xf32>
      %mul3A_589 = arith.mulf %gather3A_379, %gather3A_431 : vector<16xf32>
      %add3A_590 = arith.addf %mul3A_588, %mul3A_589 : vector<16xf32>
      %mul3A_591 = arith.mulf %gather3A_383, %gather3A_443 : vector<16xf32>
      %add3A_592 = arith.addf %add3A_590, %mul3A_591 : vector<16xf32>
      %bitcast3A_593 = vector.bitcast %add3A_592 : vector<16xf32> to vector<16xi32>
      %add3A_594 = arith.constant 32767 : i32
      %add3A_595 = vector.broadcast %add3A_594 : i32 to vector<16xi32>
      %add3A_596 = arith.addi %bitcast3A_593, %add3A_595 : vector<16xi32>
      %shift_right_arithmetic3A_597 = arith.constant 16 : i32
      %shift_right_arithmetic3A_598 = vector.broadcast %shift_right_arithmetic3A_597 : i32 to vector<16xi32>
      %shift_right_arithmetic3A_599 = arith.shrsi %bitcast3A_593, %shift_right_arithmetic3A_598 : vector<16xi32>
      %and3A_600 = arith.constant 1 : i32
      %and3A_601 = vector.broadcast %and3A_600 : i32 to vector<16xi32>
      %and3A_602 = arith.andi %shift_right_arithmetic3A_599, %and3A_601 : vector<16xi32>
      %add3A_603 = arith.addi %add3A_596, %and3A_602 : vector<16xi32>
      %and3A_604 = arith.constant -65536 : i32
      %and3A_605 = vector.broadcast %and3A_604 : i32 to vector<16xi32>
      %and3A_606 = arith.andi %add3A_603, %and3A_605 : vector<16xi32>
      %bitcast3A_607 = vector.bitcast %and3A_606 : vector<16xi32> to vector<16xf32>
      %select_n3A_608 = arith.select %ge3A_351, %bitcast3A_607, %gather3A_383 : vector<16xi1>, vector<16xf32>
      %add3A_609 = arith.constant 5 : i32
      %add3A_610 = vector.broadcast %add3A_609 : i32 to vector<16xi32>
      %add3A_611 = arith.addi %mul3A_458, %add3A_610 : vector<16xi32>
      tpu.vector_store_idx %arg20[%add3A_611], %select_n3A_608 : memref<5120xf32, #tpu.memory_space<vmem>>[vector<16xi32>], vector<16xf32>,
      %mul3A_612 = arith.mulf %gather3A_375, %gather3A_447 : vector<16xf32>
      %mul3A_613 = arith.mulf %gather3A_379, %gather3A_451 : vector<16xf32>
      %add3A_614 = arith.addf %mul3A_612, %mul3A_613 : vector<16xf32>
      %mul3A_615 = arith.mulf %gather3A_383, %gather3A_455 : vector<16xf32>
      %add3A_616 = arith.addf %add3A_614, %mul3A_615 : vector<16xf32>
      %add3A_617 = arith.addf %gather3A_403, %add3A_616 : vector<16xf32>
      %add3A_618 = arith.constant 10 : i32
      %add3A_619 = vector.broadcast %add3A_618 : i32 to vector<16xi32>
      %add3A_620 = arith.addi %mul3A_458, %add3A_619 : vector<16xi32>
      %select_n3A_621 = arith.select %ge3A_351, %add3A_617, %gather3A_403 : vector<16xi1>, vector<16xf32>
      tpu.vector_store_idx %arg20[%add3A_620], %select_n3A_621 : memref<5120xf32, #tpu.memory_space<vmem>>[vector<16xi32>], vector<16xf32>,
      %mul3A_622 = arith.mulf %gather3A_387, %gather3A_411 : vector<16xf32>
      %mul3A_623 = arith.mulf %gather3A_391, %gather3A_423 : vector<16xf32>
      %add3A_624 = arith.addf %mul3A_622, %mul3A_623 : vector<16xf32>
      %mul3A_625 = arith.mulf %gather3A_395, %gather3A_435 : vector<16xf32>
      %add3A_626 = arith.addf %add3A_624, %mul3A_625 : vector<16xf32>
      %bitcast3A_627 = vector.bitcast %add3A_626 : vector<16xf32> to vector<16xi32>
      %add3A_628 = arith.constant 32767 : i32
      %add3A_629 = vector.broadcast %add3A_628 : i32 to vector<16xi32>
      %add3A_630 = arith.addi %bitcast3A_627, %add3A_629 : vector<16xi32>
      %shift_right_arithmetic3A_631 = arith.constant 16 : i32
      %shift_right_arithmetic3A_632 = vector.broadcast %shift_right_arithmetic3A_631 : i32 to vector<16xi32>
      %shift_right_arithmetic3A_633 = arith.shrsi %bitcast3A_627, %shift_right_arithmetic3A_632 : vector<16xi32>
      %and3A_634 = arith.constant 1 : i32
      %and3A_635 = vector.broadcast %and3A_634 : i32 to vector<16xi32>
      %and3A_636 = arith.andi %shift_right_arithmetic3A_633, %and3A_635 : vector<16xi32>
      %add3A_637 = arith.addi %add3A_630, %and3A_636 : vector<16xi32>
      %and3A_638 = arith.constant -65536 : i32
      %and3A_639 = vector.broadcast %and3A_638 : i32 to vector<16xi32>
      %and3A_640 = arith.andi %add3A_637, %and3A_639 : vector<16xi32>
      %bitcast3A_641 = vector.bitcast %and3A_640 : vector<16xi32> to vector<16xf32>
      %select_n3A_642 = arith.select %ge3A_351, %bitcast3A_641, %gather3A_387 : vector<16xi1>, vector<16xf32>
      %add3A_643 = arith.constant 6 : i32
      %add3A_644 = vector.broadcast %add3A_643 : i32 to vector<16xi32>
      %add3A_645 = arith.addi %mul3A_458, %add3A_644 : vector<16xi32>
      tpu.vector_store_idx %arg20[%add3A_645], %select_n3A_642 : memref<5120xf32, #tpu.memory_space<vmem>>[vector<16xi32>], vector<16xf32>,
      %mul3A_646 = arith.mulf %gather3A_387, %gather3A_415 : vector<16xf32>
      %mul3A_647 = arith.mulf %gather3A_391, %gather3A_427 : vector<16xf32>
      %add3A_648 = arith.addf %mul3A_646, %mul3A_647 : vector<16xf32>
      %mul3A_649 = arith.mulf %gather3A_395, %gather3A_439 : vector<16xf32>
      %add3A_650 = arith.addf %add3A_648, %mul3A_649 : vector<16xf32>
      %bitcast3A_651 = vector.bitcast %add3A_650 : vector<16xf32> to vector<16xi32>
      %add3A_652 = arith.constant 32767 : i32
      %add3A_653 = vector.broadcast %add3A_652 : i32 to vector<16xi32>
      %add3A_654 = arith.addi %bitcast3A_651, %add3A_653 : vector<16xi32>
      %shift_right_arithmetic3A_655 = arith.constant 16 : i32
      %shift_right_arithmetic3A_656 = vector.broadcast %shift_right_arithmetic3A_655 : i32 to vector<16xi32>
      %shift_right_arithmetic3A_657 = arith.shrsi %bitcast3A_651, %shift_right_arithmetic3A_656 : vector<16xi32>
      %and3A_658 = arith.constant 1 : i32
      %and3A_659 = vector.broadcast %and3A_658 : i32 to vector<16xi32>
      %and3A_660 = arith.andi %shift_right_arithmetic3A_657, %and3A_659 : vector<16xi32>
      %add3A_661 = arith.addi %add3A_654, %and3A_660 : vector<16xi32>
      %and3A_662 = arith.constant -65536 : i32
      %and3A_663 = vector.broadcast %and3A_662 : i32 to vector<16xi32>
      %and3A_664 = arith.andi %add3A_661, %and3A_663 : vector<16xi32>
      %bitcast3A_665 = vector.bitcast %and3A_664 : vector<16xi32> to vector<16xf32>
      %select_n3A_666 = arith.select %ge3A_351, %bitcast3A_665, %gather3A_391 : vector<16xi1>, vector<16xf32>
      %add3A_667 = arith.constant 7 : i32
      %add3A_668 = vector.broadcast %add3A_667 : i32 to vector<16xi32>
      %add3A_669 = arith.addi %mul3A_458, %add3A_668 : vector<16xi32>
      tpu.vector_store_idx %arg20[%add3A_669], %select_n3A_666 : memref<5120xf32, #tpu.memory_space<vmem>>[vector<16xi32>], vector<16xf32>,
      %mul3A_670 = arith.mulf %gather3A_387, %gather3A_419 : vector<16xf32>
      %mul3A_671 = arith.mulf %gather3A_391, %gather3A_431 : vector<16xf32>
      %add3A_672 = arith.addf %mul3A_670, %mul3A_671 : vector<16xf32>
      %mul3A_673 = arith.mulf %gather3A_395, %gather3A_443 : vector<16xf32>
      %add3A_674 = arith.addf %add3A_672, %mul3A_673 : vector<16xf32>
      %bitcast3A_675 = vector.bitcast %add3A_674 : vector<16xf32> to vector<16xi32>
      %add3A_676 = arith.constant 32767 : i32
      %add3A_677 = vector.broadcast %add3A_676 : i32 to vector<16xi32>
      %add3A_678 = arith.addi %bitcast3A_675, %add3A_677 : vector<16xi32>
      %shift_right_arithmetic3A_679 = arith.constant 16 : i32
      %shift_right_arithmetic3A_680 = vector.broadcast %shift_right_arithmetic3A_679 : i32 to vector<16xi32>
      %shift_right_arithmetic3A_681 = arith.shrsi %bitcast3A_675, %shift_right_arithmetic3A_680 : vector<16xi32>
      %and3A_682 = arith.constant 1 : i32
      %and3A_683 = vector.broadcast %and3A_682 : i32 to vector<16xi32>
      %and3A_684 = arith.andi %shift_right_arithmetic3A_681, %and3A_683 : vector<16xi32>
      %add3A_685 = arith.addi %add3A_678, %and3A_684 : vector<16xi32>
      %and3A_686 = arith.constant -65536 : i32
      %and3A_687 = vector.broadcast %and3A_686 : i32 to vector<16xi32>
      %and3A_688 = arith.andi %add3A_685, %and3A_687 : vector<16xi32>
      %bitcast3A_689 = vector.bitcast %and3A_688 : vector<16xi32> to vector<16xf32>
      %select_n3A_690 = arith.select %ge3A_351, %bitcast3A_689, %gather3A_395 : vector<16xi1>, vector<16xf32>
      %add3A_691 = arith.constant 8 : i32
      %add3A_692 = vector.broadcast %add3A_691 : i32 to vector<16xi32>
      %add3A_693 = arith.addi %mul3A_458, %add3A_692 : vector<16xi32>
      tpu.vector_store_idx %arg20[%add3A_693], %select_n3A_690 : memref<5120xf32, #tpu.memory_space<vmem>>[vector<16xi32>], vector<16xf32>,
      %mul3A_694 = arith.mulf %gather3A_387, %gather3A_447 : vector<16xf32>
      %mul3A_695 = arith.mulf %gather3A_391, %gather3A_451 : vector<16xf32>
      %add3A_696 = arith.addf %mul3A_694, %mul3A_695 : vector<16xf32>
      %mul3A_697 = arith.mulf %gather3A_395, %gather3A_455 : vector<16xf32>
      %add3A_698 = arith.addf %add3A_696, %mul3A_697 : vector<16xf32>
      %add3A_699 = arith.addf %gather3A_407, %add3A_698 : vector<16xf32>
      %add3A_700 = arith.constant 11 : i32
      %add3A_701 = vector.broadcast %add3A_700 : i32 to vector<16xi32>
      %add3A_702 = arith.addi %mul3A_458, %add3A_701 : vector<16xi32>
      %select_n3A_703 = arith.select %ge3A_351, %add3A_699, %gather3A_407 : vector<16xi1>, vector<16xf32>
      tpu.vector_store_idx %arg20[%add3A_702], %select_n3A_703 : memref<5120xf32, #tpu.memory_space<vmem>>[vector<16xi32>], vector<16xf32>,
      %mul3A_704 = arith.constant 9 : i32
      %mul3A_705 = vector.broadcast %mul3A_704 : i32 to vector<16xi32>
      %mul3A_706 = arith.muli %add3A_342, %mul3A_705 : vector<16xi32>
      %add3A_707 = arith.constant 0 : i32
      %add3A_708 = vector.broadcast %add3A_707 : i32 to vector<16xi32>
      %add3A_709 = arith.addi %mul3A_706, %add3A_708 : vector<16xi32>
      %gather3A_710 = tpu.vector_load_idx %arg17[%add3A_709] : memref<2880xf32, #tpu.memory_space<vmem>>[vector<16xi32>], vector<16xf32>,
      %add3A_711 = arith.constant 12 : i32
      %add3A_712 = vector.broadcast %add3A_711 : i32 to vector<16xi32>
      %add3A_713 = arith.addi %mul3A_458, %add3A_712 : vector<16xi32>
      %bitcast3A_714 = vector.bitcast %gather3A_710 : vector<16xf32> to vector<16xi32>
      %add3A_715 = arith.constant 32767 : i32
      %add3A_716 = vector.broadcast %add3A_715 : i32 to vector<16xi32>
      %add3A_717 = arith.addi %bitcast3A_714, %add3A_716 : vector<16xi32>
      %shift_right_arithmetic3A_718 = arith.constant 16 : i32
      %shift_right_arithmetic3A_719 = vector.broadcast %shift_right_arithmetic3A_718 : i32 to vector<16xi32>
      %shift_right_arithmetic3A_720 = arith.shrsi %bitcast3A_714, %shift_right_arithmetic3A_719 : vector<16xi32>
      %and3A_721 = arith.constant 1 : i32
      %and3A_722 = vector.broadcast %and3A_721 : i32 to vector<16xi32>
      %and3A_723 = arith.andi %shift_right_arithmetic3A_720, %and3A_722 : vector<16xi32>
      %add3A_724 = arith.addi %add3A_717, %and3A_723 : vector<16xi32>
      %and3A_725 = arith.constant -65536 : i32
      %and3A_726 = vector.broadcast %and3A_725 : i32 to vector<16xi32>
      %and3A_727 = arith.andi %add3A_724, %and3A_726 : vector<16xi32>
      %bitcast3A_728 = vector.bitcast %and3A_727 : vector<16xi32> to vector<16xf32>
      tpu.vector_store_idx %arg20[%add3A_713], %bitcast3A_728 : memref<5120xf32, #tpu.memory_space<vmem>>[vector<16xi32>], vector<16xf32>,
      %add3A_729 = arith.constant 4 : i32
      %add3A_730 = vector.broadcast %add3A_729 : i32 to vector<16xi32>
      %add3A_731 = arith.addi %mul3A_706, %add3A_730 : vector<16xi32>
      %gather3A_732 = tpu.vector_load_idx %arg17[%add3A_731] : memref<2880xf32, #tpu.memory_space<vmem>>[vector<16xi32>], vector<16xf32>,
      %add3A_733 = arith.constant 13 : i32
      %add3A_734 = vector.broadcast %add3A_733 : i32 to vector<16xi32>
      %add3A_735 = arith.addi %mul3A_458, %add3A_734 : vector<16xi32>
      %bitcast3A_736 = vector.bitcast %gather3A_732 : vector<16xf32> to vector<16xi32>
      %add3A_737 = arith.constant 32767 : i32
      %add3A_738 = vector.broadcast %add3A_737 : i32 to vector<16xi32>
      %add3A_739 = arith.addi %bitcast3A_736, %add3A_738 : vector<16xi32>
      %shift_right_arithmetic3A_740 = arith.constant 16 : i32
      %shift_right_arithmetic3A_741 = vector.broadcast %shift_right_arithmetic3A_740 : i32 to vector<16xi32>
      %shift_right_arithmetic3A_742 = arith.shrsi %bitcast3A_736, %shift_right_arithmetic3A_741 : vector<16xi32>
      %and3A_743 = arith.constant 1 : i32
      %and3A_744 = vector.broadcast %and3A_743 : i32 to vector<16xi32>
      %and3A_745 = arith.andi %shift_right_arithmetic3A_742, %and3A_744 : vector<16xi32>
      %add3A_746 = arith.addi %add3A_739, %and3A_745 : vector<16xi32>
      %and3A_747 = arith.constant -65536 : i32
      %and3A_748 = vector.broadcast %and3A_747 : i32 to vector<16xi32>
      %and3A_749 = arith.andi %add3A_746, %and3A_748 : vector<16xi32>
      %bitcast3A_750 = vector.bitcast %and3A_749 : vector<16xi32> to vector<16xf32>
      tpu.vector_store_idx %arg20[%add3A_735], %bitcast3A_750 : memref<5120xf32, #tpu.memory_space<vmem>>[vector<16xi32>], vector<16xf32>,
      %add3A_751 = arith.constant 2 : i32
      %add3A_752 = vector.broadcast %add3A_751 : i32 to vector<16xi32>
      %add3A_753 = arith.addi %mul3A_706, %add3A_752 : vector<16xi32>
      %gather3A_754 = tpu.vector_load_idx %arg17[%add3A_753] : memref<2880xf32, #tpu.memory_space<vmem>>[vector<16xi32>], vector<16xf32>,
      %add3A_755 = arith.constant 14 : i32
      %add3A_756 = vector.broadcast %add3A_755 : i32 to vector<16xi32>
      %add3A_757 = arith.addi %mul3A_458, %add3A_756 : vector<16xi32>
      %bitcast3A_758 = vector.bitcast %gather3A_754 : vector<16xf32> to vector<16xi32>
      %add3A_759 = arith.constant 32767 : i32
      %add3A_760 = vector.broadcast %add3A_759 : i32 to vector<16xi32>
      %add3A_761 = arith.addi %bitcast3A_758, %add3A_760 : vector<16xi32>
      %shift_right_arithmetic3A_762 = arith.constant 16 : i32
      %shift_right_arithmetic3A_763 = vector.broadcast %shift_right_arithmetic3A_762 : i32 to vector<16xi32>
      %shift_right_arithmetic3A_764 = arith.shrsi %bitcast3A_758, %shift_right_arithmetic3A_763 : vector<16xi32>
      %and3A_765 = arith.constant 1 : i32
      %and3A_766 = vector.broadcast %and3A_765 : i32 to vector<16xi32>
      %and3A_767 = arith.andi %shift_right_arithmetic3A_764, %and3A_766 : vector<16xi32>
      %add3A_768 = arith.addi %add3A_761, %and3A_767 : vector<16xi32>
      %and3A_769 = arith.constant -65536 : i32
      %and3A_770 = vector.broadcast %and3A_769 : i32 to vector<16xi32>
      %and3A_771 = arith.andi %add3A_768, %and3A_770 : vector<16xi32>
      %bitcast3A_772 = vector.bitcast %and3A_771 : vector<16xi32> to vector<16xf32>
      tpu.vector_store_idx %arg20[%add3A_757], %bitcast3A_772 : memref<5120xf32, #tpu.memory_space<vmem>>[vector<16xi32>], vector<16xf32>,
      %add3A_773 = arith.constant 5 : i32
      %add3A_774 = vector.broadcast %add3A_773 : i32 to vector<16xi32>
      %add3A_775 = arith.addi %mul3A_706, %add3A_774 : vector<16xi32>
      %gather3A_776 = tpu.vector_load_idx %arg17[%add3A_775] : memref<2880xf32, #tpu.memory_space<vmem>>[vector<16xi32>], vector<16xf32>,
      %add3A_777 = arith.constant 15 : i32
      %add3A_778 = vector.broadcast %add3A_777 : i32 to vector<16xi32>
      %add3A_779 = arith.addi %mul3A_458, %add3A_778 : vector<16xi32>
      %bitcast3A_780 = vector.bitcast %gather3A_776 : vector<16xf32> to vector<16xi32>
      %add3A_781 = arith.constant 32767 : i32
      %add3A_782 = vector.broadcast %add3A_781 : i32 to vector<16xi32>
      %add3A_783 = arith.addi %bitcast3A_780, %add3A_782 : vector<16xi32>
      %shift_right_arithmetic3A_784 = arith.constant 16 : i32
      %shift_right_arithmetic3A_785 = vector.broadcast %shift_right_arithmetic3A_784 : i32 to vector<16xi32>
      %shift_right_arithmetic3A_786 = arith.shrsi %bitcast3A_780, %shift_right_arithmetic3A_785 : vector<16xi32>
      %and3A_787 = arith.constant 1 : i32
      %and3A_788 = vector.broadcast %and3A_787 : i32 to vector<16xi32>
      %and3A_789 = arith.andi %shift_right_arithmetic3A_786, %and3A_788 : vector<16xi32>
      %add3A_790 = arith.addi %add3A_783, %and3A_789 : vector<16xi32>
      %and3A_791 = arith.constant -65536 : i32
      %and3A_792 = vector.broadcast %and3A_791 : i32 to vector<16xi32>
      %and3A_793 = arith.andi %add3A_790, %and3A_792 : vector<16xi32>
      %bitcast3A_794 = vector.bitcast %and3A_793 : vector<16xi32> to vector<16xf32>
      tpu.vector_store_idx %arg20[%add3A_779], %bitcast3A_794 : memref<5120xf32, #tpu.memory_space<vmem>>[vector<16xi32>], vector<16xf32>,
    }
    %scan3A_320 = arith.constant 20 : i32
    %mul3A_321 = arith.constant 320 : i32
    %mul3A_322 = arith.muli %arg1, %mul3A_321 : i32
    %mul3A_323 = arith.constant 16 : i32
    %mul3A_324 = arith.muli %mul3A_322, %mul3A_323 : i32
    "tpu.region"() ({
      %run_scoped3A = tpu.sem_alloc : memref<!tpu.dma_semaphore, #tpu.memory_space<semaphore_mem>>
      %dma_start3A_338 = tpu.memref_slice %arg37[%mul3A_324] : memref<81920xf32, #tpu.memory_space<vmem_shared>> -> memref<5120xf32, #tpu.memory_space<vmem_shared>>
      %dma_start3A_339 = tpu.memref_slice %arg37[%mul3A_324] : memref<81920xf32, #tpu.memory_space<vmem_shared>> -> memref<5120xf32, #tpu.memory_space<vmem_shared>>
      tpu.enqueue_dma source(%arg20 : memref<5120xf32, #tpu.memory_space<vmem>>) target(%dma_start3A_339 : memref<5120xf32, #tpu.memory_space<vmem_shared>>) target_semaphore(%run_scoped3A : memref<!tpu.dma_semaphore, #tpu.memory_space<semaphore_mem>>)
      %dma_wait3A = tpu.memref_slice %arg37[%mul3A_324] : memref<81920xf32, #tpu.memory_space<vmem_shared>> -> memref<5120xf32, #tpu.memory_space<vmem_shared>>
      %dma_wait3A_340 = tpu.memref_slice %arg37[%mul3A_324] : memref<81920xf32, #tpu.memory_space<vmem_shared>> -> memref<5120xf32, #tpu.memory_space<vmem_shared>>
      tpu.wait_dma2 semaphore(%run_scoped3A : memref<!tpu.dma_semaphore, #tpu.memory_space<semaphore_mem>>) src(%arg20 : memref<5120xf32, #tpu.memory_space<vmem>>) dst(%dma_wait3A_340 : memref<5120xf32, #tpu.memory_space<vmem_shared>>)
      tpu.yield
    }) : () -> ()
    %barrier3A = arith.constant 0 : index
    tpu.barrier barrier_id(%barrier3A)
    "tpu.region"() ({
      %run_scoped3A = tpu.sem_alloc : memref<!tpu.dma_semaphore, #tpu.memory_space<semaphore_mem>>
      tpu.enqueue_dma source(%arg37 : memref<81920xf32, #tpu.memory_space<vmem_shared>>) target(%arg21 : memref<81920xf32, #tpu.memory_space<vmem>>) target_semaphore(%run_scoped3A : memref<!tpu.dma_semaphore, #tpu.memory_space<semaphore_mem>>)
      tpu.wait_dma2 semaphore(%run_scoped3A : memref<!tpu.dma_semaphore, #tpu.memory_space<semaphore_mem>>) src(%arg37 : memref<81920xf32, #tpu.memory_space<vmem_shared>>) dst(%arg21 : memref<81920xf32, #tpu.memory_space<vmem>>)
      tpu.yield
    }) : () -> ()
    %mul3A_325 = arith.constant 800 : i32
    %mul3A_326 = arith.muli %add3A, %mul3A_325 : i32
    "tpu.region"() ({
      %run_scoped3A = tpu.sem_alloc : memref<!tpu.dma_semaphore, #tpu.memory_space<semaphore_mem>>
      %dma_start3A_338 = tpu.memref_slice %arg9[%mul3A_326] : memref<2000000xi32, #tpu.memory_space<hbm>> -> memref<800xi32, #tpu.memory_space<hbm>>
      %dma_start3A_339 = tpu.memref_slice %arg9[%mul3A_326] : memref<2000000xi32, #tpu.memory_space<hbm>> -> memref<800xi32, #tpu.memory_space<hbm>>
      tpu.enqueue_dma source(%dma_start3A_339 : memref<800xi32, #tpu.memory_space<hbm>>) target(%arg22 : memref<800xi32, #tpu.memory_space<vmem>>) target_semaphore(%run_scoped3A : memref<!tpu.dma_semaphore, #tpu.memory_space<semaphore_mem>>)
      %dma_wait3A = tpu.memref_slice %arg9[%mul3A_326] : memref<2000000xi32, #tpu.memory_space<hbm>> -> memref<800xi32, #tpu.memory_space<hbm>>
      %dma_wait3A_340 = tpu.memref_slice %arg9[%mul3A_326] : memref<2000000xi32, #tpu.memory_space<hbm>> -> memref<800xi32, #tpu.memory_space<hbm>>
      tpu.wait_dma2 semaphore(%run_scoped3A : memref<!tpu.dma_semaphore, #tpu.memory_space<semaphore_mem>>) src(%dma_wait3A_340 : memref<800xi32, #tpu.memory_space<hbm>>) dst(%arg22 : memref<800xi32, #tpu.memory_space<vmem>>)
      tpu.yield
    }) : () -> ()
    "tpu.region"() ({
      %run_scoped3A = tpu.sem_alloc : memref<!tpu.dma_semaphore, #tpu.memory_space<semaphore_mem>>
      %dma_start3A_338 = tpu.memref_slice %arg10[%mul3A_326] : memref<2000000xi32, #tpu.memory_space<hbm>> -> memref<800xi32, #tpu.memory_space<hbm>>
      %dma_start3A_339 = tpu.memref_slice %arg10[%mul3A_326] : memref<2000000xi32, #tpu.memory_space<hbm>> -> memref<800xi32, #tpu.memory_space<hbm>>
      tpu.enqueue_dma source(%dma_start3A_339 : memref<800xi32, #tpu.memory_space<hbm>>) target(%arg24 : memref<800xi32, #tpu.memory_space<vmem>>) target_semaphore(%run_scoped3A : memref<!tpu.dma_semaphore, #tpu.memory_space<semaphore_mem>>)
      %dma_wait3A = tpu.memref_slice %arg10[%mul3A_326] : memref<2000000xi32, #tpu.memory_space<hbm>> -> memref<800xi32, #tpu.memory_space<hbm>>
      %dma_wait3A_340 = tpu.memref_slice %arg10[%mul3A_326] : memref<2000000xi32, #tpu.memory_space<hbm>> -> memref<800xi32, #tpu.memory_space<hbm>>
      tpu.wait_dma2 semaphore(%run_scoped3A : memref<!tpu.dma_semaphore, #tpu.memory_space<semaphore_mem>>) src(%dma_wait3A_340 : memref<800xi32, #tpu.memory_space<hbm>>) dst(%arg24 : memref<800xi32, #tpu.memory_space<vmem>>)
      tpu.yield
    }) : () -> ()
    "tpu.region"() ({
      %run_scoped3A = tpu.sem_alloc : memref<!tpu.dma_semaphore, #tpu.memory_space<semaphore_mem>>
      %dma_start3A_338 = tpu.memref_slice %arg11[%mul3A_326] : memref<2000000xf32, #tpu.memory_space<hbm>> -> memref<800xf32, #tpu.memory_space<hbm>>
      %dma_start3A_339 = tpu.memref_slice %arg11[%mul3A_326] : memref<2000000xf32, #tpu.memory_space<hbm>> -> memref<800xf32, #tpu.memory_space<hbm>>
      tpu.enqueue_dma source(%dma_start3A_339 : memref<800xf32, #tpu.memory_space<hbm>>) target(%arg26 : memref<800xf32, #tpu.memory_space<vmem>>) target_semaphore(%run_scoped3A : memref<!tpu.dma_semaphore, #tpu.memory_space<semaphore_mem>>)
      %dma_wait3A = tpu.memref_slice %arg11[%mul3A_326] : memref<2000000xf32, #tpu.memory_space<hbm>> -> memref<800xf32, #tpu.memory_space<hbm>>
      %dma_wait3A_340 = tpu.memref_slice %arg11[%mul3A_326] : memref<2000000xf32, #tpu.memory_space<hbm>> -> memref<800xf32, #tpu.memory_space<hbm>>
      tpu.wait_dma2 semaphore(%run_scoped3A : memref<!tpu.dma_semaphore, #tpu.memory_space<semaphore_mem>>) src(%dma_wait3A_340 : memref<800xf32, #tpu.memory_space<hbm>>) dst(%arg26 : memref<800xf32, #tpu.memory_space<vmem>>)
      tpu.yield
    }) : () -> ()
    "tpu.region"() ({
      %run_scoped3A = tpu.sem_alloc : memref<!tpu.dma_semaphore, #tpu.memory_space<semaphore_mem>>
      %dma_start3A_338 = tpu.memref_slice %arg12[%mul3A_326] : memref<2000000xf32, #tpu.memory_space<hbm>> -> memref<800xf32, #tpu.memory_space<hbm>>
      %dma_start3A_339 = tpu.memref_slice %arg12[%mul3A_326] : memref<2000000xf32, #tpu.memory_space<hbm>> -> memref<800xf32, #tpu.memory_space<hbm>>
      tpu.enqueue_dma source(%dma_start3A_339 : memref<800xf32, #tpu.memory_space<hbm>>) target(%arg28 : memref<800xf32, #tpu.memory_space<vmem>>) target_semaphore(%run_scoped3A : memref<!tpu.dma_semaphore, #tpu.memory_space<semaphore_mem>>)
      %dma_wait3A = tpu.memref_slice %arg12[%mul3A_326] : memref<2000000xf32, #tpu.memory_space<hbm>> -> memref<800xf32, #tpu.memory_space<hbm>>
      %dma_wait3A_340 = tpu.memref_slice %arg12[%mul3A_326] : memref<2000000xf32, #tpu.memory_space<hbm>> -> memref<800xf32, #tpu.memory_space<hbm>>
      tpu.wait_dma2 semaphore(%run_scoped3A : memref<!tpu.dma_semaphore, #tpu.memory_space<semaphore_mem>>) src(%dma_wait3A_340 : memref<800xf32, #tpu.memory_space<hbm>>) dst(%arg28 : memref<800xf32, #tpu.memory_space<vmem>>)
      tpu.yield
    }) : () -> ()
    %dma_start3A = arith.constant 0 : i32
    %dma_start3A_327 = tpu.memref_slice %arg4[%dma_start3A] : memref<100000xf32, #tpu.memory_space<hbm>> -> memref<100000xf32, #tpu.memory_space<hbm>>
    tpu.enqueue_indirect_dma source(%dma_start3A_327 : memref<100000xf32, #tpu.memory_space<hbm>>) target(%arg30 : memref<800xf32, #tpu.memory_space<vmem>>) offsets(%arg22 : memref<800xi32, #tpu.memory_space<vmem>>) semaphore(%arg38 : memref<!tpu.dma_semaphore, #tpu.memory_space<semaphore_mem>>)
    %dma_start3A_328 = arith.constant 0 : i32
    %dma_start3A_329 = tpu.memref_slice %arg5[%dma_start3A_328] : memref<100000xf32, #tpu.memory_space<hbm>> -> memref<100000xf32, #tpu.memory_space<hbm>>
    tpu.enqueue_indirect_dma source(%dma_start3A_329 : memref<100000xf32, #tpu.memory_space<hbm>>) target(%arg31 : memref<800xf32, #tpu.memory_space<vmem>>) offsets(%arg22 : memref<800xi32, #tpu.memory_space<vmem>>) semaphore(%arg38 : memref<!tpu.dma_semaphore, #tpu.memory_space<semaphore_mem>>)
    %dma_start3A_330 = arith.constant 0 : i32
    %dma_start3A_331 = tpu.memref_slice %arg6[%dma_start3A_330] : memref<100000xf32, #tpu.memory_space<hbm>> -> memref<100000xf32, #tpu.memory_space<hbm>>
    tpu.enqueue_indirect_dma source(%dma_start3A_331 : memref<100000xf32, #tpu.memory_space<hbm>>) target(%arg32 : memref<800xf32, #tpu.memory_space<vmem>>) offsets(%arg22 : memref<800xi32, #tpu.memory_space<vmem>>) semaphore(%arg38 : memref<!tpu.dma_semaphore, #tpu.memory_space<semaphore_mem>>)
    %scan3A_332 = arith.constant 0 : i32
    %scan3A_333 = arith.constant 0 : i32
    %scan3A_334 = arith.constant 40 : i32
    %scan3A_335 = arith.addi %scan3A_333, %scan3A_334 : i32
    %scan3A_336 = arith.constant 1 : i32
    scf.for %scan3A_338 = %scan3A_333 to %scan3A_335 step %scan3A_336  : i32 {
      %mul3A_339 = arith.constant 2 : i32
      %mul3A_340 = arith.muli %mul3A_339, %scan3A_338 : i32
      %add3A_341 = arith.constant 0 : i32
      %add3A_342 = arith.addi %mul3A_340, %add3A_341 : i32
      %mul3A_343 = arith.constant 32 : i32
      %mul3A_344 = arith.muli %mul3A_343, %add3A_342 : i32
      %add3A_345 = arith.addi %add3A, %mul3A_344 : i32
      %lt3A = arith.constant 2500 : i32
      %lt3A_346 = arith.cmpi slt, %add3A_345, %lt3A : i32
      %convert_element_type3A = arith.extui %lt3A_346 : i1 to i32
      %cond3A = arith.constant 0 : i32
      %cond3A_347 = arith.cmpi ne, %convert_element_type3A, %cond3A : i32
      scf.if %cond3A_347 {
        %dma_wait3A = arith.constant 0 : i32
        %dma_wait3A_360 = tpu.memref_slice %arg4[%dma_wait3A] : memref<100000xf32, #tpu.memory_space<hbm>> -> memref<100000xf32, #tpu.memory_space<hbm>>
        tpu.wait_indirect_dma semaphore(%arg38 : memref<!tpu.dma_semaphore, #tpu.memory_space<semaphore_mem>>) src(%dma_wait3A_360 : memref<100000xf32, #tpu.memory_space<hbm>>) dst(%arg30 : memref<800xf32, #tpu.memory_space<vmem>>)
        %dma_wait3A_361 = arith.constant 0 : i32
        %dma_wait3A_362 = tpu.memref_slice %arg5[%dma_wait3A_361] : memref<100000xf32, #tpu.memory_space<hbm>> -> memref<100000xf32, #tpu.memory_space<hbm>>
        tpu.wait_indirect_dma semaphore(%arg38 : memref<!tpu.dma_semaphore, #tpu.memory_space<semaphore_mem>>) src(%dma_wait3A_362 : memref<100000xf32, #tpu.memory_space<hbm>>) dst(%arg31 : memref<800xf32, #tpu.memory_space<vmem>>)
        %dma_wait3A_363 = arith.constant 0 : i32
        %dma_wait3A_364 = tpu.memref_slice %arg6[%dma_wait3A_363] : memref<100000xf32, #tpu.memory_space<hbm>> -> memref<100000xf32, #tpu.memory_space<hbm>>
        tpu.wait_indirect_dma semaphore(%arg38 : memref<!tpu.dma_semaphore, #tpu.memory_space<semaphore_mem>>) src(%dma_wait3A_364 : memref<100000xf32, #tpu.memory_space<hbm>>) dst(%arg32 : memref<800xf32, #tpu.memory_space<vmem>>)
        %add3A_365 = arith.constant 32 : i32
        %add3A_366 = arith.addi %add3A_345, %add3A_365 : i32
        %lt3A_367 = arith.constant 2500 : i32
        %lt3A_368 = arith.cmpi slt, %add3A_366, %lt3A_367 : i32
        %convert_element_type3A_369 = arith.extui %lt3A_368 : i1 to i32
        %cond3A_370 = arith.constant 0 : i32
        %cond3A_371 = arith.cmpi ne, %convert_element_type3A_369, %cond3A_370 : i32
        scf.if %cond3A_371 {
          %mul3A_378 = arith.constant 800 : i32
          %mul3A_379 = arith.muli %add3A_366, %mul3A_378 : i32
          "tpu.region"() ({
            %run_scoped3A = tpu.sem_alloc : memref<!tpu.dma_semaphore, #tpu.memory_space<semaphore_mem>>
            %dma_start3A_386 = tpu.memref_slice %arg9[%mul3A_379] : memref<2000000xi32, #tpu.memory_space<hbm>> -> memref<800xi32, #tpu.memory_space<hbm>>
            %dma_start3A_387 = tpu.memref_slice %arg9[%mul3A_379] : memref<2000000xi32, #tpu.memory_space<hbm>> -> memref<800xi32, #tpu.memory_space<hbm>>
            tpu.enqueue_dma source(%dma_start3A_387 : memref<800xi32, #tpu.memory_space<hbm>>) target(%arg23 : memref<800xi32, #tpu.memory_space<vmem>>) target_semaphore(%run_scoped3A : memref<!tpu.dma_semaphore, #tpu.memory_space<semaphore_mem>>)
            %dma_wait3A_388 = tpu.memref_slice %arg9[%mul3A_379] : memref<2000000xi32, #tpu.memory_space<hbm>> -> memref<800xi32, #tpu.memory_space<hbm>>
            %dma_wait3A_389 = tpu.memref_slice %arg9[%mul3A_379] : memref<2000000xi32, #tpu.memory_space<hbm>> -> memref<800xi32, #tpu.memory_space<hbm>>
            tpu.wait_dma2 semaphore(%run_scoped3A : memref<!tpu.dma_semaphore, #tpu.memory_space<semaphore_mem>>) src(%dma_wait3A_389 : memref<800xi32, #tpu.memory_space<hbm>>) dst(%arg23 : memref<800xi32, #tpu.memory_space<vmem>>)
            tpu.yield
          }) : () -> ()
          "tpu.region"() ({
            %run_scoped3A = tpu.sem_alloc : memref<!tpu.dma_semaphore, #tpu.memory_space<semaphore_mem>>
            %dma_start3A_386 = tpu.memref_slice %arg10[%mul3A_379] : memref<2000000xi32, #tpu.memory_space<hbm>> -> memref<800xi32, #tpu.memory_space<hbm>>
            %dma_start3A_387 = tpu.memref_slice %arg10[%mul3A_379] : memref<2000000xi32, #tpu.memory_space<hbm>> -> memref<800xi32, #tpu.memory_space<hbm>>
            tpu.enqueue_dma source(%dma_start3A_387 : memref<800xi32, #tpu.memory_space<hbm>>) target(%arg25 : memref<800xi32, #tpu.memory_space<vmem>>) target_semaphore(%run_scoped3A : memref<!tpu.dma_semaphore, #tpu.memory_space<semaphore_mem>>)
            %dma_wait3A_388 = tpu.memref_slice %arg10[%mul3A_379] : memref<2000000xi32, #tpu.memory_space<hbm>> -> memref<800xi32, #tpu.memory_space<hbm>>
            %dma_wait3A_389 = tpu.memref_slice %arg10[%mul3A_379] : memref<2000000xi32, #tpu.memory_space<hbm>> -> memref<800xi32, #tpu.memory_space<hbm>>
            tpu.wait_dma2 semaphore(%run_scoped3A : memref<!tpu.dma_semaphore, #tpu.memory_space<semaphore_mem>>) src(%dma_wait3A_389 : memref<800xi32, #tpu.memory_space<hbm>>) dst(%arg25 : memref<800xi32, #tpu.memory_space<vmem>>)
            tpu.yield
          }) : () -> ()
          "tpu.region"() ({
            %run_scoped3A = tpu.sem_alloc : memref<!tpu.dma_semaphore, #tpu.memory_space<semaphore_mem>>
            %dma_start3A_386 = tpu.memref_slice %arg11[%mul3A_379] : memref<2000000xf32, #tpu.memory_space<hbm>> -> memref<800xf32, #tpu.memory_space<hbm>>
            %dma_start3A_387 = tpu.memref_slice %arg11[%mul3A_379] : memref<2000000xf32, #tpu.memory_space<hbm>> -> memref<800xf32, #tpu.memory_space<hbm>>
            tpu.enqueue_dma source(%dma_start3A_387 : memref<800xf32, #tpu.memory_space<hbm>>) target(%arg27 : memref<800xf32, #tpu.memory_space<vmem>>) target_semaphore(%run_scoped3A : memref<!tpu.dma_semaphore, #tpu.memory_space<semaphore_mem>>)
            %dma_wait3A_388 = tpu.memref_slice %arg11[%mul3A_379] : memref<2000000xf32, #tpu.memory_space<hbm>> -> memref<800xf32, #tpu.memory_space<hbm>>
            %dma_wait3A_389 = tpu.memref_slice %arg11[%mul3A_379] : memref<2000000xf32, #tpu.memory_space<hbm>> -> memref<800xf32, #tpu.memory_space<hbm>>
            tpu.wait_dma2 semaphore(%run_scoped3A : memref<!tpu.dma_semaphore, #tpu.memory_space<semaphore_mem>>) src(%dma_wait3A_389 : memref<800xf32, #tpu.memory_space<hbm>>) dst(%arg27 : memref<800xf32, #tpu.memory_space<vmem>>)
            tpu.yield
          }) : () -> ()
          "tpu.region"() ({
            %run_scoped3A = tpu.sem_alloc : memref<!tpu.dma_semaphore, #tpu.memory_space<semaphore_mem>>
            %dma_start3A_386 = tpu.memref_slice %arg12[%mul3A_379] : memref<2000000xf32, #tpu.memory_space<hbm>> -> memref<800xf32, #tpu.memory_space<hbm>>
            %dma_start3A_387 = tpu.memref_slice %arg12[%mul3A_379] : memref<2000000xf32, #tpu.memory_space<hbm>> -> memref<800xf32, #tpu.memory_space<hbm>>
            tpu.enqueue_dma source(%dma_start3A_387 : memref<800xf32, #tpu.memory_space<hbm>>) target(%arg29 : memref<800xf32, #tpu.memory_space<vmem>>) target_semaphore(%run_scoped3A : memref<!tpu.dma_semaphore, #tpu.memory_space<semaphore_mem>>)
            %dma_wait3A_388 = tpu.memref_slice %arg12[%mul3A_379] : memref<2000000xf32, #tpu.memory_space<hbm>> -> memref<800xf32, #tpu.memory_space<hbm>>
            %dma_wait3A_389 = tpu.memref_slice %arg12[%mul3A_379] : memref<2000000xf32, #tpu.memory_space<hbm>> -> memref<800xf32, #tpu.memory_space<hbm>>
            tpu.wait_dma2 semaphore(%run_scoped3A : memref<!tpu.dma_semaphore, #tpu.memory_space<semaphore_mem>>) src(%dma_wait3A_389 : memref<800xf32, #tpu.memory_space<hbm>>) dst(%arg29 : memref<800xf32, #tpu.memory_space<vmem>>)
            tpu.yield
          }) : () -> ()
          %dma_start3A_380 = arith.constant 0 : i32
          %dma_start3A_381 = tpu.memref_slice %arg4[%dma_start3A_380] : memref<100000xf32, #tpu.memory_space<hbm>> -> memref<100000xf32, #tpu.memory_space<hbm>>
          tpu.enqueue_indirect_dma source(%dma_start3A_381 : memref<100000xf32, #tpu.memory_space<hbm>>) target(%arg33 : memref<800xf32, #tpu.memory_space<vmem>>) offsets(%arg23 : memref<800xi32, #tpu.memory_space<vmem>>) semaphore(%arg38 : memref<!tpu.dma_semaphore, #tpu.memory_space<semaphore_mem>>)
          %dma_start3A_382 = arith.constant 0 : i32
          %dma_start3A_383 = tpu.memref_slice %arg5[%dma_start3A_382] : memref<100000xf32, #tpu.memory_space<hbm>> -> memref<100000xf32, #tpu.memory_space<hbm>>
          tpu.enqueue_indirect_dma source(%dma_start3A_383 : memref<100000xf32, #tpu.memory_space<hbm>>) target(%arg34 : memref<800xf32, #tpu.memory_space<vmem>>) offsets(%arg23 : memref<800xi32, #tpu.memory_space<vmem>>) semaphore(%arg38 : memref<!tpu.dma_semaphore, #tpu.memory_space<semaphore_mem>>)
          %dma_start3A_384 = arith.constant 0 : i32
          %dma_start3A_385 = tpu.memref_slice %arg6[%dma_start3A_384] : memref<100000xf32, #tpu.memory_space<hbm>> -> memref<100000xf32, #tpu.memory_space<hbm>>
          tpu.enqueue_indirect_dma source(%dma_start3A_385 : memref<100000xf32, #tpu.memory_space<hbm>>) target(%arg35 : memref<800xf32, #tpu.memory_space<vmem>>) offsets(%arg23 : memref<800xi32, #tpu.memory_space<vmem>>) semaphore(%arg38 : memref<!tpu.dma_semaphore, #tpu.memory_space<semaphore_mem>>)
        } else {
        }
        %parallel_loop3A = arith.constant 0 : i32
        %parallel_loop3A_372 = arith.constant 50 : i32
        %parallel_loop3A_373 = arith.constant 1 : i32
        scf.for %parallel_loop3A_378 = %parallel_loop3A to %parallel_loop3A_372 step %parallel_loop3A_373  : i32 {
          %parallel_loop3A_379 = arith.constant 16 : i32
          %parallel_loop3A_380 = arith.muli %parallel_loop3A_378, %parallel_loop3A_379 : i32
          %parallel_loop3A_381 = arith.index_cast %parallel_loop3A_380 : i32 to index
          %parallel_loop3A_382 = tpu.vector_load %arg24[%parallel_loop3A_381] {strides = array<i32>} : memref<800xi32, #tpu.memory_space<vmem>>, vector<16xi32>,
          %parallel_loop3A_383 = arith.index_cast %parallel_loop3A_380 : i32 to index
          %parallel_loop3A_384 = tpu.vector_load %arg30[%parallel_loop3A_383] {strides = array<i32>} : memref<800xf32, #tpu.memory_space<vmem>>, vector<16xf32>,
          %parallel_loop3A_385 = arith.index_cast %parallel_loop3A_380 : i32 to index
          %parallel_loop3A_386 = tpu.vector_load %arg31[%parallel_loop3A_385] {strides = array<i32>} : memref<800xf32, #tpu.memory_space<vmem>>, vector<16xf32>,
          %parallel_loop3A_387 = arith.index_cast %parallel_loop3A_380 : i32 to index
          %parallel_loop3A_388 = tpu.vector_load %arg32[%parallel_loop3A_387] {strides = array<i32>} : memref<800xf32, #tpu.memory_space<vmem>>, vector<16xf32>,
          %parallel_loop3A_389 = arith.constant 0 : i32
          %parallel_loop3A_390 = vector.broadcast %parallel_loop3A_389 : i32 to vector<16xi32>
          %parallel_loop3A_391 = arith.addi %parallel_loop3A_382, %parallel_loop3A_390 : vector<16xi32>
          %parallel_loop3A_392 = tpu.vector_load_idx %arg21[%parallel_loop3A_391] : memref<81920xf32, #tpu.memory_space<vmem>>[vector<16xi32>], vector<16xf32>,
          %parallel_loop3A_393 = arith.mulf %parallel_loop3A_392, %parallel_loop3A_384 : vector<16xf32>
          %parallel_loop3A_394 = arith.constant 1 : i32
          %parallel_loop3A_395 = vector.broadcast %parallel_loop3A_394 : i32 to vector<16xi32>
          %parallel_loop3A_396 = arith.addi %parallel_loop3A_382, %parallel_loop3A_395 : vector<16xi32>
          %parallel_loop3A_397 = tpu.vector_load_idx %arg21[%parallel_loop3A_396] : memref<81920xf32, #tpu.memory_space<vmem>>[vector<16xi32>], vector<16xf32>,
          %parallel_loop3A_398 = arith.mulf %parallel_loop3A_397, %parallel_loop3A_386 : vector<16xf32>
          %parallel_loop3A_399 = arith.addf %parallel_loop3A_393, %parallel_loop3A_398 : vector<16xf32>
          %parallel_loop3A_400 = arith.constant 2 : i32
          %parallel_loop3A_401 = vector.broadcast %parallel_loop3A_400 : i32 to vector<16xi32>
          %parallel_loop3A_402 = arith.addi %parallel_loop3A_382, %parallel_loop3A_401 : vector<16xi32>
          %parallel_loop3A_403 = tpu.vector_load_idx %arg21[%parallel_loop3A_402] : memref<81920xf32, #tpu.memory_space<vmem>>[vector<16xi32>], vector<16xf32>,
          %parallel_loop3A_404 = arith.mulf %parallel_loop3A_403, %parallel_loop3A_388 : vector<16xf32>
          %parallel_loop3A_405 = arith.addf %parallel_loop3A_399, %parallel_loop3A_404 : vector<16xf32>
          %parallel_loop3A_406 = arith.constant 9 : i32
          %parallel_loop3A_407 = vector.broadcast %parallel_loop3A_406 : i32 to vector<16xi32>
          %parallel_loop3A_408 = arith.addi %parallel_loop3A_382, %parallel_loop3A_407 : vector<16xi32>
          %parallel_loop3A_409 = tpu.vector_load_idx %arg21[%parallel_loop3A_408] : memref<81920xf32, #tpu.memory_space<vmem>>[vector<16xi32>], vector<16xf32>,
          %parallel_loop3A_410 = arith.addf %parallel_loop3A_405, %parallel_loop3A_409 : vector<16xf32>
          %parallel_loop3A_411 = vector.bitcast %parallel_loop3A_410 : vector<16xf32> to vector<16xi32>
          %parallel_loop3A_412 = arith.constant 32767 : i32
          %parallel_loop3A_413 = vector.broadcast %parallel_loop3A_412 : i32 to vector<16xi32>
          %parallel_loop3A_414 = arith.addi %parallel_loop3A_411, %parallel_loop3A_413 : vector<16xi32>
          %parallel_loop3A_415 = arith.constant 16 : i32
          %parallel_loop3A_416 = vector.broadcast %parallel_loop3A_415 : i32 to vector<16xi32>
          %parallel_loop3A_417 = arith.shrsi %parallel_loop3A_411, %parallel_loop3A_416 : vector<16xi32>
          %parallel_loop3A_418 = arith.constant 1 : i32
          %parallel_loop3A_419 = vector.broadcast %parallel_loop3A_418 : i32 to vector<16xi32>
          %parallel_loop3A_420 = arith.andi %parallel_loop3A_417, %parallel_loop3A_419 : vector<16xi32>
          %parallel_loop3A_421 = arith.addi %parallel_loop3A_414, %parallel_loop3A_420 : vector<16xi32>
          %parallel_loop3A_422 = arith.constant -65536 : i32
          %parallel_loop3A_423 = vector.broadcast %parallel_loop3A_422 : i32 to vector<16xi32>
          %parallel_loop3A_424 = arith.andi %parallel_loop3A_421, %parallel_loop3A_423 : vector<16xi32>
          %parallel_loop3A_425 = vector.bitcast %parallel_loop3A_424 : vector<16xi32> to vector<16xf32>
          %parallel_loop3A_426 = arith.constant 3 : i32
          %parallel_loop3A_427 = vector.broadcast %parallel_loop3A_426 : i32 to vector<16xi32>
          %parallel_loop3A_428 = arith.addi %parallel_loop3A_382, %parallel_loop3A_427 : vector<16xi32>
          %parallel_loop3A_429 = tpu.vector_load_idx %arg21[%parallel_loop3A_428] : memref<81920xf32, #tpu.memory_space<vmem>>[vector<16xi32>], vector<16xf32>,
          %parallel_loop3A_430 = arith.mulf %parallel_loop3A_429, %parallel_loop3A_384 : vector<16xf32>
          %parallel_loop3A_431 = arith.constant 4 : i32
          %parallel_loop3A_432 = vector.broadcast %parallel_loop3A_431 : i32 to vector<16xi32>
          %parallel_loop3A_433 = arith.addi %parallel_loop3A_382, %parallel_loop3A_432 : vector<16xi32>
          %parallel_loop3A_434 = tpu.vector_load_idx %arg21[%parallel_loop3A_433] : memref<81920xf32, #tpu.memory_space<vmem>>[vector<16xi32>], vector<16xf32>,
          %parallel_loop3A_435 = arith.mulf %parallel_loop3A_434, %parallel_loop3A_386 : vector<16xf32>
          %parallel_loop3A_436 = arith.addf %parallel_loop3A_430, %parallel_loop3A_435 : vector<16xf32>
          %parallel_loop3A_437 = arith.constant 5 : i32
          %parallel_loop3A_438 = vector.broadcast %parallel_loop3A_437 : i32 to vector<16xi32>
          %parallel_loop3A_439 = arith.addi %parallel_loop3A_382, %parallel_loop3A_438 : vector<16xi32>
          %parallel_loop3A_440 = tpu.vector_load_idx %arg21[%parallel_loop3A_439] : memref<81920xf32, #tpu.memory_space<vmem>>[vector<16xi32>], vector<16xf32>,
          %parallel_loop3A_441 = arith.mulf %parallel_loop3A_440, %parallel_loop3A_388 : vector<16xf32>
          %parallel_loop3A_442 = arith.addf %parallel_loop3A_436, %parallel_loop3A_441 : vector<16xf32>
          %parallel_loop3A_443 = arith.constant 10 : i32
          %parallel_loop3A_444 = vector.broadcast %parallel_loop3A_443 : i32 to vector<16xi32>
          %parallel_loop3A_445 = arith.addi %parallel_loop3A_382, %parallel_loop3A_444 : vector<16xi32>
          %parallel_loop3A_446 = tpu.vector_load_idx %arg21[%parallel_loop3A_445] : memref<81920xf32, #tpu.memory_space<vmem>>[vector<16xi32>], vector<16xf32>,
          %parallel_loop3A_447 = arith.addf %parallel_loop3A_442, %parallel_loop3A_446 : vector<16xf32>
          %parallel_loop3A_448 = vector.bitcast %parallel_loop3A_447 : vector<16xf32> to vector<16xi32>
          %parallel_loop3A_449 = arith.constant 32767 : i32
          %parallel_loop3A_450 = vector.broadcast %parallel_loop3A_449 : i32 to vector<16xi32>
          %parallel_loop3A_451 = arith.addi %parallel_loop3A_448, %parallel_loop3A_450 : vector<16xi32>
          %parallel_loop3A_452 = arith.constant 16 : i32
          %parallel_loop3A_453 = vector.broadcast %parallel_loop3A_452 : i32 to vector<16xi32>
          %parallel_loop3A_454 = arith.shrsi %parallel_loop3A_448, %parallel_loop3A_453 : vector<16xi32>
          %parallel_loop3A_455 = arith.constant 1 : i32
          %parallel_loop3A_456 = vector.broadcast %parallel_loop3A_455 : i32 to vector<16xi32>
          %parallel_loop3A_457 = arith.andi %parallel_loop3A_454, %parallel_loop3A_456 : vector<16xi32>
          %parallel_loop3A_458 = arith.addi %parallel_loop3A_451, %parallel_loop3A_457 : vector<16xi32>
          %parallel_loop3A_459 = arith.constant -65536 : i32
          %parallel_loop3A_460 = vector.broadcast %parallel_loop3A_459 : i32 to vector<16xi32>
          %parallel_loop3A_461 = arith.andi %parallel_loop3A_458, %parallel_loop3A_460 : vector<16xi32>
          %parallel_loop3A_462 = vector.bitcast %parallel_loop3A_461 : vector<16xi32> to vector<16xf32>
          %parallel_loop3A_463 = arith.constant 6 : i32
          %parallel_loop3A_464 = vector.broadcast %parallel_loop3A_463 : i32 to vector<16xi32>
          %parallel_loop3A_465 = arith.addi %parallel_loop3A_382, %parallel_loop3A_464 : vector<16xi32>
          %parallel_loop3A_466 = tpu.vector_load_idx %arg21[%parallel_loop3A_465] : memref<81920xf32, #tpu.memory_space<vmem>>[vector<16xi32>], vector<16xf32>,
          %parallel_loop3A_467 = arith.mulf %parallel_loop3A_466, %parallel_loop3A_384 : vector<16xf32>
          %parallel_loop3A_468 = arith.constant 7 : i32
          %parallel_loop3A_469 = vector.broadcast %parallel_loop3A_468 : i32 to vector<16xi32>
          %parallel_loop3A_470 = arith.addi %parallel_loop3A_382, %parallel_loop3A_469 : vector<16xi32>
          %parallel_loop3A_471 = tpu.vector_load_idx %arg21[%parallel_loop3A_470] : memref<81920xf32, #tpu.memory_space<vmem>>[vector<16xi32>], vector<16xf32>,
          %parallel_loop3A_472 = arith.mulf %parallel_loop3A_471, %parallel_loop3A_386 : vector<16xf32>
          %parallel_loop3A_473 = arith.addf %parallel_loop3A_467, %parallel_loop3A_472 : vector<16xf32>
          %parallel_loop3A_474 = arith.constant 8 : i32
          %parallel_loop3A_475 = vector.broadcast %parallel_loop3A_474 : i32 to vector<16xi32>
          %parallel_loop3A_476 = arith.addi %parallel_loop3A_382, %parallel_loop3A_475 : vector<16xi32>
          %parallel_loop3A_477 = tpu.vector_load_idx %arg21[%parallel_loop3A_476] : memref<81920xf32, #tpu.memory_space<vmem>>[vector<16xi32>], vector<16xf32>,
          %parallel_loop3A_478 = arith.mulf %parallel_loop3A_477, %parallel_loop3A_388 : vector<16xf32>
          %parallel_loop3A_479 = arith.addf %parallel_loop3A_473, %parallel_loop3A_478 : vector<16xf32>
          %parallel_loop3A_480 = arith.constant 11 : i32
          %parallel_loop3A_481 = vector.broadcast %parallel_loop3A_480 : i32 to vector<16xi32>
          %parallel_loop3A_482 = arith.addi %parallel_loop3A_382, %parallel_loop3A_481 : vector<16xi32>
          %parallel_loop3A_483 = tpu.vector_load_idx %arg21[%parallel_loop3A_482] : memref<81920xf32, #tpu.memory_space<vmem>>[vector<16xi32>], vector<16xf32>,
          %parallel_loop3A_484 = arith.addf %parallel_loop3A_479, %parallel_loop3A_483 : vector<16xf32>
          %parallel_loop3A_485 = vector.bitcast %parallel_loop3A_484 : vector<16xf32> to vector<16xi32>
          %parallel_loop3A_486 = arith.constant 32767 : i32
          %parallel_loop3A_487 = vector.broadcast %parallel_loop3A_486 : i32 to vector<16xi32>
          %parallel_loop3A_488 = arith.addi %parallel_loop3A_485, %parallel_loop3A_487 : vector<16xi32>
          %parallel_loop3A_489 = arith.constant 16 : i32
          %parallel_loop3A_490 = vector.broadcast %parallel_loop3A_489 : i32 to vector<16xi32>
          %parallel_loop3A_491 = arith.shrsi %parallel_loop3A_485, %parallel_loop3A_490 : vector<16xi32>
          %parallel_loop3A_492 = arith.constant 1 : i32
          %parallel_loop3A_493 = vector.broadcast %parallel_loop3A_492 : i32 to vector<16xi32>
          %parallel_loop3A_494 = arith.andi %parallel_loop3A_491, %parallel_loop3A_493 : vector<16xi32>
          %parallel_loop3A_495 = arith.addi %parallel_loop3A_488, %parallel_loop3A_494 : vector<16xi32>
          %parallel_loop3A_496 = arith.constant -65536 : i32
          %parallel_loop3A_497 = vector.broadcast %parallel_loop3A_496 : i32 to vector<16xi32>
          %parallel_loop3A_498 = arith.andi %parallel_loop3A_495, %parallel_loop3A_497 : vector<16xi32>
          %parallel_loop3A_499 = vector.bitcast %parallel_loop3A_498 : vector<16xi32> to vector<16xf32>
          %parallel_loop3A_500 = arith.constant 12 : i32
          %parallel_loop3A_501 = vector.broadcast %parallel_loop3A_500 : i32 to vector<16xi32>
          %parallel_loop3A_502 = arith.addi %parallel_loop3A_382, %parallel_loop3A_501 : vector<16xi32>
          %parallel_loop3A_503 = tpu.vector_load_idx %arg21[%parallel_loop3A_502] : memref<81920xf32, #tpu.memory_space<vmem>>[vector<16xi32>], vector<16xf32>,
          %parallel_loop3A_504 = arith.mulf %parallel_loop3A_503, %parallel_loop3A_425 : vector<16xf32>
          %parallel_loop3A_505 = arith.constant 14 : i32
          %parallel_loop3A_506 = vector.broadcast %parallel_loop3A_505 : i32 to vector<16xi32>
          %parallel_loop3A_507 = arith.addi %parallel_loop3A_382, %parallel_loop3A_506 : vector<16xi32>
          %parallel_loop3A_508 = tpu.vector_load_idx %arg21[%parallel_loop3A_507] : memref<81920xf32, #tpu.memory_space<vmem>>[vector<16xi32>], vector<16xf32>,
          %parallel_loop3A_509 = arith.mulf %parallel_loop3A_508, %parallel_loop3A_499 : vector<16xf32>
          %parallel_loop3A_510 = arith.addf %parallel_loop3A_504, %parallel_loop3A_509 : vector<16xf32>
          %parallel_loop3A_511 = arith.constant 13 : i32
          %parallel_loop3A_512 = vector.broadcast %parallel_loop3A_511 : i32 to vector<16xi32>
          %parallel_loop3A_513 = arith.addi %parallel_loop3A_382, %parallel_loop3A_512 : vector<16xi32>
          %parallel_loop3A_514 = tpu.vector_load_idx %arg21[%parallel_loop3A_513] : memref<81920xf32, #tpu.memory_space<vmem>>[vector<16xi32>], vector<16xf32>,
          %parallel_loop3A_515 = arith.mulf %parallel_loop3A_514, %parallel_loop3A_462 : vector<16xf32>
          %parallel_loop3A_516 = arith.constant 15 : i32
          %parallel_loop3A_517 = vector.broadcast %parallel_loop3A_516 : i32 to vector<16xi32>
          %parallel_loop3A_518 = arith.addi %parallel_loop3A_382, %parallel_loop3A_517 : vector<16xi32>
          %parallel_loop3A_519 = tpu.vector_load_idx %arg21[%parallel_loop3A_518] : memref<81920xf32, #tpu.memory_space<vmem>>[vector<16xi32>], vector<16xf32>,
          %parallel_loop3A_520 = arith.mulf %parallel_loop3A_519, %parallel_loop3A_499 : vector<16xf32>
          %parallel_loop3A_521 = arith.addf %parallel_loop3A_515, %parallel_loop3A_520 : vector<16xf32>
          %parallel_loop3A_522 = arith.constant 16 : i32
          %parallel_loop3A_523 = arith.muli %parallel_loop3A_378, %parallel_loop3A_522 : i32
          %parallel_loop3A_524 = vector.broadcast %parallel_loop3A_523 : i32 to vector<16xi32>
          %parallel_loop3A_525 = arith.addi %iota3A, %parallel_loop3A_524 : vector<16xi32>
          %parallel_loop3A_526 = arith.constant 2 : i32
          %parallel_loop3A_527 = vector.broadcast %parallel_loop3A_526 : i32 to vector<16xi32>
          %parallel_loop3A_528 = arith.muli %parallel_loop3A_525, %parallel_loop3A_527 : vector<16xi32>
          %parallel_loop3A_529 = arith.divf %parallel_loop3A_510, %parallel_loop3A_499 : vector<16xf32>
          %parallel_loop3A_530 = arith.index_cast %parallel_loop3A_380 : i32 to index
          %parallel_loop3A_531 = tpu.vector_load %arg26[%parallel_loop3A_530] {strides = array<i32>} : memref<800xf32, #tpu.memory_space<vmem>>, vector<16xf32>,
          %parallel_loop3A_532 = arith.subf %parallel_loop3A_529, %parallel_loop3A_531 : vector<16xf32>
          tpu.vector_store_idx %arg36[%parallel_loop3A_528], %parallel_loop3A_532 : memref<1600xf32, #tpu.memory_space<vmem>>[vector<16xi32>], vector<16xf32>,
          %parallel_loop3A_533 = arith.constant 1 : i32
          %parallel_loop3A_534 = vector.broadcast %parallel_loop3A_533 : i32 to vector<16xi32>
          %parallel_loop3A_535 = arith.addi %parallel_loop3A_528, %parallel_loop3A_534 : vector<16xi32>
          %parallel_loop3A_536 = arith.divf %parallel_loop3A_521, %parallel_loop3A_499 : vector<16xf32>
          %parallel_loop3A_537 = arith.index_cast %parallel_loop3A_380 : i32 to index
          %parallel_loop3A_538 = tpu.vector_load %arg28[%parallel_loop3A_537] {strides = array<i32>} : memref<800xf32, #tpu.memory_space<vmem>>, vector<16xf32>,
          %parallel_loop3A_539 = arith.subf %parallel_loop3A_536, %parallel_loop3A_538 : vector<16xf32>
          tpu.vector_store_idx %arg36[%parallel_loop3A_535], %parallel_loop3A_539 : memref<1600xf32, #tpu.memory_space<vmem>>[vector<16xi32>], vector<16xf32>,
        } {sc.loop_unroll_factor = 2 : i64, sc.parallel_access}
        %mul3A_374 = arith.constant 2 : i32
        %mul3A_375 = arith.muli %add3A_345, %mul3A_374 : i32
        %mul3A_376 = arith.constant 800 : i32
        %mul3A_377 = arith.muli %mul3A_375, %mul3A_376 : i32
        "tpu.region"() ({
          %run_scoped3A = tpu.sem_alloc : memref<!tpu.dma_semaphore, #tpu.memory_space<semaphore_mem>>
          %dma_start3A_378 = tpu.memref_slice %arg13[%mul3A_377] : memref<4000000xf32, #tpu.memory_space<hbm>> -> memref<1600xf32, #tpu.memory_space<hbm>>
          %dma_start3A_379 = tpu.memref_slice %arg13[%mul3A_377] : memref<4000000xf32, #tpu.memory_space<hbm>> -> memref<1600xf32, #tpu.memory_space<hbm>>
          tpu.enqueue_dma source(%arg36 : memref<1600xf32, #tpu.memory_space<vmem>>) target(%dma_start3A_379 : memref<1600xf32, #tpu.memory_space<hbm>>) target_semaphore(%run_scoped3A : memref<!tpu.dma_semaphore, #tpu.memory_space<semaphore_mem>>)
          %dma_wait3A_380 = tpu.memref_slice %arg13[%mul3A_377] : memref<4000000xf32, #tpu.memory_space<hbm>> -> memref<1600xf32, #tpu.memory_space<hbm>>
          %dma_wait3A_381 = tpu.memref_slice %arg13[%mul3A_377] : memref<4000000xf32, #tpu.memory_space<hbm>> -> memref<1600xf32, #tpu.memory_space<hbm>>
          tpu.wait_dma2 semaphore(%run_scoped3A : memref<!tpu.dma_semaphore, #tpu.memory_space<semaphore_mem>>) src(%arg36 : memref<1600xf32, #tpu.memory_space<vmem>>) dst(%dma_wait3A_381 : memref<1600xf32, #tpu.memory_space<hbm>>)
          tpu.yield
        }) : () -> ()
      } else {
      }
      %mul3A_348 = arith.constant 2 : i32
      %mul3A_349 = arith.muli %mul3A_348, %scan3A_338 : i32
      %add3A_350 = arith.constant 1 : i32
      %add3A_351 = arith.addi %mul3A_349, %add3A_350 : i32
      %mul3A_352 = arith.constant 32 : i32
      %mul3A_353 = arith.muli %mul3A_352, %add3A_351 : i32
      %add3A_354 = arith.addi %add3A, %mul3A_353 : i32
      %lt3A_355 = arith.constant 2500 : i32
      %lt3A_356 = arith.cmpi slt, %add3A_354, %lt3A_355 : i32
      %convert_element_type3A_357 = arith.extui %lt3A_356 : i1 to i32
      %cond3A_358 = arith.constant 0 : i32
      %cond3A_359 = arith.cmpi ne, %convert_element_type3A_357, %cond3A_358 : i32
      scf.if %cond3A_359 {
        %dma_wait3A = arith.constant 0 : i32
        %dma_wait3A_360 = tpu.memref_slice %arg4[%dma_wait3A] : memref<100000xf32, #tpu.memory_space<hbm>> -> memref<100000xf32, #tpu.memory_space<hbm>>
        tpu.wait_indirect_dma semaphore(%arg38 : memref<!tpu.dma_semaphore, #tpu.memory_space<semaphore_mem>>) src(%dma_wait3A_360 : memref<100000xf32, #tpu.memory_space<hbm>>) dst(%arg33 : memref<800xf32, #tpu.memory_space<vmem>>)
        %dma_wait3A_361 = arith.constant 0 : i32
        %dma_wait3A_362 = tpu.memref_slice %arg5[%dma_wait3A_361] : memref<100000xf32, #tpu.memory_space<hbm>> -> memref<100000xf32, #tpu.memory_space<hbm>>
        tpu.wait_indirect_dma semaphore(%arg38 : memref<!tpu.dma_semaphore, #tpu.memory_space<semaphore_mem>>) src(%dma_wait3A_362 : memref<100000xf32, #tpu.memory_space<hbm>>) dst(%arg34 : memref<800xf32, #tpu.memory_space<vmem>>)
        %dma_wait3A_363 = arith.constant 0 : i32
        %dma_wait3A_364 = tpu.memref_slice %arg6[%dma_wait3A_363] : memref<100000xf32, #tpu.memory_space<hbm>> -> memref<100000xf32, #tpu.memory_space<hbm>>
        tpu.wait_indirect_dma semaphore(%arg38 : memref<!tpu.dma_semaphore, #tpu.memory_space<semaphore_mem>>) src(%dma_wait3A_364 : memref<100000xf32, #tpu.memory_space<hbm>>) dst(%arg35 : memref<800xf32, #tpu.memory_space<vmem>>)
        %add3A_365 = arith.constant 32 : i32
        %add3A_366 = arith.addi %add3A_354, %add3A_365 : i32
        %lt3A_367 = arith.constant 2500 : i32
        %lt3A_368 = arith.cmpi slt, %add3A_366, %lt3A_367 : i32
        %convert_element_type3A_369 = arith.extui %lt3A_368 : i1 to i32
        %cond3A_370 = arith.constant 0 : i32
        %cond3A_371 = arith.cmpi ne, %convert_element_type3A_369, %cond3A_370 : i32
        scf.if %cond3A_371 {
          %mul3A_378 = arith.constant 800 : i32
          %mul3A_379 = arith.muli %add3A_366, %mul3A_378 : i32
          "tpu.region"() ({
            %run_scoped3A = tpu.sem_alloc : memref<!tpu.dma_semaphore, #tpu.memory_space<semaphore_mem>>
            %dma_start3A_386 = tpu.memref_slice %arg9[%mul3A_379] : memref<2000000xi32, #tpu.memory_space<hbm>> -> memref<800xi32, #tpu.memory_space<hbm>>
            %dma_start3A_387 = tpu.memref_slice %arg9[%mul3A_379] : memref<2000000xi32, #tpu.memory_space<hbm>> -> memref<800xi32, #tpu.memory_space<hbm>>
            tpu.enqueue_dma source(%dma_start3A_387 : memref<800xi32, #tpu.memory_space<hbm>>) target(%arg22 : memref<800xi32, #tpu.memory_space<vmem>>) target_semaphore(%run_scoped3A : memref<!tpu.dma_semaphore, #tpu.memory_space<semaphore_mem>>)
            %dma_wait3A_388 = tpu.memref_slice %arg9[%mul3A_379] : memref<2000000xi32, #tpu.memory_space<hbm>> -> memref<800xi32, #tpu.memory_space<hbm>>
            %dma_wait3A_389 = tpu.memref_slice %arg9[%mul3A_379] : memref<2000000xi32, #tpu.memory_space<hbm>> -> memref<800xi32, #tpu.memory_space<hbm>>
            tpu.wait_dma2 semaphore(%run_scoped3A : memref<!tpu.dma_semaphore, #tpu.memory_space<semaphore_mem>>) src(%dma_wait3A_389 : memref<800xi32, #tpu.memory_space<hbm>>) dst(%arg22 : memref<800xi32, #tpu.memory_space<vmem>>)
            tpu.yield
          }) : () -> ()
          "tpu.region"() ({
            %run_scoped3A = tpu.sem_alloc : memref<!tpu.dma_semaphore, #tpu.memory_space<semaphore_mem>>
            %dma_start3A_386 = tpu.memref_slice %arg10[%mul3A_379] : memref<2000000xi32, #tpu.memory_space<hbm>> -> memref<800xi32, #tpu.memory_space<hbm>>
            %dma_start3A_387 = tpu.memref_slice %arg10[%mul3A_379] : memref<2000000xi32, #tpu.memory_space<hbm>> -> memref<800xi32, #tpu.memory_space<hbm>>
            tpu.enqueue_dma source(%dma_start3A_387 : memref<800xi32, #tpu.memory_space<hbm>>) target(%arg24 : memref<800xi32, #tpu.memory_space<vmem>>) target_semaphore(%run_scoped3A : memref<!tpu.dma_semaphore, #tpu.memory_space<semaphore_mem>>)
            %dma_wait3A_388 = tpu.memref_slice %arg10[%mul3A_379] : memref<2000000xi32, #tpu.memory_space<hbm>> -> memref<800xi32, #tpu.memory_space<hbm>>
            %dma_wait3A_389 = tpu.memref_slice %arg10[%mul3A_379] : memref<2000000xi32, #tpu.memory_space<hbm>> -> memref<800xi32, #tpu.memory_space<hbm>>
            tpu.wait_dma2 semaphore(%run_scoped3A : memref<!tpu.dma_semaphore, #tpu.memory_space<semaphore_mem>>) src(%dma_wait3A_389 : memref<800xi32, #tpu.memory_space<hbm>>) dst(%arg24 : memref<800xi32, #tpu.memory_space<vmem>>)
            tpu.yield
          }) : () -> ()
          "tpu.region"() ({
            %run_scoped3A = tpu.sem_alloc : memref<!tpu.dma_semaphore, #tpu.memory_space<semaphore_mem>>
            %dma_start3A_386 = tpu.memref_slice %arg11[%mul3A_379] : memref<2000000xf32, #tpu.memory_space<hbm>> -> memref<800xf32, #tpu.memory_space<hbm>>
            %dma_start3A_387 = tpu.memref_slice %arg11[%mul3A_379] : memref<2000000xf32, #tpu.memory_space<hbm>> -> memref<800xf32, #tpu.memory_space<hbm>>
            tpu.enqueue_dma source(%dma_start3A_387 : memref<800xf32, #tpu.memory_space<hbm>>) target(%arg26 : memref<800xf32, #tpu.memory_space<vmem>>) target_semaphore(%run_scoped3A : memref<!tpu.dma_semaphore, #tpu.memory_space<semaphore_mem>>)
            %dma_wait3A_388 = tpu.memref_slice %arg11[%mul3A_379] : memref<2000000xf32, #tpu.memory_space<hbm>> -> memref<800xf32, #tpu.memory_space<hbm>>
            %dma_wait3A_389 = tpu.memref_slice %arg11[%mul3A_379] : memref<2000000xf32, #tpu.memory_space<hbm>> -> memref<800xf32, #tpu.memory_space<hbm>>
            tpu.wait_dma2 semaphore(%run_scoped3A : memref<!tpu.dma_semaphore, #tpu.memory_space<semaphore_mem>>) src(%dma_wait3A_389 : memref<800xf32, #tpu.memory_space<hbm>>) dst(%arg26 : memref<800xf32, #tpu.memory_space<vmem>>)
            tpu.yield
          }) : () -> ()
          "tpu.region"() ({
            %run_scoped3A = tpu.sem_alloc : memref<!tpu.dma_semaphore, #tpu.memory_space<semaphore_mem>>
            %dma_start3A_386 = tpu.memref_slice %arg12[%mul3A_379] : memref<2000000xf32, #tpu.memory_space<hbm>> -> memref<800xf32, #tpu.memory_space<hbm>>
            %dma_start3A_387 = tpu.memref_slice %arg12[%mul3A_379] : memref<2000000xf32, #tpu.memory_space<hbm>> -> memref<800xf32, #tpu.memory_space<hbm>>
            tpu.enqueue_dma source(%dma_start3A_387 : memref<800xf32, #tpu.memory_space<hbm>>) target(%arg28 : memref<800xf32, #tpu.memory_space<vmem>>) target_semaphore(%run_scoped3A : memref<!tpu.dma_semaphore, #tpu.memory_space<semaphore_mem>>)
            %dma_wait3A_388 = tpu.memref_slice %arg12[%mul3A_379] : memref<2000000xf32, #tpu.memory_space<hbm>> -> memref<800xf32, #tpu.memory_space<hbm>>
            %dma_wait3A_389 = tpu.memref_slice %arg12[%mul3A_379] : memref<2000000xf32, #tpu.memory_space<hbm>> -> memref<800xf32, #tpu.memory_space<hbm>>
            tpu.wait_dma2 semaphore(%run_scoped3A : memref<!tpu.dma_semaphore, #tpu.memory_space<semaphore_mem>>) src(%dma_wait3A_389 : memref<800xf32, #tpu.memory_space<hbm>>) dst(%arg28 : memref<800xf32, #tpu.memory_space<vmem>>)
            tpu.yield
          }) : () -> ()
          %dma_start3A_380 = arith.constant 0 : i32
          %dma_start3A_381 = tpu.memref_slice %arg4[%dma_start3A_380] : memref<100000xf32, #tpu.memory_space<hbm>> -> memref<100000xf32, #tpu.memory_space<hbm>>
          tpu.enqueue_indirect_dma source(%dma_start3A_381 : memref<100000xf32, #tpu.memory_space<hbm>>) target(%arg30 : memref<800xf32, #tpu.memory_space<vmem>>) offsets(%arg22 : memref<800xi32, #tpu.memory_space<vmem>>) semaphore(%arg38 : memref<!tpu.dma_semaphore, #tpu.memory_space<semaphore_mem>>)
          %dma_start3A_382 = arith.constant 0 : i32
          %dma_start3A_383 = tpu.memref_slice %arg5[%dma_start3A_382] : memref<100000xf32, #tpu.memory_space<hbm>> -> memref<100000xf32, #tpu.memory_space<hbm>>
          tpu.enqueue_indirect_dma source(%dma_start3A_383 : memref<100000xf32, #tpu.memory_space<hbm>>) target(%arg31 : memref<800xf32, #tpu.memory_space<vmem>>) offsets(%arg22 : memref<800xi32, #tpu.memory_space<vmem>>) semaphore(%arg38 : memref<!tpu.dma_semaphore, #tpu.memory_space<semaphore_mem>>)
          %dma_start3A_384 = arith.constant 0 : i32
          %dma_start3A_385 = tpu.memref_slice %arg6[%dma_start3A_384] : memref<100000xf32, #tpu.memory_space<hbm>> -> memref<100000xf32, #tpu.memory_space<hbm>>
          tpu.enqueue_indirect_dma source(%dma_start3A_385 : memref<100000xf32, #tpu.memory_space<hbm>>) target(%arg32 : memref<800xf32, #tpu.memory_space<vmem>>) offsets(%arg22 : memref<800xi32, #tpu.memory_space<vmem>>) semaphore(%arg38 : memref<!tpu.dma_semaphore, #tpu.memory_space<semaphore_mem>>)
        } else {
        }
        %parallel_loop3A = arith.constant 0 : i32
        %parallel_loop3A_372 = arith.constant 50 : i32
        %parallel_loop3A_373 = arith.constant 1 : i32
        scf.for %parallel_loop3A_378 = %parallel_loop3A to %parallel_loop3A_372 step %parallel_loop3A_373  : i32 {
          %parallel_loop3A_379 = arith.constant 16 : i32
          %parallel_loop3A_380 = arith.muli %parallel_loop3A_378, %parallel_loop3A_379 : i32
          %parallel_loop3A_381 = arith.index_cast %parallel_loop3A_380 : i32 to index
          %parallel_loop3A_382 = tpu.vector_load %arg25[%parallel_loop3A_381] {strides = array<i32>} : memref<800xi32, #tpu.memory_space<vmem>>, vector<16xi32>,
          %parallel_loop3A_383 = arith.index_cast %parallel_loop3A_380 : i32 to index
          %parallel_loop3A_384 = tpu.vector_load %arg33[%parallel_loop3A_383] {strides = array<i32>} : memref<800xf32, #tpu.memory_space<vmem>>, vector<16xf32>,
          %parallel_loop3A_385 = arith.index_cast %parallel_loop3A_380 : i32 to index
          %parallel_loop3A_386 = tpu.vector_load %arg34[%parallel_loop3A_385] {strides = array<i32>} : memref<800xf32, #tpu.memory_space<vmem>>, vector<16xf32>,
          %parallel_loop3A_387 = arith.index_cast %parallel_loop3A_380 : i32 to index
          %parallel_loop3A_388 = tpu.vector_load %arg35[%parallel_loop3A_387] {strides = array<i32>} : memref<800xf32, #tpu.memory_space<vmem>>, vector<16xf32>,
          %parallel_loop3A_389 = arith.constant 0 : i32
          %parallel_loop3A_390 = vector.broadcast %parallel_loop3A_389 : i32 to vector<16xi32>
          %parallel_loop3A_391 = arith.addi %parallel_loop3A_382, %parallel_loop3A_390 : vector<16xi32>
          %parallel_loop3A_392 = tpu.vector_load_idx %arg21[%parallel_loop3A_391] : memref<81920xf32, #tpu.memory_space<vmem>>[vector<16xi32>], vector<16xf32>,
          %parallel_loop3A_393 = arith.mulf %parallel_loop3A_392, %parallel_loop3A_384 : vector<16xf32>
          %parallel_loop3A_394 = arith.constant 1 : i32
          %parallel_loop3A_395 = vector.broadcast %parallel_loop3A_394 : i32 to vector<16xi32>
          %parallel_loop3A_396 = arith.addi %parallel_loop3A_382, %parallel_loop3A_395 : vector<16xi32>
          %parallel_loop3A_397 = tpu.vector_load_idx %arg21[%parallel_loop3A_396] : memref<81920xf32, #tpu.memory_space<vmem>>[vector<16xi32>], vector<16xf32>,
          %parallel_loop3A_398 = arith.mulf %parallel_loop3A_397, %parallel_loop3A_386 : vector<16xf32>
          %parallel_loop3A_399 = arith.addf %parallel_loop3A_393, %parallel_loop3A_398 : vector<16xf32>
          %parallel_loop3A_400 = arith.constant 2 : i32
          %parallel_loop3A_401 = vector.broadcast %parallel_loop3A_400 : i32 to vector<16xi32>
          %parallel_loop3A_402 = arith.addi %parallel_loop3A_382, %parallel_loop3A_401 : vector<16xi32>
          %parallel_loop3A_403 = tpu.vector_load_idx %arg21[%parallel_loop3A_402] : memref<81920xf32, #tpu.memory_space<vmem>>[vector<16xi32>], vector<16xf32>,
          %parallel_loop3A_404 = arith.mulf %parallel_loop3A_403, %parallel_loop3A_388 : vector<16xf32>
          %parallel_loop3A_405 = arith.addf %parallel_loop3A_399, %parallel_loop3A_404 : vector<16xf32>
          %parallel_loop3A_406 = arith.constant 9 : i32
          %parallel_loop3A_407 = vector.broadcast %parallel_loop3A_406 : i32 to vector<16xi32>
          %parallel_loop3A_408 = arith.addi %parallel_loop3A_382, %parallel_loop3A_407 : vector<16xi32>
          %parallel_loop3A_409 = tpu.vector_load_idx %arg21[%parallel_loop3A_408] : memref<81920xf32, #tpu.memory_space<vmem>>[vector<16xi32>], vector<16xf32>,
          %parallel_loop3A_410 = arith.addf %parallel_loop3A_405, %parallel_loop3A_409 : vector<16xf32>
          %parallel_loop3A_411 = vector.bitcast %parallel_loop3A_410 : vector<16xf32> to vector<16xi32>
          %parallel_loop3A_412 = arith.constant 32767 : i32
          %parallel_loop3A_413 = vector.broadcast %parallel_loop3A_412 : i32 to vector<16xi32>
          %parallel_loop3A_414 = arith.addi %parallel_loop3A_411, %parallel_loop3A_413 : vector<16xi32>
          %parallel_loop3A_415 = arith.constant 16 : i32
          %parallel_loop3A_416 = vector.broadcast %parallel_loop3A_415 : i32 to vector<16xi32>
          %parallel_loop3A_417 = arith.shrsi %parallel_loop3A_411, %parallel_loop3A_416 : vector<16xi32>
          %parallel_loop3A_418 = arith.constant 1 : i32
          %parallel_loop3A_419 = vector.broadcast %parallel_loop3A_418 : i32 to vector<16xi32>
          %parallel_loop3A_420 = arith.andi %parallel_loop3A_417, %parallel_loop3A_419 : vector<16xi32>
          %parallel_loop3A_421 = arith.addi %parallel_loop3A_414, %parallel_loop3A_420 : vector<16xi32>
          %parallel_loop3A_422 = arith.constant -65536 : i32
          %parallel_loop3A_423 = vector.broadcast %parallel_loop3A_422 : i32 to vector<16xi32>
          %parallel_loop3A_424 = arith.andi %parallel_loop3A_421, %parallel_loop3A_423 : vector<16xi32>
          %parallel_loop3A_425 = vector.bitcast %parallel_loop3A_424 : vector<16xi32> to vector<16xf32>
          %parallel_loop3A_426 = arith.constant 3 : i32
          %parallel_loop3A_427 = vector.broadcast %parallel_loop3A_426 : i32 to vector<16xi32>
          %parallel_loop3A_428 = arith.addi %parallel_loop3A_382, %parallel_loop3A_427 : vector<16xi32>
          %parallel_loop3A_429 = tpu.vector_load_idx %arg21[%parallel_loop3A_428] : memref<81920xf32, #tpu.memory_space<vmem>>[vector<16xi32>], vector<16xf32>,
          %parallel_loop3A_430 = arith.mulf %parallel_loop3A_429, %parallel_loop3A_384 : vector<16xf32>
          %parallel_loop3A_431 = arith.constant 4 : i32
          %parallel_loop3A_432 = vector.broadcast %parallel_loop3A_431 : i32 to vector<16xi32>
          %parallel_loop3A_433 = arith.addi %parallel_loop3A_382, %parallel_loop3A_432 : vector<16xi32>
          %parallel_loop3A_434 = tpu.vector_load_idx %arg21[%parallel_loop3A_433] : memref<81920xf32, #tpu.memory_space<vmem>>[vector<16xi32>], vector<16xf32>,
          %parallel_loop3A_435 = arith.mulf %parallel_loop3A_434, %parallel_loop3A_386 : vector<16xf32>
          %parallel_loop3A_436 = arith.addf %parallel_loop3A_430, %parallel_loop3A_435 : vector<16xf32>
          %parallel_loop3A_437 = arith.constant 5 : i32
          %parallel_loop3A_438 = vector.broadcast %parallel_loop3A_437 : i32 to vector<16xi32>
          %parallel_loop3A_439 = arith.addi %parallel_loop3A_382, %parallel_loop3A_438 : vector<16xi32>
          %parallel_loop3A_440 = tpu.vector_load_idx %arg21[%parallel_loop3A_439] : memref<81920xf32, #tpu.memory_space<vmem>>[vector<16xi32>], vector<16xf32>,
          %parallel_loop3A_441 = arith.mulf %parallel_loop3A_440, %parallel_loop3A_388 : vector<16xf32>
          %parallel_loop3A_442 = arith.addf %parallel_loop3A_436, %parallel_loop3A_441 : vector<16xf32>
          %parallel_loop3A_443 = arith.constant 10 : i32
          %parallel_loop3A_444 = vector.broadcast %parallel_loop3A_443 : i32 to vector<16xi32>
          %parallel_loop3A_445 = arith.addi %parallel_loop3A_382, %parallel_loop3A_444 : vector<16xi32>
          %parallel_loop3A_446 = tpu.vector_load_idx %arg21[%parallel_loop3A_445] : memref<81920xf32, #tpu.memory_space<vmem>>[vector<16xi32>], vector<16xf32>,
          %parallel_loop3A_447 = arith.addf %parallel_loop3A_442, %parallel_loop3A_446 : vector<16xf32>
          %parallel_loop3A_448 = vector.bitcast %parallel_loop3A_447 : vector<16xf32> to vector<16xi32>
          %parallel_loop3A_449 = arith.constant 32767 : i32
          %parallel_loop3A_450 = vector.broadcast %parallel_loop3A_449 : i32 to vector<16xi32>
          %parallel_loop3A_451 = arith.addi %parallel_loop3A_448, %parallel_loop3A_450 : vector<16xi32>
          %parallel_loop3A_452 = arith.constant 16 : i32
          %parallel_loop3A_453 = vector.broadcast %parallel_loop3A_452 : i32 to vector<16xi32>
          %parallel_loop3A_454 = arith.shrsi %parallel_loop3A_448, %parallel_loop3A_453 : vector<16xi32>
          %parallel_loop3A_455 = arith.constant 1 : i32
          %parallel_loop3A_456 = vector.broadcast %parallel_loop3A_455 : i32 to vector<16xi32>
          %parallel_loop3A_457 = arith.andi %parallel_loop3A_454, %parallel_loop3A_456 : vector<16xi32>
          %parallel_loop3A_458 = arith.addi %parallel_loop3A_451, %parallel_loop3A_457 : vector<16xi32>
          %parallel_loop3A_459 = arith.constant -65536 : i32
          %parallel_loop3A_460 = vector.broadcast %parallel_loop3A_459 : i32 to vector<16xi32>
          %parallel_loop3A_461 = arith.andi %parallel_loop3A_458, %parallel_loop3A_460 : vector<16xi32>
          %parallel_loop3A_462 = vector.bitcast %parallel_loop3A_461 : vector<16xi32> to vector<16xf32>
          %parallel_loop3A_463 = arith.constant 6 : i32
          %parallel_loop3A_464 = vector.broadcast %parallel_loop3A_463 : i32 to vector<16xi32>
          %parallel_loop3A_465 = arith.addi %parallel_loop3A_382, %parallel_loop3A_464 : vector<16xi32>
          %parallel_loop3A_466 = tpu.vector_load_idx %arg21[%parallel_loop3A_465] : memref<81920xf32, #tpu.memory_space<vmem>>[vector<16xi32>], vector<16xf32>,
          %parallel_loop3A_467 = arith.mulf %parallel_loop3A_466, %parallel_loop3A_384 : vector<16xf32>
          %parallel_loop3A_468 = arith.constant 7 : i32
          %parallel_loop3A_469 = vector.broadcast %parallel_loop3A_468 : i32 to vector<16xi32>
          %parallel_loop3A_470 = arith.addi %parallel_loop3A_382, %parallel_loop3A_469 : vector<16xi32>
          %parallel_loop3A_471 = tpu.vector_load_idx %arg21[%parallel_loop3A_470] : memref<81920xf32, #tpu.memory_space<vmem>>[vector<16xi32>], vector<16xf32>,
          %parallel_loop3A_472 = arith.mulf %parallel_loop3A_471, %parallel_loop3A_386 : vector<16xf32>
          %parallel_loop3A_473 = arith.addf %parallel_loop3A_467, %parallel_loop3A_472 : vector<16xf32>
          %parallel_loop3A_474 = arith.constant 8 : i32
          %parallel_loop3A_475 = vector.broadcast %parallel_loop3A_474 : i32 to vector<16xi32>
          %parallel_loop3A_476 = arith.addi %parallel_loop3A_382, %parallel_loop3A_475 : vector<16xi32>
          %parallel_loop3A_477 = tpu.vector_load_idx %arg21[%parallel_loop3A_476] : memref<81920xf32, #tpu.memory_space<vmem>>[vector<16xi32>], vector<16xf32>,
          %parallel_loop3A_478 = arith.mulf %parallel_loop3A_477, %parallel_loop3A_388 : vector<16xf32>
          %parallel_loop3A_479 = arith.addf %parallel_loop3A_473, %parallel_loop3A_478 : vector<16xf32>
          %parallel_loop3A_480 = arith.constant 11 : i32
          %parallel_loop3A_481 = vector.broadcast %parallel_loop3A_480 : i32 to vector<16xi32>
          %parallel_loop3A_482 = arith.addi %parallel_loop3A_382, %parallel_loop3A_481 : vector<16xi32>
          %parallel_loop3A_483 = tpu.vector_load_idx %arg21[%parallel_loop3A_482] : memref<81920xf32, #tpu.memory_space<vmem>>[vector<16xi32>], vector<16xf32>,
          %parallel_loop3A_484 = arith.addf %parallel_loop3A_479, %parallel_loop3A_483 : vector<16xf32>
          %parallel_loop3A_485 = vector.bitcast %parallel_loop3A_484 : vector<16xf32> to vector<16xi32>
          %parallel_loop3A_486 = arith.constant 32767 : i32
          %parallel_loop3A_487 = vector.broadcast %parallel_loop3A_486 : i32 to vector<16xi32>
          %parallel_loop3A_488 = arith.addi %parallel_loop3A_485, %parallel_loop3A_487 : vector<16xi32>
          %parallel_loop3A_489 = arith.constant 16 : i32
          %parallel_loop3A_490 = vector.broadcast %parallel_loop3A_489 : i32 to vector<16xi32>
          %parallel_loop3A_491 = arith.shrsi %parallel_loop3A_485, %parallel_loop3A_490 : vector<16xi32>
          %parallel_loop3A_492 = arith.constant 1 : i32
          %parallel_loop3A_493 = vector.broadcast %parallel_loop3A_492 : i32 to vector<16xi32>
          %parallel_loop3A_494 = arith.andi %parallel_loop3A_491, %parallel_loop3A_493 : vector<16xi32>
          %parallel_loop3A_495 = arith.addi %parallel_loop3A_488, %parallel_loop3A_494 : vector<16xi32>
          %parallel_loop3A_496 = arith.constant -65536 : i32
          %parallel_loop3A_497 = vector.broadcast %parallel_loop3A_496 : i32 to vector<16xi32>
          %parallel_loop3A_498 = arith.andi %parallel_loop3A_495, %parallel_loop3A_497 : vector<16xi32>
          %parallel_loop3A_499 = vector.bitcast %parallel_loop3A_498 : vector<16xi32> to vector<16xf32>
          %parallel_loop3A_500 = arith.constant 12 : i32
          %parallel_loop3A_501 = vector.broadcast %parallel_loop3A_500 : i32 to vector<16xi32>
          %parallel_loop3A_502 = arith.addi %parallel_loop3A_382, %parallel_loop3A_501 : vector<16xi32>
          %parallel_loop3A_503 = tpu.vector_load_idx %arg21[%parallel_loop3A_502] : memref<81920xf32, #tpu.memory_space<vmem>>[vector<16xi32>], vector<16xf32>,
          %parallel_loop3A_504 = arith.mulf %parallel_loop3A_503, %parallel_loop3A_425 : vector<16xf32>
          %parallel_loop3A_505 = arith.constant 14 : i32
          %parallel_loop3A_506 = vector.broadcast %parallel_loop3A_505 : i32 to vector<16xi32>
          %parallel_loop3A_507 = arith.addi %parallel_loop3A_382, %parallel_loop3A_506 : vector<16xi32>
          %parallel_loop3A_508 = tpu.vector_load_idx %arg21[%parallel_loop3A_507] : memref<81920xf32, #tpu.memory_space<vmem>>[vector<16xi32>], vector<16xf32>,
          %parallel_loop3A_509 = arith.mulf %parallel_loop3A_508, %parallel_loop3A_499 : vector<16xf32>
          %parallel_loop3A_510 = arith.addf %parallel_loop3A_504, %parallel_loop3A_509 : vector<16xf32>
          %parallel_loop3A_511 = arith.constant 13 : i32
          %parallel_loop3A_512 = vector.broadcast %parallel_loop3A_511 : i32 to vector<16xi32>
          %parallel_loop3A_513 = arith.addi %parallel_loop3A_382, %parallel_loop3A_512 : vector<16xi32>
          %parallel_loop3A_514 = tpu.vector_load_idx %arg21[%parallel_loop3A_513] : memref<81920xf32, #tpu.memory_space<vmem>>[vector<16xi32>], vector<16xf32>,
          %parallel_loop3A_515 = arith.mulf %parallel_loop3A_514, %parallel_loop3A_462 : vector<16xf32>
          %parallel_loop3A_516 = arith.constant 15 : i32
          %parallel_loop3A_517 = vector.broadcast %parallel_loop3A_516 : i32 to vector<16xi32>
          %parallel_loop3A_518 = arith.addi %parallel_loop3A_382, %parallel_loop3A_517 : vector<16xi32>
          %parallel_loop3A_519 = tpu.vector_load_idx %arg21[%parallel_loop3A_518] : memref<81920xf32, #tpu.memory_space<vmem>>[vector<16xi32>], vector<16xf32>,
          %parallel_loop3A_520 = arith.mulf %parallel_loop3A_519, %parallel_loop3A_499 : vector<16xf32>
          %parallel_loop3A_521 = arith.addf %parallel_loop3A_515, %parallel_loop3A_520 : vector<16xf32>
          %parallel_loop3A_522 = arith.constant 16 : i32
          %parallel_loop3A_523 = arith.muli %parallel_loop3A_378, %parallel_loop3A_522 : i32
          %parallel_loop3A_524 = vector.broadcast %parallel_loop3A_523 : i32 to vector<16xi32>
          %parallel_loop3A_525 = arith.addi %iota3A, %parallel_loop3A_524 : vector<16xi32>
          %parallel_loop3A_526 = arith.constant 2 : i32
          %parallel_loop3A_527 = vector.broadcast %parallel_loop3A_526 : i32 to vector<16xi32>
          %parallel_loop3A_528 = arith.muli %parallel_loop3A_525, %parallel_loop3A_527 : vector<16xi32>
          %parallel_loop3A_529 = arith.divf %parallel_loop3A_510, %parallel_loop3A_499 : vector<16xf32>
          %parallel_loop3A_530 = arith.index_cast %parallel_loop3A_380 : i32 to index
          %parallel_loop3A_531 = tpu.vector_load %arg27[%parallel_loop3A_530] {strides = array<i32>} : memref<800xf32, #tpu.memory_space<vmem>>, vector<16xf32>,
          %parallel_loop3A_532 = arith.subf %parallel_loop3A_529, %parallel_loop3A_531 : vector<16xf32>
          tpu.vector_store_idx %arg36[%parallel_loop3A_528], %parallel_loop3A_532 : memref<1600xf32, #tpu.memory_space<vmem>>[vector<16xi32>], vector<16xf32>,
          %parallel_loop3A_533 = arith.constant 1 : i32
          %parallel_loop3A_534 = vector.broadcast %parallel_loop3A_533 : i32 to vector<16xi32>
          %parallel_loop3A_535 = arith.addi %parallel_loop3A_528, %parallel_loop3A_534 : vector<16xi32>
          %parallel_loop3A_536 = arith.divf %parallel_loop3A_521, %parallel_loop3A_499 : vector<16xf32>
          %parallel_loop3A_537 = arith.index_cast %parallel_loop3A_380 : i32 to index
          %parallel_loop3A_538 = tpu.vector_load %arg29[%parallel_loop3A_537] {strides = array<i32>} : memref<800xf32, #tpu.memory_space<vmem>>, vector<16xf32>,
          %parallel_loop3A_539 = arith.subf %parallel_loop3A_536, %parallel_loop3A_538 : vector<16xf32>
          tpu.vector_store_idx %arg36[%parallel_loop3A_535], %parallel_loop3A_539 : memref<1600xf32, #tpu.memory_space<vmem>>[vector<16xi32>], vector<16xf32>,
        } {sc.loop_unroll_factor = 2 : i64, sc.parallel_access}
        %mul3A_374 = arith.constant 2 : i32
        %mul3A_375 = arith.muli %add3A_354, %mul3A_374 : i32
        %mul3A_376 = arith.constant 800 : i32
        %mul3A_377 = arith.muli %mul3A_375, %mul3A_376 : i32
        "tpu.region"() ({
          %run_scoped3A = tpu.sem_alloc : memref<!tpu.dma_semaphore, #tpu.memory_space<semaphore_mem>>
          %dma_start3A_378 = tpu.memref_slice %arg13[%mul3A_377] : memref<4000000xf32, #tpu.memory_space<hbm>> -> memref<1600xf32, #tpu.memory_space<hbm>>
          %dma_start3A_379 = tpu.memref_slice %arg13[%mul3A_377] : memref<4000000xf32, #tpu.memory_space<hbm>> -> memref<1600xf32, #tpu.memory_space<hbm>>
          tpu.enqueue_dma source(%arg36 : memref<1600xf32, #tpu.memory_space<vmem>>) target(%dma_start3A_379 : memref<1600xf32, #tpu.memory_space<hbm>>) target_semaphore(%run_scoped3A : memref<!tpu.dma_semaphore, #tpu.memory_space<semaphore_mem>>)
          %dma_wait3A_380 = tpu.memref_slice %arg13[%mul3A_377] : memref<4000000xf32, #tpu.memory_space<hbm>> -> memref<1600xf32, #tpu.memory_space<hbm>>
          %dma_wait3A_381 = tpu.memref_slice %arg13[%mul3A_377] : memref<4000000xf32, #tpu.memory_space<hbm>> -> memref<1600xf32, #tpu.memory_space<hbm>>
          tpu.wait_dma2 semaphore(%run_scoped3A : memref<!tpu.dma_semaphore, #tpu.memory_space<semaphore_mem>>) src(%arg36 : memref<1600xf32, #tpu.memory_space<vmem>>) dst(%dma_wait3A_381 : memref<1600xf32, #tpu.memory_space<hbm>>)
          tpu.yield
        }) : () -> ()
      } else {
      }
    }
    %scan3A_337 = arith.constant 40 : i32
    return
  }
}

</mosaic_0001>

<sc_bundles>
// kernel: kernel.3.cloned.1.call-start
scs
__scs_entry_jumppad:
0x0: {  	(pc) =	sbr.rel $0x88, $3  }
0x1: {  	(tag) =	ssettag $0x0;
	lr =	simm.s32 $0x1  }
0x2: {  	[smem:$0x3F9B] =	sst lr;
	_ =	strace $0xD0000000  }
0x3: {  	_ = 	snop  }
0x4: {  	_ = 	snop  }
0x5: {  	_ = 	snop  }
0x6: {  	_ = 	snop  }
0x7: {  	_ = 	snop  }
__scs_overlays_trampoline_lowered:
0x8: {  	[smem:$0x3FAA] =	sst s0  }
0x9: {  	[smem:$0x3FAB] =	sst s1  }
0xa: {  	[smem:$0x3FAC] =	sst s2  }
0xb: {  	[smem:$0x3FAD] =	sst s3  }
0xc: {  	[smem:$0x3FAE] =	sst s4  }
0xd: {  	[smem:$0x3FAF] =	sst s5  }
0xe: {  	[smem:$0x3FB0] =	sst s6  }
0xf: {  	[smem:$0x3FB1] =	sst s7  }
0x10: {  	[smem:$0x3FB2] =	sst s8  }
0x11: {  	[smem:$0x3FB3] =	sst s9;
	s0 =	simm.s32 @!p0 $0x0  }
0x12: {  	s1 =	sld [smem:$0x3F99];
	s0 =	simm.s32 @p0 $0x1  }
0x13: {  	[smem:$0x3FB4] =	sst s0;
	s0 =	simm.s32 @!p1 $0x0  }
0x14: {  	s2 =	sld [smem:$0x3F98];
	s0 =	simm.s32 @p1 $0x1  }
0x15: {  	[smem:$0x3FB5] =	sst s0;
	s0 =	simm.s32 @!p2 $0x0  }
0x16: {  	s3 =	sld [smem:$0x3FDB];
	s0 =	simm.s32 @p2 $0x1  }
0x17: {  	s4 =	simm.s32 $0x1BF5;
	[smem:$0x3FB7] =	sst s0  }
0x18: {  	s0 =	sld [smem:$0x3F9A];
	_ =	swait.ge [sflag:s4], $0x0  }
0x19: {  	s7 =	sld [smem:$0x3F9B]  }
0x1a: {  	s8 =	sadd.s32 $0xFFFFE003, lr  }
0x1b: {  	s9 =	sadd.s32 $0xFFFFFEF7, lr;
	s5 =	simm.s32 $0xFFFFFFFF;
	p2 =	slt.u32 s8, $0xFFFFF086  }
0x1c: {  	p1 =	slt.u32 s9, $0xF7A;
	s5 =	simm.s32 @!p2 $0x0  }
0x1d: {  	s5 =	simm.s32 @p1 $0x1;
	p0 =	seq.s32 s7, s2  }
0x1e: {  	s7 =	smul.u32 @!p0 $0xF7A, s2;
	p2 =	seq.s32 @!p0 s5, $0x0  }
0x1f: {  	s9 =	smul.u32 $0xF7A, s1;
	s8 =	simm.s32 @!p0 $0x1BF5;
	p2 =	por !p2, p0  }
0x20: {  	[sflag:s8] =	ssyncset.s32 @!p0 $0xFFFFF086;
	s6 =	sadd.s32 @!p0 s3, s7;
	s7 =	simm.s32 @!p0 $0x108  }
0x21: {  	s3 =	sadd.s32 s3, s9;
	s6 =	sadd.s32 @!p0 $0x88, s6;
	s7 =	simm.s32 @p2 $0x1082  }
0x22: {  	[simem:s7], [sflag:s8] =	dma.local @!p0 [hbm:s6], $0xF7A  }
0x23: {  	s9 =	sor.u32 $0xD0000000, s2;
	s6 =	simm.s32 $0x108;
	_ =	swait.ge @!p0 [sflag:s8], $0x0  }
0x24: {  	s3 =	sadd.s32 $0x88, s3;
	s6 =	simm.s32 @!p1 $0x1082;
	[sflag:s4] =	ssyncset.s32 $0xFFFFF086  }
0x25: {  	[simem:s6], [sflag:s4] =	dma.local [hbm:s3], $0xF7A  }
0x26: {  	[smem:$0x3F9B] =	sst s1;
	(tag) =	ssettag s2;
	_ =	strace s9  }
0x27: {  	s1 =	sld [smem:$0x3FAB]  }
0x28: {  	s2 =	sld [smem:$0x3FAC]  }
0x29: {  	s4 =	sld [smem:$0x3FAE]  }
0x2a: {  	p0 =	seq.s32 s5, $0x0;
	s5 =	sld [smem:$0x3FAF]  }
0x2b: {  	s6 =	sld [smem:$0x3FB0]  }
0x2c: {  	s7 =	sld [smem:$0x3FB1]  }
0x2d: {  	s3 =	simm.s32 $0x108;
	s8 =	sld [smem:$0x3FB2]  }
0x2e: {  	s3 =	simm.s32 @!p0 $0x1082;
	s9 =	sld [smem:$0x3FB3]  }
0x2f: {  	lr =	sadd.s32 s0, s3;
	s0 =	sld [smem:$0x3FAA]  }
0x30: {  	s3 =	sld [smem:$0x3FAD]  }
0x31: {  	[smem:$0x3FB6] =	sst s10  }
0x32: {  	s10 =	sld [smem:$0x3FB4];
	_ =	sdelay $0x3  }
0x33: {  	p0 =	seq.s32 s10, $0x1;
	s10 =	sld [smem:$0x3FB6];
	_ =	sdelay $0x3  }
0x34: {  	[smem:$0x3FB6] =	sst s10  }
0x35: {  	s10 =	sld [smem:$0x3FB5];
	_ =	sdelay $0x3  }
0x36: {  	p1 =	seq.s32 s10, $0x1;
	s10 =	sld [smem:$0x3FB6];
	_ =	sdelay $0x3  }
0x37: {  	[smem:$0x3FB6] =	sst s10  }
0x38: {  	s10 =	sld [smem:$0x3FB7]  }
0x39: {  	_ = 	snop;
	(pc) =	sbr.ind lr, $3  }
0x3a: {  	_ = 	snop  }
0x3b: {  	_ = 	snop  }
0x3c: {  	p2 =	seq.s32 s10, $0x1;
	s10 =	sld [smem:$0x3FB6]  }
0x3d: {  	_ =	shalt  }
0x3e: {  	_ =	shalt  }
0x3f: {  	_ =	shalt  }
0x40: {  	_ =	shalt  }
0x41: {  	_ =	shalt  }
0x42: {  	_ =	shalt  }
0x43: {  	_ =	shalt  }
0x44: {  	_ =	shalt  }
0x45: {  	_ =	shalt  }
0x46: {  	_ =	shalt  }
0x47: {  	_ =	shalt  }
0x48: {  	_ =	shalt  }
0x49: {  	_ =	shalt  }
0x4a: {  	_ =	shalt  }
0x4b: {  	_ =	shalt  }
0x4c: {  	_ =	shalt  }
0x4d: {  	_ =	shalt  }
0x4e: {  	_ =	shalt  }
0x4f: {  	_ =	shalt  }
0x50: {  	_ =	shalt  }
0x51: {  	_ =	shalt  }
0x52: {  	_ =	shalt  }
0x53: {  	_ =	shalt  }
0x54: {  	_ =	shalt  }
0x55: {  	_ =	shalt  }
0x56: {  	_ =	shalt  }
0x57: {  	_ =	shalt  }
0x58: {  	_ =	shalt  }
0x59: {  	_ =	shalt  }
0x5a: {  	_ =	shalt  }
0x5b: {  	_ =	shalt  }
0x5c: {  	_ =	shalt  }
0x5d: {  	_ =	shalt  }
0x5e: {  	_ =	shalt  }
0x5f: {  	_ =	shalt  }
0x60: {  	_ =	shalt  }
0x61: {  	_ =	shalt  }
0x62: {  	_ =	shalt  }
0x63: {  	_ =	shalt  }
0x64: {  	_ =	shalt  }
0x65: {  	_ =	shalt  }
0x66: {  	_ =	shalt  }
0x67: {  	_ =	shalt  }
0x68: {  	_ =	shalt  }
0x69: {  	_ =	shalt  }
0x6a: {  	_ =	shalt  }
0x6b: {  	_ =	shalt  }
0x6c: {  	_ =	shalt  }
0x6d: {  	_ =	shalt  }
0x6e: {  	_ =	shalt  }
0x6f: {  	_ =	shalt  }
0x70: {  	_ =	shalt  }
0x71: {  	_ =	shalt  }
0x72: {  	_ =	shalt  }
0x73: {  	_ =	shalt  }
0x74: {  	_ =	shalt  }
0x75: {  	_ =	shalt  }
0x76: {  	_ =	shalt  }
0x77: {  	_ =	shalt  }
0x78: {  	_ =	shalt  }
0x79: {  	_ =	shalt  }
0x7a: {  	_ =	shalt  }
0x7b: {  	_ =	shalt  }
0x7c: {  	_ =	shalt  }
0x7d: {  	_ =	shalt  }
0x7e: {  	_ =	shalt  }
0x7f: {  	_ =	shalt  }
0x80: {  	_ =	shalt  }
0x81: {  	_ =	shalt  }
0x82: {  	_ =	shalt  }
0x83: {  	_ =	shalt  }
0x84: {  	_ =	shalt  }
0x85: {  	_ =	shalt  }
0x86: {  	_ =	shalt  }
0x87: {  	_ =	shalt  }
.Lfunc_end0:
.L_simem_size_0:
called_computation_lowered:
.L_overlay_start_0:
0x88: {  	s2 =	sld [smem:$0x3FD9]  }
0x89: {  	s3 =	sld [smem:$0x3FFE];
	_ =	sdelay $0x1  }
0x8a: {  	s1 =	srdreg.scid  }
0x8b: {  	s0 =	sand.u32 $0x1, s1  }
0x8c: {  	s17 =	sshll.u32 s0, $0xA;
	s2 =	sadd.s32 s3, s2  }
0x8d: {  	s2 =	sadd.s32 s2, s17  }
0x8e: {  	[smem:$0x3FC2] =	sst s2  }
0x8f: {  	_ = 	snop  }
0x90: {  	s2 =	sld [smem:$0x3FD0];
	(tm) =	ssettm $0x1  }
0x91: {  	s18 =	sld [smem:$0x3FFB];
	_ =	sdelay $0x3  }
0x92: {  	_ =	strace s18  }
0x93: {  	s3 =	sld [smem:$0x3FFC];
	_ =	sdelay $0x3  }
0x94: {  	_ =	strace s3  }
0x95: {  	s3 =	sld [smem:$0x3FFD];
	_ =	sdelay $0x3  }
0x96: {  	_ =	strace s3  }
0x97: {  	_ =	strace $0x8FFFFFFF  }
0x98: {  	s19 =	sld [smem:$0x3FDB];
	_ =	sdelay $0x1  }
0x99: {  	s4 =	simm.s32 $_scs_section_size  }
0x9a: {  	s5 =	simm.s32 $_size__tile_overlayer_lowered;
	s6 =	simm.s32 $_tile_overlayer_lowered  }
0x9b: {  	s22 =	simm.s32 $0x1BFF;
	s21 =	sshll.u32 s6, $0x1;
	s3 =	sadd.s32 s4, s19  }
0x9c: {  	s7 =	simm.s32 $0x0;
	s20 =	sshll.u32 s5, $0x1;
	s5 =	sadd.s32 s21, s3  }
0x9d: {  	[timem:s7], [sflag:s22] =	dma.local [hbm:s5], s20  }
0x9e: {  	_ =	swait.ge [sflag:s22], s20  }
0x9f: {  	s4 =	ssub.s32 $0x0, s20;
	[sflag:s22] =	ssyncset.done $0x0  }
0xa0: {  	[sflag:s22] =	ssyncadd.s32 s4;
	_ =	sdelay $0x1  }
0xa1: {  	s23 =	simm.s32 $0x1B8B  }
0xa2: {  	_ =	swait.ge [sflag:s23], $0x1  }
0xa3: {  	[sflag:s23] =	ssyncset.done $0x0  }
0xa4: {  	s25 =	simm.s32 $0x1B8E;
	s24 =	sld [smem:$0x3FFE];
	[sflag:s23] =	ssyncadd.s32 $0xFFFFFFFF  }
0xa5: {  	s26 =	simm.s32 $execute0_lowered;
	[smem:$0x3FD2] =	sst s25  }
0xa6: {  	s5 =	sshll.u32 s26, $0x1;
	_ =	strace $0x80000046;
	[dreg:$0x1] =	wrdreg $0xFFFFFFFF  }
0xa7: {  	s28 =	simm.s32 $_size_execute0_lowered;
	s3 =	sadd.s32 s3, s5;
	[dreg:$0x0] =	wrdreg $0x0  }
0xa8: {  	s5 =	sshll.u32 s28, $0x1;
	[dreg:$0x2] =	wrdreg s3  }
0xa9: {  	[dreg:$0x3] =	wrdreg s5  }
0xaa: {  	[dreg:$0x4] =	wrdreg $0xC0  }
0xab: {  	_ =	task [dreg:s7], $0x5FFFF  }
0xac: {  	[dreg:$0x1] =	wrdreg $0xFFFFFFFF  }
0xad: {  	[dreg:$0x0] =	wrdreg $0x60  }
0xae: {  	[dreg:$0x2] =	wrdreg s24  }
0xaf: {  	[dreg:$0x3] =	wrdreg s2  }
0xb0: {  	[dreg:$0x4] =	wrdreg $0x1C9800  }
0xb1: {  	[dreg:$0x5] =	wrdreg $0x9  }
0xb2: {  	_ =	task.clear_ibuf [dreg:s7], $0x6FFFF;
	_ =	strace $0x90000046  }
0xb3: {  	s29 =	simm.s32 $0x9;
	_ =	strace $0x80000048  }
0xb4: {  	_ =	swait.ge [sflag:s29], $0x1  }
0xb5: {  	[sflag:s29] =	ssyncadd.s32 $0xFFFFFFFF  }
0xb6: {  	_ =	strace $0x90000048  }
0xb7: {  	_ =	sfence  }
0xb8: {  	s30 =	sld [smem:$0x0];
	_ =	sdelay $0x2  }
0xb9: {  	s31 =	sshll.u32 s1, $0xD;
	s1 =	sshrl.u32 s1, $0x2  }
0xba: {  	s3 =	sand.u32 $0x4000, s31;
	s1 =	sadd.s32 s1, s30  }
0xbb: {  	s0 =	sor.u32 s3, s0;
	s1 =	sshll.u32 s1, $0x11  }
0xbc: {  	s0 =	sor.u32 s1, s0  }
0xbd: {  	s0 =	sadd.s32 $0x8F2B, s0  }
0xbe: {  	[sflag:s0] =	ssyncadd.remote.s32 $0x1  }
0xbf: {  	_ =	sfence.sel $0xFFFF  }
0xc0: {  	[dreg:$0x0] =	wrdreg $0xFFFFFFFF;
	(pc) =	sbr.abs _section_cstart, $3  }
0xc1: {  	[dreg:$0x1] =	wrdreg $0xFFFFFFFF  }
0xc2: {  	_ =	task.clear_ibuf [dreg:s7], $0x2FFFF;
	_ =	strace $0x9FFFFFFF  }
0xc3: {  	(tm) =	ssettm $0x7FFFFFFF  }
tec
execute0_lowered:
.L_overlay_start_1:
0x0: {  	(tag) =	ssettag $0x1  }
0x1: {  	s1 =	rddreg [dreg:$0x0];
	v0 =	vimm.s32 $0x1B130B03;
	v1 =	vimm.s32 $0x3B332B23  }
0x2: {  	s15 =	rddreg [dreg:$0x2];
	s4 =	simm.s32 $0x0;
	s7 =	stileid.u32;
	v2 =	vimm.s32 $0x1C140C04;
	v3 =	vimm.s32 $0x3C342C24;
	v4 =	vimm.s32 $0x1D150D05  }
0x3: {  	s3 =	srdreg.scid;
	v9 =	vimm.s32 $0x38302820;
	v12 =	vimm.s32 $0x19110901;
	s28 =	simm.s32 $0x2E00;
	s29 =	simm.s32 $0x2F00  }
0x4: {  	vm0 =	vcmask $0xF00;
	v14 =	vimm.s32 $0x39312921;
	s30 =	simm.s32 $0x3E00;
	s31 =	simm.s32 $0x5200;
	[smem:$0x7FF] =	sst s4  }
0x5: {  	vm1 =	vcmask $0x1F10;
	v15 =	vimm.s32 $0x1A120A02;
	v0 =	vunpack.c.0.s8.s32 v0;
	s0 =	sadd.s32 $0xF4A00, s1;
	s14 =	smul.u32 $0x168, s7;
	s2 =	sadd.s32 $0xF4800, s1  }
0x6: {  	v1 =	vunpack.c.0.s8.s32 v1;
	v2 =	vunpack.c.0.s8.s32 v2;
	s8 =	sadd.s32 $0xFB200, s1;
	s16 =	smul.u32 $0x50, s7;
	v3 =	vunpack.c.0.s8.s32 v3;
	s9 =	sadd.s32 $0xF8000, s1  }
0x7: {  	v4 =	vunpack.c.0.s8.s32 v4;
	s10 =	sadd.s32 $0xF4E00, s1;
	s11 =	sadd.s32 $0x3D200, s1;
	s12 =	sadd.s32 $0xB7600, s1;
	v9 =	vunpack.c.0.s8.s32 v9;
	v13 =	vunpack.c.0.s8.s32 v12  }
0x8: {  	s3 =	sand.u32 $0x1, s3;
	s5 =	sshll.u32 s7, $0x1;
	s17 =	smul.u32 $0x5000, s7;
	v14 =	vunpack.c.0.s8.s32 v14;
	v17 =	vunpack.c.0.s8.s32 v15;
	v15 =	vimm.s32 $0x3A322A22  }
0x9: {  	s7 =	simm.s32 $0x3;
	_ =	strace $0x80000047;
	[dreg:$0x4] =	wrdreg s0;
	v18 =	vunpack.c.0.s8.s32 v15;
	v0 =	vnsel vm0, $0x3B, v0;
	v4 =	vnsel vm0, $0x3D, v4  }
0xa: {  	[dreg:$0x5] =	wrdreg s2;
	s13 =	sor.u32 s3, s5;
	s2 =	sadd.s32 s16, s1;
	v13 =	vnsel vm0, $0x39, v13;
	v0 =	vsel vm1, v1, v0;
	v1 =	vnsel vm0, $0x3C, v2  }
0xb: {  	s0 =	sadd.s32 s14, s1;
	s19 =	smul.u32 $0x64, s13;
	v19 =	vnsel vm0, $0x3A, v17;
	v2 =	vimm.s32 $0x3D352D25;
	s2 =	sadd.s32 $0xFFC00, s2;
	[tilespmem:$0x1FF90] =	vst v0;
	v0 =	vsel vm1, v3, v1  }
0xc: {  	s20 =	sshrl.u32 s17, $0x2;
	s0 =	sadd.s32 $0xFE400, s0;
	v5 =	vunpack.c.0.s8.s32 v2;
	v2 =	vimm.s32 $0x1E160E06;
	v3 =	vimm.s32 $0x3E362E26;
	[dreg:$0x6] =	wrdreg s2  }
0xd: {  	s6 =	ssub.s32 $0x2, s3;
	s21 =	sadd.s32 s20, s15;
	[dreg:$0x7] =	wrdreg s0;
	v6 =	vunpack.c.0.s8.s32 v2;
	v7 =	vunpack.c.0.s8.s32 v3;
	v3 =	vimm.s32 $0x18100800  }
0xe: {  	s14 =	sadd.s32 $0x7A400, s1;
	v13 =	vsel vm1, v14, v13;
	[dreg:$0x8] =	wrdreg s21;
	s22 =	sadd.s32 s11, s19;
	v2 =	vlaneseq.u32;
	v8 =	vunpack.c.0.s8.s32 v3  }
0xf: {  	s18 =	sshrl.u32 s6, $0x1;
	s23 =	sadd.s32 s1, s19;
	[tilespmem:$0x1FFA0] =	vst v0;
	[dreg:$0x9] =	wrdreg s22;
	v3 =	vmul.u32 $0xC, v2;
	v0 =	vsel vm1, v5, v4;
	v6 =	vnsel vm0, $0x3E, v6  }
.Ltmp0:
0x10: {  	v18 =	vsel vm1, v18, v19;
	s24 =	sadd.s32 s12, s19;
	[dreg:$0xa] =	wrdreg s23;
	[tilespmem:$0x1FFB0] =	vst v0;
	v0 =	vsel vm1, v7, v6;
	v8 =	vnsel vm0, $0x38, v8;
	(pc) =	sbr.rel .LBB2_1-.Ltmp0, $4  }
0x11: {  	s5 =	ssub.s32 s6, s18;
	s25 =	sadd.s32 s14, s19;
	[dreg:$0xb] =	wrdreg s24;
	v10 =	vor.u32 $0x3, v3;
	v11 =	vadd.s32 $0x4, v3;
	[tilespmem:$0x1FFC0] =	vst v0;
	v0 =	vor.u32 $0x1, v3  }
0x12: {  	s6 =	simm.s32 $0x1C300;
	s26 =	smax.u32 s5, $0x1;
	[dreg:$0xc] =	wrdreg s25;
	v12 =	vadd.s32 $0x5, v3;
	v14 =	vadd.s32 $0xA, v3;
	[tilespmem:$0x1FFD0] =	vst v0;
	v0 =	vor.u32 $0x2, v3  }
0x13: {  	s5 =	simm.s32 $0x1;
	s1 =	simm.s32 $0x0;
	[dreg:$0xd] =	wrdreg s26;
	v15 =	vadd.s32 $0x6, v3;
	v16 =	vadd.s32 $0x7, v3;
	[tilespmem:$0x1FFE0] =	vst v0;
	v0 =	vsel vm1, v9, v8  }
0x14: {  	s23 =	simm.s32 $0x2;
	s25 =	simm.s32 $0x2000;
	s26 =	simm.s32 $0x2280;
	v17 =	vadd.s32 $0x8, v3;
	v19 =	vadd.s32 $0xB, v3;
	v9 =	vadd.s32 $0x9, v3;
	[tilespmem:$0x1FFF0] =	vst v0  }
.LBB2_14:
0x15: {  	s1 =	rddreg [dreg:$0xe]  }
0x16: {  	s0 =	rddreg [dreg:$0xd];
	s1 =	sadd.s32 $0x1, s1  }
0x17: {  	p0 =	sne.s32 s1, s0  }
.Ltmp1:
0x18: {  	_ = 	snop;
	(pc) =	sbr.rel @!p0 .LBB2_15-.Ltmp1, $1  }
0x19: {  	_ =	sdelay $0x3  }
.LBB2_1:
0x1a: {  	[dreg:$0xe] =	wrdreg s1  }
0x1b: {  	s0 =	rddreg [dreg:$0x4]  }
0x1c: {  	[tilespmem:s4], [sflag:$0x2] =	stream.linear.gather [hbm4b:s0+s4], $0x1F80, $0x38;
	[tilespmem:$0x1DD80] =	vst v63  }
0x1d: {  	_ =	swait.ge [sflag:s23], $0x1F80  }
0x1e: {  	[sflag:s23] =	ssyncset.done $0x0  }
0x1f: {  	s20 =	simm.s32 $0x1F80;
	s19 =	rddreg [dreg:$0x5];
	[sflag:s23] =	ssyncadd.s32 $0xFFFFE080  }
0x20: {  	[tilespmem:s20], [sflag:$0x2] =	stream.linear.gather [hbm4b:s19+s4], $0x80, $0x38;
	[tilespmem:$0x1DD80] =	vst v63  }
0x21: {  	_ =	swait.ge [sflag:s23], $0x80  }
0x22: {  	[sflag:s23] =	ssyncset.done $0x0  }
0x23: {  	s21 =	rddreg [dreg:$0x6];
	[sflag:s23] =	ssyncadd.s32 $0xFFFFFF80  }
0x24: {  	[tilespmem:s25], [sflag:$0x2] =	stream.linear.gather [hbm4b:s21+s4], $0x280, $0x38;
	[tilespmem:$0x1DD80] =	vst v63  }
0x25: {  	_ =	swait.ge [sflag:s23], $0x280  }
0x26: {  	[sflag:s23] =	ssyncset.done $0x0  }
0x27: {  	s22 =	rddreg [dreg:$0x7];
	[sflag:s23] =	ssyncadd.s32 $0xFFFFFD80  }
0x28: {  	[tilespmem:s26], [sflag:$0x2] =	stream.linear.gather [hbm4b:s22+s4], $0xB40, $0x38;
	[tilespmem:$0x1DD80] =	vst v63  }
0x29: {  	_ =	swait.ge [sflag:s23], $0xB40  }
0x2a: {  	v0 =	vld [tilespmem:$0x1FF90];
	_ =	sdelay $0x5  }
0x2b: {  	[sflag:s23] =	ssyncset.done $0x0  }
0x2c: {  	[sflag:s23] =	ssyncadd.s32 $0xFFFFF4C0  }
0x2d: {  	v20 =	vld.idx.msk [tilespmem:v0+s20+$0x0], $0xffff  }
0x2e: {  	v0 =	vld [tilespmem:$0x1FFA0];
	_ =	sdelay $0x7  }
0x2f: {  	v21 =	vld.idx.msk [tilespmem:v0+s20+$0x0], $0xffff  }
0x30: {  	v0 =	vld [tilespmem:$0x1FFB0];
	_ =	sdelay $0x7  }
0x31: {  	v22 =	vld.idx.msk [tilespmem:v0+s20+$0x0], $0xffff  }
0x32: {  	v0 =	vld [tilespmem:$0x1FFC0];
	_ =	sdelay $0x7  }
0x33: {  	v23 =	vld.idx.msk [tilespmem:v0+s20+$0x0], $0xffff;
	_ =	sdelay $0x3  }
0x34: {  	v24 =	vmul.f32 v20, v20;
	v25 =	vmul.f32 v21, v21  }
0x35: {  	v26 =	vmul.f32 v22, v22;
	v27 =	vmul.f32 v23, v23;
	_ =	sdelay $0x1  }
0x36: {  	v28 =	vadd.f32 v25, v24;
	v27 =	vadd.f32 v27, v26;
	_ =	sdelay $0x1  }
0x37: {  	v27 =	vadd.f32 v27, v28;
	_ =	sdelay $0x1  }
0x38: {  	(erf) = vrcp.f32 v27;
	_ =	sdelay $0x8  }
0x39: {  	v27 =	vpop (erf)  }
0x3a: {  	v25 =	vadd.f32 v26, v25;
	v27 =	vadd.f32 v27, v27  }
0x3b: {  	v29 =	vmul.f32 v21, v20;
	v30 =	vmul.f32 v23, v22  }
0x3c: {  	v25 =	vmul.f32 v27, v25  }
0x3d: {  	v33 =	vsub.f32 v29, v30  }
0x3e: {  	v0 =	vld [tilespmem:$0x1FFD0];
	v25 =	vsub.f32 $1.000000000e+00, v25  }
0x3f: {  	v33 =	vmul.f32 v27, v33  }
0x40: {  	v35 =	vshrl.u32 v25, $0x10  }
0x41: {  	v36 =	vshrl.u32 v33, $0x10;
	v35 =	vand.u32 $0x1, v35  }
0x42: {  	v31 =	vmul.f32 v22, v20;
	v61 =	vand.u32 $0x1, v36;
	v25 =	vadd.s32 v35, v25  }
0x43: {  	v32 =	vmul.f32 v23, v21;
	v33 =	vadd.s32 v61, v33;
	v25 =	vadd.s32 $0x7FFF, v25  }
0x44: {  	v33 =	vadd.s32 $0x7FFF, v33;
	v25 =	vand.u32 $0xFFFF0000, v25  }
0x45: {  	v34 =	vadd.f32 v32, v31;
	v6 =	vand.u32 $0xFFFF0000, v33;
	[tilespmem:v3+s28+$0x0] =	vst.idx.msk $0xffff, v25  }
0x46: {  	[tilespmem:v0+s28+$0x0] =	vst.idx.msk $0xffff, v6;
	v0 =	vld [tilespmem:$0x1FFE0]  }
0x47: {  	v34 =	vmul.f32 v27, v34;
	_ =	sdelay $0x1  }
0x48: {  	v62 =	vshrl.u32 v34, $0x10  }
0x49: {  	v63 =	vand.u32 $0x1, v62  }
0x4a: {  	v34 =	vadd.s32 v63, v34  }
0x4b: {  	v7 =	vadd.s32 $0x7FFF, v34  }
0x4c: {  	v34 =	vand.u32 $0xFFFF0000, v7  }
0x4d: {  	[tilespmem:v0+s28+$0x0] =	vst.idx.msk $0xffff, v34;
	v0 =	vld [tilespmem:$0x1FFF0];
	_ =	sdelay $0x6  }
0x4e: {  	v21 =	vmul.f32 v22, v21;
	v20 =	vmul.f32 v23, v20  }
0x4f: {  	v25 =	vld.idx.msk [tilespmem:v0+s20+$0x0], $0xffff  }
0x50: {  	v24 =	vadd.f32 v26, v24;
	v37 =	vsub.f32 v21, v20  }
0x51: {  	v35 =	vadd.f32 v30, v29  }
0x52: {  	v22 =	vmul.f32 v27, v24;
	v38 =	vmul.f32 v27, v37  }
0x53: {  	v36 =	vmul.f32 v27, v35  }
0x54: {  	v22 =	vsub.f32 $1.000000000e+00, v22;
	v42 =	vshrl.u32 v38, $0x10;
	v23 =	vshrl.u32 v25, $0x10  }
0x55: {  	v43 =	vand.u32 $0x1, v42;
	v39 =	vshrl.u32 v36, $0x10;
	v23 =	vand.u32 $0x1, v23  }
0x56: {  	v40 =	vshrl.u32 v22, $0x10;
	v26 =	vand.u32 $0x1, v39;
	v23 =	vadd.s32 v23, v25  }
0x57: {  	v41 =	vand.u32 $0x1, v40;
	v24 =	vadd.s32 v26, v36;
	v23 =	vadd.s32 $0x7FFF, v23  }
0x58: {  	v22 =	vadd.s32 v41, v22;
	v24 =	vadd.s32 $0x7FFF, v24;
	v23 =	vand.u32 $0xFFFF0000, v23  }
0x59: {  	v44 =	vadd.s32 v43, v38;
	v22 =	vadd.s32 $0x7FFF, v22;
	[tilespmem:v9+s28+$0x0] =	vst.idx.msk $0xffff, v23;
	v23 =	vand.u32 $0xFFFF0000, v24  }
0x5a: {  	v22 =	vand.u32 $0xFFFF0000, v22;
	[tilespmem:v10+s28+$0x0] =	vst.idx.msk $0xffff, v23;
	v23 =	vadd.s32 $0x7FFF, v44  }
0x5b: {  	[tilespmem:v11+s28+$0x0] =	vst.idx.msk $0xffff, v22;
	v22 =	vand.u32 $0xFFFF0000, v23  }
0x5c: {  	[tilespmem:v12+s28+$0x0] =	vst.idx.msk $0xffff, v22  }
0x5d: {  	v22 =	vld.idx.msk [tilespmem:v13+s20+$0x0], $0xffff  }
0x5e: {  	v20 =	vadd.f32 v20, v21;
	_ =	sdelay $0x1  }
0x5f: {  	v20 =	vmul.f32 v27, v20;
	v23 =	vsub.f32 v31, v32  }
0x60: {  	v45 =	vmul.f32 v27, v28  }
0x61: {  	v47 =	vshrl.u32 v20, $0x10;
	v23 =	vmul.f32 v27, v23;
	v21 =	vshrl.u32 v22, $0x10  }
0x62: {  	v48 =	vand.u32 $0x1, v47;
	v21 =	vand.u32 $0x1, v21  }
0x63: {  	v46 =	vshrl.u32 v23, $0x10;
	v21 =	vadd.s32 v21, v22;
	v22 =	vsub.f32 $1.000000000e+00, v45  }
0x64: {  	v20 =	vadd.s32 v48, v20;
	v24 =	vand.u32 $0x1, v46  }
0x65: {  	v23 =	vadd.s32 v24, v23;
	v21 =	vadd.s32 $0x7FFF, v21;
	v49 =	vshrl.u32 v22, $0x10  }
0x66: {  	v23 =	vadd.s32 $0x7FFF, v23;
	v21 =	vand.u32 $0xFFFF0000, v21;
	v50 =	vand.u32 $0x1, v49  }
0x67: {  	v20 =	vadd.s32 $0x7FFF, v20;
	[tilespmem:v14+s28+$0x0] =	vst.idx.msk $0xffff, v21;
	v21 =	vand.u32 $0xFFFF0000, v23;
	v22 =	vadd.s32 v50, v22  }
0x68: {  	v20 =	vand.u32 $0xFFFF0000, v20;
	[tilespmem:v15+s28+$0x0] =	vst.idx.msk $0xffff, v21;
	v21 =	vadd.s32 $0x7FFF, v22  }
0x69: {  	[tilespmem:v16+s28+$0x0] =	vst.idx.msk $0xffff, v20;
	v20 =	vand.u32 $0xFFFF0000, v21  }
0x6a: {  	[tilespmem:v17+s28+$0x0] =	vst.idx.msk $0xffff, v20  }
0x6b: {  	v20 =	vld.idx.msk [tilespmem:v18+s20+$0x0], $0xffff;
	_ =	sdelay $0x4  }
0x6c: {  	v22 =	vor.u32 s4, v2;
	v21 =	vshrl.u32 v20, $0x10  }
0x6d: {  	v23 =	vshll.u32 v22, $0x1;
	v21 =	vand.u32 $0x1, v21  }
0x6e: {  	v20 =	vadd.s32 v21, v20  }
0x6f: {  	v20 =	vadd.s32 $0x7FFF, v20  }
0x70: {  	v20 =	vand.u32 $0xFFFF0000, v20  }
0x71: {  	[tilespmem:v19+s28+$0x0] =	vst.idx.msk $0xffff, v20  }
0x72: {  	v20 =	vld.idx.msk [tilespmem:v23+s25+$0x0], $0xffff;
	_ =	sdelay $0x4  }
0x73: {  	v20 =	vshll.u32 v20, $0x3  }
0x74: {  	v21 =	vor.u32 $0x3, v20  }
0x75: {  	v23 =	vor.u32 $0x4, v20  }
0x76: {  	v51 =	vor.u32 $0x5, v20  }
0x77: {  	v52 =	vor.u32 $0x6, v20;
	_ =	sdelay $0x1  }
0x78: {  	v21 =	vld.idx.msk [tilespmem:v21+s4+$0x0], $0xffff  }
0x79: {  	v23 =	vld.idx.msk [tilespmem:v23+s4+$0x0], $0xffff  }
0x7a: {  	v24 =	vld.idx.msk [tilespmem:v51+s4+$0x0], $0xffff  }
0x7b: {  	v25 =	vld.idx.msk [tilespmem:v52+s4+$0x0], $0xffff;
	_ =	sdelay $0x3  }
0x7c: {  	v53 =	vmul.f32 v23, v23;
	v54 =	vmul.f32 v21, v21  }
0x7d: {  	v55 =	vmul.f32 v24, v24;
	v56 =	vmul.f32 v25, v25;
	_ =	sdelay $0x1  }
0x7e: {  	v57 =	vadd.f32 v53, v54;
	v29 =	vadd.f32 v56, v55;
	_ =	sdelay $0x1  }
0x7f: {  	v29 =	vadd.f32 v29, v57;
	_ =	sdelay $0x1  }
0x80: {  	(erf) = vrcp.f32 v29;
	_ =	sdelay $0x8  }
0x81: {  	v60 =	vpop (erf)  }
0x82: {  	v58 =	vmul.f32 v25, v24;
	v26 =	vadd.f32 v55, v53;
	v32 =	vadd.f32 v60, v60  }
0x83: {  	v36 =	vmul.u32 $0xC, v22;
	v59 =	vmul.f32 v23, v21;
	v61 =	vmul.f32 v24, v21  }
0x84: {  	v63 =	vmul.f32 v25, v23;
	v26 =	vmul.f32 v32, v26  }
0x85: {  	v40 =	vor.u32 $0x1, v36;
	v62 =	vsub.f32 v59, v58  }
0x86: {  	v41 =	vor.u32 $0x2, v36;
	v34 =	vadd.f32 v63, v61;
	v26 =	vsub.f32 $1.000000000e+00, v26  }
0x87: {  	v47 =	vadd.s32 $0x9, v36;
	v21 =	vmul.f32 v25, v21;
	v7 =	vmul.f32 v32, v62  }
0x88: {  	v23 =	vmul.f32 v24, v23;
	v24 =	vmul.f32 v32, v34;
	v38 =	vshrl.u32 v26, $0x10  }
0x89: {  	v6 =	vadd.f32 v55, v54;
	v37 =	vshrl.u32 v7, $0x10;
	v39 =	vand.u32 $0x1, v38  }
0x8a: {  	v42 =	vshrl.u32 v24, $0x10;
	v29 =	vand.u32 $0x1, v37;
	v26 =	vadd.s32 v39, v26  }
0x8b: {  	v27 =	vadd.s32 v29, v7;
	v29 =	vand.u32 $0x1, v42;
	v26 =	vadd.s32 $0x7FFF, v26  }
0x8c: {  	v27 =	vadd.s32 $0x7FFF, v27;
	v24 =	vadd.s32 v29, v24;
	v26 =	vand.u32 $0xFFFF0000, v26  }
0x8d: {  	v22 =	vadd.f32 v58, v59;
	v24 =	vadd.s32 $0x7FFF, v24;
	v43 =	vand.u32 $0xFFFF0000, v27;
	[tilespmem:v36+s29+$0x0] =	vst.idx.msk $0xffff, v26  }
0x8e: {  	v44 =	vsub.f32 v61, v63;
	v25 =	vmul.f32 v32, v6;
	v24 =	vand.u32 $0xFFFF0000, v24;
	[tilespmem:v40+s29+$0x0] =	vst.idx.msk $0xffff, v43  }
0x8f: {  	v49 =	vor.u32 $0x3, v36;
	v45 =	vsub.f32 v23, v21;
	v22 =	vmul.f32 v32, v22;
	[tilespmem:v41+s29+$0x0] =	vst.idx.msk $0xffff, v24  }
0x90: {  	v51 =	vadd.s32 $0x4, v36;
	v21 =	vadd.f32 v21, v23;
	v25 =	vsub.f32 $1.000000000e+00, v25;
	v24 =	vld.idx.msk [tilespmem:v20+s4+$0x0], $0xffff  }
0x91: {  	v53 =	vadd.s32 $0x5, v36;
	v48 =	vshrl.u32 v22, $0x10;
	v26 =	vmul.f32 v32, v45  }
0x92: {  	v54 =	vor.u32 $0x1, v20;
	v50 =	vand.u32 $0x1, v48;
	v46 =	vshrl.u32 v25, $0x10  }
0x93: {  	v22 =	vadd.s32 v50, v22;
	v23 =	vand.u32 $0x1, v46;
	v52 =	vshrl.u32 v26, $0x10  }
0x94: {  	v22 =	vadd.s32 $0x7FFF, v22;
	v23 =	vadd.s32 v23, v25;
	v25 =	vand.u32 $0x1, v52  }
0x95: {  	v22 =	vand.u32 $0xFFFF0000, v22;
	v23 =	vadd.s32 $0x7FFF, v23;
	v25 =	vadd.s32 v25, v26;
	[tilespmem:v47+s29+$0x0] =	vst.idx.msk $0xffff, v24  }
0x96: {  	v25 =	vadd.s32 $0x7FFF, v25;
	[tilespmem:v49+s29+$0x0] =	vst.idx.msk $0xffff, v22;
	v22 =	vand.u32 $0xFFFF0000, v23  }
0x97: {  	v55 =	vmul.f32 v32, v44;
	[tilespmem:v51+s29+$0x0] =	vst.idx.msk $0xffff, v22;
	v22 =	vand.u32 $0xFFFF0000, v25  }
0x98: {  	v21 =	vmul.f32 v32, v21;
	v23 =	vmul.f32 v32, v57;
	[tilespmem:v53+s29+$0x0] =	vst.idx.msk $0xffff, v22  }
0x99: {  	v58 =	vadd.s32 $0xA, v36;
	v59 =	vadd.s32 $0x6, v36;
	v63 =	vadd.s32 $0x8, v36;
	v57 =	vld.idx.msk [tilespmem:v54+s4+$0x0], $0xffff  }
0x9a: {  	v56 =	vshrl.u32 v55, $0x10;
	v61 =	vshrl.u32 v21, $0x10;
	v22 =	vsub.f32 $1.000000000e+00, v23  }
0x9b: {  	v62 =	vadd.s32 $0x7, v36;
	v29 =	vand.u32 $0x1, v61;
	v23 =	vand.u32 $0x1, v56  }
0x9c: {  	v21 =	vadd.s32 v29, v21;
	v23 =	vadd.s32 v23, v55;
	v60 =	vshrl.u32 v22, $0x10  }
0x9d: {  	v20 =	vor.u32 $0x2, v20;
	v23 =	vadd.s32 $0x7FFF, v23;
	v27 =	vand.u32 $0x1, v60  }
0x9e: {  	v21 =	vadd.s32 $0x7FFF, v21;
	v23 =	vand.u32 $0xFFFF0000, v23;
	v22 =	vadd.s32 v27, v22;
	[tilespmem:v58+s29+$0x0] =	vst.idx.msk $0xffff, v57  }
0x9f: {  	v21 =	vand.u32 $0xFFFF0000, v21;
	v22 =	vadd.s32 $0x7FFF, v22;
	[tilespmem:v59+s29+$0x0] =	vst.idx.msk $0xffff, v23  }
0xa0: {  	s24 =	simm.s32 $0x10;
	[tilespmem:v62+s29+$0x0] =	vst.idx.msk $0xffff, v21;
	v21 =	vand.u32 $0xFFFF0000, v22  }
0xa1: {  	[tilespmem:v63+s29+$0x0] =	vst.idx.msk $0xffff, v21;
	v21 =	vor.u32 s24, v2  }
0xa2: {  	s0 =	simm.s32 $0x20;
	v23 =	vadd.s32 $0xB, v36;
	v20 =	vld.idx.msk [tilespmem:v20+s4+$0x0], $0xffff;
	v22 =	vshll.u32 v21, $0x1  }
.LBB2_2:
0xa3: {  	p0 =	sne.s32 s0, $0x130;
	s2 =	smov.u32 s0;
	s0 =	sadd.s32 $0x10, s0  }
0xa4: {  	_ =	sdelay $0x2  }
0xa5: {  	[tilespmem:v23+s29+$0x0] =	vst.idx.msk $0xffff, v20  }
0xa6: {  	v20 =	vld.idx.msk [tilespmem:v22+s25+$0x0], $0xffff;
	_ =	sdelay $0x5  }
0xa7: {  	v20 =	vshll.u32 v20, $0x3  }
0xa8: {  	v22 =	vor.u32 $0x3, v20;
	v23 =	vor.u32 $0x4, v20;
	v24 =	vor.u32 $0x6, v20  }
0xa9: {  	v25 =	vor.u32 $0x5, v20;
	_ =	sdelay $0x2  }
0xaa: {  	s16 =	simm.s32 $0x0  }
0xab: {  	v22 =	vld.idx.msk [tilespmem:v22+s16+$0x0], $0xffff  }
0xac: {  	v23 =	vld.idx.msk [tilespmem:v23+s16+$0x0], $0xffff  }
0xad: {  	v25 =	vld.idx.msk [tilespmem:v25+s16+$0x0], $0xffff  }
0xae: {  	v24 =	vld.idx.msk [tilespmem:v24+s16+$0x0], $0xffff;
	_ =	sdelay $0x3  }
0xaf: {  	v26 =	vmul.f32 v23, v23  }
0xb0: {  	v27 =	vmul.f32 v22, v22;
	v28 =	vmul.f32 v25, v22  }
0xb1: {  	v29 =	vmul.f32 v25, v25;
	v30 =	vmul.f32 v24, v24  }
0xb2: {  	v31 =	vmul.f32 v24, v25;
	v32 =	vmul.f32 v24, v23  }
0xb3: {  	v33 =	vadd.f32 v26, v27;
	v24 =	vmul.f32 v24, v22;
	v30 =	vadd.f32 v30, v29  }
0xb4: {  	v25 =	vmul.f32 v25, v23;
	v26 =	vadd.f32 v29, v26;
	v27 =	vadd.f32 v29, v27  }
0xb5: {  	v29 =	vadd.f32 v30, v33;
	v30 =	vsub.f32 v28, v32  }
0xb6: {  	v34 =	vadd.f32 v24, v25  }
0xb7: {  	(erf) = vrcp.f32 v29;
	_ =	sdelay $0x7  }
0xb8: {  	v22 =	vmul.f32 v23, v22  }
0xb9: {  	v23 =	vpop (erf)  }
0xba: {  	v29 =	vsub.f32 v22, v31;
	v23 =	vadd.f32 v23, v23  }
0xbb: {  	v24 =	vsub.f32 v25, v24;
	v25 =	vmul.u32 $0xC, v21;
	v28 =	vadd.f32 v32, v28  }
0xbc: {  	v22 =	vadd.f32 v31, v22;
	v21 =	vmul.f32 v23, v26;
	v26 =	vmul.f32 v23, v29  }
0xbd: {  	v28 =	vmul.f32 v23, v28;
	v27 =	vmul.f32 v23, v27;
	v29 =	vor.u32 $0x2, v25  }
0xbe: {  	v22 =	vmul.f32 v23, v22;
	v21 =	vsub.f32 $1.000000000e+00, v21;
	v31 =	vshrl.u32 v26, $0x10  }
0xbf: {  	v27 =	vsub.f32 $1.000000000e+00, v27;
	v32 =	vshrl.u32 v28, $0x10;
	v31 =	vand.u32 $0x1, v31  }
0xc0: {  	v35 =	vshrl.u32 v21, $0x10;
	v26 =	vadd.s32 v31, v26;
	v31 =	vand.u32 $0x1, v32  }
0xc1: {  	v32 =	vand.u32 $0x1, v35;
	v26 =	vadd.s32 $0x7FFF, v26;
	v35 =	vor.u32 $0x1, v25  }
0xc2: {  	v28 =	vadd.s32 v31, v28;
	v31 =	vshrl.u32 v27, $0x10;
	v21 =	vadd.s32 v32, v21  }
0xc3: {  	v28 =	vadd.s32 $0x7FFF, v28;
	v31 =	vand.u32 $0x1, v31;
	v21 =	vadd.s32 $0x7FFF, v21  }
0xc4: {  	v32 =	vshrl.u32 v22, $0x10;
	v27 =	vadd.s32 v31, v27;
	v21 =	vand.u32 $0xFFFF0000, v21  }
0xc5: {  	v27 =	vadd.s32 $0x7FFF, v27;
	[tilespmem:v25+s29+$0x0] =	vst.idx.msk $0xffff, v21;
	v21 =	vand.u32 $0xFFFF0000, v26;
	v26 =	vand.u32 $0x1, v32  }
0xc6: {  	v24 =	vmul.f32 v23, v24;
	[tilespmem:v35+s29+$0x0] =	vst.idx.msk $0xffff, v21;
	v21 =	vand.u32 $0xFFFF0000, v28;
	v22 =	vadd.s32 v26, v22  }
0xc7: {  	v26 =	vmul.f32 v23, v30;
	v28 =	vmul.f32 v23, v33;
	[tilespmem:v29+s29+$0x0] =	vst.idx.msk $0xffff, v21;
	v21 =	vadd.s32 $0x7FFF, v22  }
0xc8: {  	v30 =	vor.u32 $0x1, v20;
	v22 =	vmul.f32 v23, v34;
	v29 =	vshrl.u32 v24, $0x10;
	v23 =	vld.idx.msk [tilespmem:v20+s16+$0x0], $0xffff  }
0xc9: {  	v31 =	vadd.s32 $0x9, v25;
	v28 =	vsub.f32 $1.000000000e+00, v28;
	v29 =	vand.u32 $0x1, v29  }
0xca: {  	v32 =	vor.u32 $0x3, v25;
	v24 =	vadd.s32 v29, v24;
	v29 =	vshrl.u32 v26, $0x10  }
0xcb: {  	v33 =	vadd.s32 $0x4, v25;
	v24 =	vadd.s32 $0x7FFF, v24;
	v29 =	vand.u32 $0x1, v29  }
0xcc: {  	v34 =	vadd.s32 $0x5, v25;
	v26 =	vadd.s32 v29, v26;
	v29 =	vshrl.u32 v28, $0x10  }
0xcd: {  	v35 =	vshrl.u32 v22, $0x10;
	v26 =	vadd.s32 $0x7FFF, v26;
	v29 =	vand.u32 $0x1, v29  }
0xce: {  	v21 =	vand.u32 $0xFFFF0000, v21;
	v28 =	vadd.s32 v29, v28;
	[tilespmem:v31+s29+$0x0] =	vst.idx.msk $0xffff, v23;
	v23 =	vand.u32 $0x1, v35  }
0xcf: {  	[tilespmem:v32+s29+$0x0] =	vst.idx.msk $0xffff, v21;
	v21 =	vand.u32 $0xFFFF0000, v27;
	v22 =	vadd.s32 v23, v22;
	v23 =	vadd.s32 $0x7FFF, v28  }
0xd0: {  	[tilespmem:v33+s29+$0x0] =	vst.idx.msk $0xffff, v21;
	v21 =	vand.u32 $0xFFFF0000, v24;
	v22 =	vadd.s32 $0x7FFF, v22  }
0xd1: {  	[tilespmem:v34+s29+$0x0] =	vst.idx.msk $0xffff, v21  }
0xd2: {  	v21 =	vld.idx.msk [tilespmem:v30+s16+$0x0], $0xffff  }
0xd3: {  	v24 =	vadd.s32 $0xA, v25  }
0xd4: {  	v27 =	vadd.s32 $0x6, v25  }
0xd5: {  	v28 =	vadd.s32 $0x7, v25  }
0xd6: {  	v29 =	vadd.s32 $0x8, v25  }
0xd7: {  	v20 =	vor.u32 $0x2, v20  }
0xd8: {  	[tilespmem:v24+s29+$0x0] =	vst.idx.msk $0xffff, v21;
	v21 =	vand.u32 $0xFFFF0000, v26  }
.Ltmp2:
0xd9: {  	[tilespmem:v27+s29+$0x0] =	vst.idx.msk $0xffff, v21;
	v21 =	vand.u32 $0xFFFF0000, v22;
	(pc) =	sbr.rel @p0 .LBB2_2-.Ltmp2, $4  }
0xda: {  	[tilespmem:v28+s29+$0x0] =	vst.idx.msk $0xffff, v21;
	v21 =	vand.u32 $0xFFFF0000, v23  }
0xdb: {  	[tilespmem:v29+s29+$0x0] =	vst.idx.msk $0xffff, v21  }
0xdc: {  	v21 =	vor.u32 s2, v2;
	v20 =	vld.idx.msk [tilespmem:v20+s16+$0x0], $0xffff  }
0xdd: {  	v23 =	vadd.s32 $0xB, v25;
	v22 =	vshll.u32 v21, $0x1  }
0xde: {  	_ =	sdelay $0x3  }
0xdf: {  	[tilespmem:v23+s29+$0x0] =	vst.idx.msk $0xffff, v20  }
0xe0: {  	v20 =	vld.idx.msk [tilespmem:v22+s25+$0x0], $0xffff;
	_ =	sdelay $0x4  }
0xe1: {  	v20 =	vshll.u32 v20, $0x3  }
0xe2: {  	v22 =	vor.u32 $0x3, v20  }
0xe3: {  	v23 =	vor.u32 $0x4, v20  }
0xe4: {  	v24 =	vor.u32 $0x5, v20  }
0xe5: {  	v25 =	vor.u32 $0x6, v20;
	_ =	sdelay $0x1  }
0xe6: {  	v22 =	vld.idx.msk [tilespmem:v22+s16+$0x0], $0xffff  }
0xe7: {  	v23 =	vld.idx.msk [tilespmem:v23+s16+$0x0], $0xffff  }
0xe8: {  	v24 =	vld.idx.msk [tilespmem:v24+s16+$0x0], $0xffff  }
0xe9: {  	v25 =	vld.idx.msk [tilespmem:v25+s16+$0x0], $0xffff;
	_ =	sdelay $0x3  }
0xea: {  	v26 =	vmul.f32 v23, v23;
	v27 =	vmul.f32 v22, v22  }
0xeb: {  	v28 =	vmul.f32 v24, v24;
	v29 =	vmul.f32 v25, v25;
	_ =	sdelay $0x1  }
0xec: {  	v30 =	vadd.f32 v26, v27;
	v29 =	vadd.f32 v29, v28;
	_ =	sdelay $0x1  }
0xed: {  	v29 =	vadd.f32 v29, v30;
	_ =	sdelay $0x1  }
0xee: {  	(erf) = vrcp.f32 v29;
	_ =	sdelay $0x8  }
0xef: {  	v31 =	vpop (erf)  }
0xf0: {  	v60 =	vmul.f32 v24, v22;
	v26 =	vadd.f32 v28, v26;
	v31 =	vadd.f32 v31, v31  }
0xf1: {  	v21 =	vmul.u32 $0xC, v21;
	v32 =	vmul.f32 v25, v24;
	v34 =	vmul.f32 v23, v22  }
0xf2: {  	v33 =	vmul.f32 v25, v23;
	v26 =	vmul.f32 v31, v26  }
0xf3: {  	v7 =	vor.u32 $0x2, v21;
	v61 =	vsub.f32 v34, v32  }
0xf4: {  	v22 =	vmul.f32 v25, v22;
	v62 =	vadd.f32 v33, v60;
	v63 =	vsub.f32 $1.000000000e+00, v26  }
0xf5: {  	v36 =	vor.u32 $0x1, v21;
	v23 =	vmul.f32 v24, v23;
	v25 =	vmul.f32 v31, v61  }
0xf6: {  	v27 =	vadd.f32 v28, v27;
	v28 =	vmul.f32 v31, v62;
	v38 =	vshrl.u32 v63, $0x10  }
0xf7: {  	v6 =	vadd.f32 v32, v34;
	v35 =	vshrl.u32 v25, $0x10;
	v34 =	vand.u32 $0x1, v38  }
0xf8: {  	v37 =	vshrl.u32 v28, $0x10;
	v35 =	vand.u32 $0x1, v35;
	v24 =	vadd.s32 v34, v63  }
0xf9: {  	v39 =	vand.u32 $0x1, v37;
	v25 =	vadd.s32 v35, v25;
	v24 =	vadd.s32 $0x7FFF, v24  }
0xfa: {  	v28 =	vadd.s32 v39, v28;
	v25 =	vadd.s32 $0x7FFF, v25;
	v24 =	vand.u32 $0xFFFF0000, v24  }
0xfb: {  	v28 =	vadd.s32 $0x7FFF, v28;
	v40 =	vand.u32 $0xFFFF0000, v25;
	[tilespmem:v21+s29+$0x0] =	vst.idx.msk $0xffff, v24  }
0xfc: {  	v45 =	vadd.s32 $0x9, v21;
	v27 =	vmul.f32 v31, v27;
	v42 =	vand.u32 $0xFFFF0000, v28;
	[tilespmem:v36+s29+$0x0] =	vst.idx.msk $0xffff, v40  }
0xfd: {  	v47 =	vor.u32 $0x3, v21;
	v43 =	vsub.f32 v23, v22;
	v26 =	vmul.f32 v31, v6;
	[tilespmem:v7+s29+$0x0] =	vst.idx.msk $0xffff, v42  }
0xfe: {  	v49 =	vadd.s32 $0x4, v21;
	v51 =	vadd.s32 $0x5, v21;
	v27 =	vsub.f32 $1.000000000e+00, v27;
	v24 =	vld.idx.msk [tilespmem:v20+s16+$0x0], $0xffff  }
0xff: {  	v52 =	vor.u32 $0x1, v20;
	v46 =	vshrl.u32 v26, $0x10;
	v28 =	vmul.f32 v31, v43  }
0x100: {  	v22 =	vadd.f32 v22, v23;
	v44 =	vshrl.u32 v27, $0x10;
	v48 =	vand.u32 $0x1, v46  }
0x101: {  	v23 =	vand.u32 $0x1, v44;
	v26 =	vadd.s32 v48, v26;
	v50 =	vshrl.u32 v28, $0x10  }
0x102: {  	v23 =	vadd.s32 v23, v27;
	v26 =	vadd.s32 $0x7FFF, v26;
	v27 =	vand.u32 $0x1, v50  }
0x103: {  	v23 =	vadd.s32 $0x7FFF, v23;
	v53 =	vand.u32 $0xFFFF0000, v26;
	v27 =	vadd.s32 v27, v28;
	[tilespmem:v45+s29+$0x0] =	vst.idx.msk $0xffff, v24  }
0x104: {  	v41 =	vsub.f32 v60, v33;
	v23 =	vand.u32 $0xFFFF0000, v23;
	v54 =	vadd.s32 $0x7FFF, v27;
	[tilespmem:v47+s29+$0x0] =	vst.idx.msk $0xffff, v53  }
0x105: {  	v22 =	vmul.f32 v31, v22;
	[tilespmem:v49+s29+$0x0] =	vst.idx.msk $0xffff, v23;
	v23 =	vand.u32 $0xFFFF0000, v54  }
0x106: {  	v55 =	vmul.f32 v31, v30;
	v25 =	vmul.f32 v31, v41;
	[tilespmem:v51+s29+$0x0] =	vst.idx.msk $0xffff, v23  }
0x107: {  	v59 =	vadd.s32 $0xA, v21;
	v60 =	vadd.s32 $0x6, v21;
	v62 =	vshrl.u32 v22, $0x10;
	v58 =	vld.idx.msk [tilespmem:v52+s16+$0x0], $0xffff  }
0x108: {  	v6 =	vadd.s32 $0x8, v21;
	v56 =	vshrl.u32 v25, $0x10;
	v23 =	vsub.f32 $1.000000000e+00, v55  }
0x109: {  	v29 =	vand.u32 $0x1, v62;
	v63 =	vadd.s32 $0x7, v21;
	v57 =	vand.u32 $0x1, v56  }
0x10a: {  	v22 =	vadd.s32 v29, v22;
	v24 =	vadd.s32 v57, v25;
	v61 =	vshrl.u32 v23, $0x10  }
0x10b: {  	v20 =	vor.u32 $0x2, v20;
	v24 =	vadd.s32 $0x7FFF, v24;
	v28 =	vand.u32 $0x1, v61  }
0x10c: {  	v22 =	vadd.s32 $0x7FFF, v22;
	v24 =	vand.u32 $0xFFFF0000, v24;
	v23 =	vadd.s32 v28, v23;
	[tilespmem:v59+s29+$0x0] =	vst.idx.msk $0xffff, v58  }
0x10d: {  	v22 =	vand.u32 $0xFFFF0000, v22;
	v23 =	vadd.s32 $0x7FFF, v23;
	[tilespmem:v60+s29+$0x0] =	vst.idx.msk $0xffff, v24  }
0x10e: {  	[tilespmem:v63+s29+$0x0] =	vst.idx.msk $0xffff, v22;
	v22 =	vand.u32 $0xFFFF0000, v23  }
0x10f: {  	v7 =	vor.u32 s16, v2;
	[tilespmem:v6+s29+$0x0] =	vst.idx.msk $0xffff, v22  }
0x110: {  	v21 =	vadd.s32 $0xB, v21;
	v22 =	vshll.u32 v7, $0x1;
	v20 =	vld.idx.msk [tilespmem:v20+s16+$0x0], $0xffff  }
0x111: {  	v22 =	vor.u32 $0x1, v22;
	_ =	sdelay $0x3  }
0x112: {  	v36 =	vmul.u32 $0xC, v7;
	[tilespmem:v21+s29+$0x0] =	vst.idx.msk $0xffff, v20  }
0x113: {  	v21 =	vld.idx.msk [tilespmem:v22+s25+$0x0], $0xffff  }
0x114: {  	v23 =	vadd.s32 $0x5, v36  }
0x115: {  	v20 =	vadd.s32 $0x6, v36;
	_ =	sdelay $0x1  }
0x116: {  	v51 =	vor.u32 $0x3, v36  }
0x117: {  	v52 =	vadd.s32 $0x4, v36;
	vm0 =	vgt.s32 v21, $0x0  }
0x118: {  	v54 =	vor.u32 $0x2, v36;
	v23 =	vld.idx.msk [tilespmem:v23+s29+$0x0], $0xffff;
	v53 =	vnsel vm0, $0x0, v21  }
0x119: {  	v22 =	vld.idx.msk [tilespmem:v20+s29+$0x0], $0xffff;
	v20 =	vor.u32 $0x1, v36;
	v37 =	vmul.u32 $0xC, v53  }
0x11a: {  	v30 =	vld.idx.msk [tilespmem:v36+s29+$0x0], $0xffff  }
0x11b: {  	v34 =	vld.idx.msk [tilespmem:v51+s29+$0x0], $0xffff;
	v55 =	vadd.s32 $0x8, v37  }
0x11c: {  	v29 =	vld.idx.msk [tilespmem:v52+s29+$0x0], $0xffff;
	v56 =	vadd.s32 $0x7, v37  }
0x11d: {  	v38 =	vld.idx.msk [tilespmem:v54+s29+$0x0], $0xffff;
	v26 =	vadd.s32 $0x5, v37  }
0x11e: {  	v57 =	vadd.s32 $0x6, v37;
	v42 =	vld.idx.msk [tilespmem:v20+s29+$0x0], $0xffff  }
0x11f: {  	v40 =	vadd.s32 $0x7, v36;
	v41 =	vadd.s32 $0x8, v36;
	v58 =	vor.u32 $0x2, v37;
	v39 =	vld.idx.msk [tilespmem:v37+s28+$0x0], $0xffff  }
0x120: {  	v62 =	vadd.s32 $0xB, v36;
	v1 =	vadd.s32 $0xA, v36;
	v36 =	vadd.s32 $0x9, v36;
	v45 =	vld.idx.msk [tilespmem:v55+s28+$0x0], $0xffff  }
0x121: {  	vm15 =	vgt.s32 v21, $0xFFFFFFFF;
	v43 =	vor.u32 $0x1, v37;
	v44 =	vor.u32 $0x3, v37;
	v46 =	vld.idx.msk [tilespmem:v56+s28+$0x0], $0xffff  }
0x122: {  	v20 =	vshll.u32 v7, $0x4;
	v21 =	vadd.s32 $0x4, v37;
	v52 =	vadd.s32 $0x9, v37;
	v47 =	vld.idx.msk [tilespmem:v26+s28+$0x0], $0xffff  }
0x123: {  	v54 =	vadd.s32 $0xA, v37;
	v32 =	vor.u32 $0x9, v20;
	v28 =	vor.u32 $0x5, v20;
	v48 =	vld.idx.msk [tilespmem:v57+s28+$0x0], $0xffff  }
0x124: {  	v24 =	vor.u32 $0x6, v20;
	v50 =	vld.idx.msk [tilespmem:v58+s28+$0x0], $0xffff;
	v49 =	vmul.f32 v39, v30;
	v51 =	vmul.f32 v39, v34  }
0x125: {  	v27 =	vld.idx.msk [tilespmem:v41+s29+$0x0], $0xffff;
	v31 =	vor.u32 $0x4, v20;
	v39 =	vmul.f32 v39, v22;
	v41 =	vmul.f32 v45, v38  }
0x126: {  	v25 =	vor.u32 $0x7, v20;
	v43 =	vld.idx.msk [tilespmem:v43+s28+$0x0], $0xffff;
	v53 =	vmul.f32 v45, v23;
	v56 =	vmul.f32 v46, v38  }
0x127: {  	v33 =	vor.u32 $0x3, v20;
	v44 =	vld.idx.msk [tilespmem:v44+s28+$0x0], $0xffff;
	v58 =	vmul.f32 v46, v23;
	v59 =	vmul.f32 v47, v42  }
0x128: {  	v37 =	vadd.s32 $0xB, v37;
	v61 =	vmul.f32 v47, v29;
	v35 =	vmul.f32 v48, v38  }
0x129: {  	v26 =	vor.u32 $0xA, v20;
	v60 =	vld.idx.msk [tilespmem:v21+s28+$0x0], $0xffff;
	v63 =	vmul.f32 v48, v23;
	v0 =	vmul.f32 v50, v34  }
0x12a: {  	v40 =	vld.idx.msk [tilespmem:v40+s29+$0x0], $0xffff;
	v55 =	vor.u32 $0x2, v20;
	v46 =	vmul.f32 v46, v27;
	v4 =	vmul.f32 v50, v30  }
0x12b: {  	v57 =	vor.u32 $0x1, v20;
	v5 =	vmul.f32 v43, v30;
	v6 =	vmul.f32 v43, v34  }
0x12c: {  	v21 =	vmul.u32 $0x9, v7;
	v43 =	vmul.f32 v43, v22;
	v7 =	vmul.f32 v44, v42  }
0x12d: {  	v8 =	vmul.f32 v44, v29;
	v50 =	vmul.f32 v50, v22;
	v4 =	vadd.f32 v59, v4  }
0x12e: {  	v59 =	vmul.f32 v60, v29;
	v0 =	vadd.f32 v61, v0;
	v7 =	vadd.f32 v7, v49  }
0x12f: {  	v44 =	vmul.f32 v44, v40;
	v8 =	vadd.f32 v8, v51;
	v4 =	vadd.f32 v41, v4  }
0x130: {  	v6 =	vadd.f32 v59, v6;
	v41 =	vmul.f32 v48, v27;
	v48 =	vld.idx.msk [tilespmem:v52+s28+$0x0], $0xffff;
	v0 =	vadd.f32 v53, v0  }
0x131: {  	v59 =	vmul.f32 v60, v42;
	v52 =	vld.idx.msk [tilespmem:v54+s28+$0x0], $0xffff;
	v7 =	vadd.f32 v35, v7;
	v8 =	vadd.f32 v63, v8  }
0x132: {  	v35 =	vld.idx.msk [tilespmem:v37+s28+$0x0], $0xffff;
	v37 =	vmul.f32 v47, v40;
	v61 =	vshrl.u32 v4, $0x10;
	v6 =	vadd.f32 v58, v6  }
0x133: {  	v5 =	vadd.f32 v59, v5;
	v59 =	vshrl.u32 v7, $0x10;
	v58 =	vshrl.u32 v8, $0x10  }
0x134: {  	v37 =	vadd.f32 v37, v50;
	v50 =	vadd.f32 v44, v39;
	v51 =	vand.u32 $0x1, v61  }
0x135: {  	v47 =	vand.u32 $0x1, v59;
	v5 =	vadd.f32 v56, v5;
	v56 =	vmul.f32 v60, v40  }
0x136: {  	v4 =	vadd.s32 v51, v4;
	v49 =	vmul.f32 v48, v30;
	v51 =	vmul.f32 v52, v42  }
0x137: {  	v7 =	vadd.s32 v47, v7;
	v53 =	vmul.f32 v52, v29;
	v59 =	vmul.f32 v48, v34  }
0x138: {  	v4 =	vadd.s32 $0x7FFF, v4;
	v60 =	vmul.f32 v35, v23;
	v52 =	vmul.f32 v52, v40  }
0x139: {  	v7 =	vadd.s32 $0x7FFF, v7;
	v48 =	vmul.f32 v48, v22;
	v4 =	vand.u32 $0xFFFF0000, v4  }
0x13a: {  	v54 =	vshrl.u32 v5, $0x10;
	v43 =	vadd.f32 v56, v43;
	v7 =	vand.u32 $0xFFFF0000, v7  }
0x13b: {  	v4 =	vsel vm15, v4, v38;
	v47 =	vadd.f32 v51, v49;
	v38 =	vmul.f32 v35, v38  }
0x13c: {  	v61 =	vand.u32 $0x1, v54;
	v63 =	vadd.f32 v53, v59;
	v35 =	vmul.f32 v35, v27  }
0x13d: {  	v1 =	vld.idx.msk [tilespmem:v1+s29+$0x0], $0xffff;
	v48 =	vadd.f32 v52, v48;
	v52 =	vmul.f32 v45, v27;
	v7 =	vsel vm15, v7, v30  }
0x13e: {  	v36 =	vld.idx.msk [tilespmem:v36+s29+$0x0], $0xffff;
	v5 =	vadd.s32 v61, v5;
	v61 =	vshrl.u32 v0, $0x10;
	v51 =	vadd.f32 v46, v43  }
0x13f: {  	v38 =	vadd.f32 v38, v47;
	v59 =	vadd.f32 v60, v63;
	v60 =	vand.u32 $0x1, v58  }
0x140: {  	v5 =	vadd.s32 $0x7FFF, v5;
	v63 =	vshrl.u32 v6, $0x10;
	v54 =	vand.u32 $0x1, v61  }
0x141: {  	v58 =	vadd.f32 v41, v50;
	v61 =	vadd.f32 v35, v48;
	v8 =	vadd.s32 v60, v8  }
0x142: {  	v5 =	vand.u32 $0xFFFF0000, v5;
	v56 =	vshrl.u32 v51, $0x10;
	v0 =	vadd.s32 v54, v0  }
0x143: {  	v38 =	vadd.f32 v38, v36;
	v47 =	vadd.f32 v59, v1;
	v8 =	vadd.s32 $0x7FFF, v8  }
0x144: {  	v53 =	vld.idx.msk [tilespmem:v62+s29+$0x0], $0xffff;
	[tilespmem:v20+s30+$0x0] =	vst.idx.msk $0xffff, v7;
	v5 =	vsel vm15, v5, v42;
	v59 =	vand.u32 $0x1, v56;
	v0 =	vadd.s32 $0x7FFF, v0  }
0x145: {  	v8 =	vand.u32 $0xFFFF0000, v8;
	v60 =	vadd.s32 v59, v51;
	[tilespmem:v57+s30+$0x0] =	vst.idx.msk $0xffff, v5;
	v5 =	vshrl.u32 v58, $0x10  }
0x146: {  	v0 =	vand.u32 $0xFFFF0000, v0;
	v36 =	vsel vm15, v38, v36;
	v38 =	vand.u32 $0x1, v63  }
0x147: {  	v1 =	vsel vm15, v47, v1;
	v8 =	vsel vm15, v8, v34;
	v6 =	vadd.s32 v38, v6  }
0x148: {  	v7 =	vadd.s32 $0x7FFF, v60;
	[tilespmem:v55+s30+$0x0] =	vst.idx.msk $0xffff, v4;
	v4 =	vadd.f32 v52, v37;
	v6 =	vadd.s32 $0x7FFF, v6  }
0x149: {  	v5 =	vand.u32 $0x1, v5;
	v0 =	vsel vm15, v0, v23;
	[tilespmem:v32+s30+$0x0] =	vst.idx.msk $0xffff, v36;
	v6 =	vand.u32 $0xFFFF0000, v6  }
0x14a: {  	v5 =	vadd.s32 v5, v58;
	[tilespmem:v33+s30+$0x0] =	vst.idx.msk $0xffff, v8;
	v8 =	vshrl.u32 v4, $0x10;
	v6 =	vsel vm15, v6, v29  }
0x14b: {  	v23 =	vor.u32 $0x8, v20;
	v5 =	vadd.s32 $0x7FFF, v5;
	v62 =	vand.u32 $0x1, v8;
	[tilespmem:v31+s30+$0x0] =	vst.idx.msk $0xffff, v6  }
0x14c: {  	v5 =	vand.u32 $0xFFFF0000, v5;
	[tilespmem:v28+s30+$0x0] =	vst.idx.msk $0xffff, v0;
	v0 =	vadd.s32 v62, v4;
	v4 =	vor.u32 $0xB, v20  }
0x14d: {  	v63 =	vand.u32 $0xFFFF0000, v7;
	v5 =	vsel vm15, v5, v22;
	[tilespmem:v26+s30+$0x0] =	vst.idx.msk $0xffff, v1;
	v0 =	vadd.s32 $0x7FFF, v0  }
0x14e: {  	v6 =	vsel vm15, v63, v40;
	v1 =	vadd.f32 v61, v53;
	[tilespmem:v24+s30+$0x0] =	vst.idx.msk $0xffff, v5;
	v0 =	vand.u32 $0xFFFF0000, v0  }
0x14f: {  	[tilespmem:v25+s30+$0x0] =	vst.idx.msk $0xffff, v6;
	v0 =	vsel vm15, v0, v27  }
0x150: {  	v1 =	vsel vm15, v1, v53;
	[tilespmem:v23+s30+$0x0] =	vst.idx.msk $0xffff, v0  }
0x151: {  	[tilespmem:v4+s30+$0x0] =	vst.idx.msk $0xffff, v1  }
0x152: {  	v0 =	vld.idx.msk [tilespmem:v21+s26+$0x0], $0xffff;
	_ =	sdelay $0x4  }
0x153: {  	v4 =	vor.u32 $0xC, v20;
	v1 =	vshrl.u32 v0, $0x10  }
0x154: {  	p0 =	por $0x1, $0x1;
	v5 =	vadd.s32 $0x4, v21;
	v1 =	vand.u32 $0x1, v1  }
.Ltmp3:
0x155: {  	v0 =	vadd.s32 v1, v0;
	(pc) =	sbr.rel @!p0 .LBB2_5-.Ltmp3, $4  }
0x156: {  	v0 =	vadd.s32 $0x7FFF, v0  }
0x157: {  	v0 =	vand.u32 $0xFFFF0000, v0  }
0x158: {  	[tilespmem:v4+s30+$0x0] =	vst.idx.msk $0xffff, v0  }
0x159: {  	s16 =	simm.s32 $0x10;
	v22 =	vld.idx.msk [tilespmem:v5+s26+$0x0], $0xffff  }
.LBB2_4:
0x15a: {  	_ = 	snop  }
0x15b: {  	p0 =	sne.s32 s16, $0x130;
	s0 =	smov.u32 s16;
	s16 =	sadd.s32 $0x10, s16  }
0x15c: {  	_ =	sdelay $0x1  }
0x15d: {  	v1 =	vor.u32 $0xD, v20;
	v0 =	vshrl.u32 v22, $0x10  }
0x15e: {  	v4 =	vadd.s32 $0x2, v21;
	v0 =	vand.u32 $0x1, v0  }
0x15f: {  	v0 =	vadd.s32 v0, v22  }
0x160: {  	v0 =	vadd.s32 $0x7FFF, v0  }
0x161: {  	v0 =	vand.u32 $0xFFFF0000, v0  }
0x162: {  	[tilespmem:v1+s30+$0x0] =	vst.idx.msk $0xffff, v0  }
0x163: {  	v0 =	vld.idx.msk [tilespmem:v4+s26+$0x0], $0xffff;
	_ =	sdelay $0x5  }
0x164: {  	v4 =	vor.u32 $0xE, v20;
	v1 =	vshrl.u32 v0, $0x10  }
0x165: {  	v5 =	vadd.s32 $0x5, v21;
	v1 =	vand.u32 $0x1, v1  }
0x166: {  	v6 =	vor.u32 s0, v2;
	v0 =	vadd.s32 v1, v0  }
0x167: {  	v7 =	vmul.u32 $0xC, v6;
	v1 =	vshll.u32 v6, $0x1;
	v0 =	vadd.s32 $0x7FFF, v0  }
0x168: {  	v1 =	vor.u32 $0x1, v1;
	v0 =	vand.u32 $0xFFFF0000, v0  }
0x169: {  	v8 =	vor.u32 $0x3, v7;
	v21 =	vadd.s32 $0x5, v7;
	[tilespmem:v4+s30+$0x0] =	vst.idx.msk $0xffff, v0  }
0x16a: {  	v0 =	vor.u32 $0x1, v7;
	v4 =	vor.u32 $0x2, v7;
	v5 =	vld.idx.msk [tilespmem:v5+s26+$0x0], $0xffff  }
0x16b: {  	v36 =	vadd.s32 $0x7, v7;
	v23 =	vadd.s32 $0x8, v7;
	_ =	sdelay $0x3  }
0x16c: {  	v25 =	vadd.s32 $0x4, v7  }
0x16d: {  	v20 =	vor.u32 $0xF, v20;
	v22 =	vshrl.u32 v5, $0x10  }
0x16e: {  	v22 =	vand.u32 $0x1, v22  }
0x16f: {  	v24 =	vadd.s32 $0x6, v7;
	v5 =	vadd.s32 v22, v5  }
0x170: {  	v5 =	vadd.s32 $0x7FFF, v5  }
0x171: {  	v5 =	vand.u32 $0xFFFF0000, v5  }
0x172: {  	[tilespmem:v20+s30+$0x0] =	vst.idx.msk $0xffff, v5  }
0x173: {  	v1 =	vld.idx.msk [tilespmem:v1+s25+$0x0], $0xffff  }
0x174: {  	v22 =	vld.idx.msk [tilespmem:v24+s29+$0x0], $0xffff  }
0x175: {  	v24 =	vld.idx.msk [tilespmem:v21+s29+$0x0], $0xffff  }
0x176: {  	v26 =	vld.idx.msk [tilespmem:v7+s29+$0x0], $0xffff  }
0x177: {  	v33 =	vld.idx.msk [tilespmem:v8+s29+$0x0], $0xffff;
	_ =	sdelay $0x1  }
0x178: {  	vm0 =	vgt.s32 v1, $0x0  }
0x179: {  	v5 =	vnsel vm0, $0x0, v1  }
0x17a: {  	v5 =	vmul.u32 $0xC, v5;
	_ =	sdelay $0x1  }
0x17b: {  	v8 =	vor.u32 $0x1, v5;
	v21 =	vor.u32 $0x3, v5;
	v20 =	vadd.s32 $0x8, v5;
	v23 =	vld.idx.msk [tilespmem:v23+s29+$0x0], $0xffff  }
0x17c: {  	v27 =	vadd.s32 $0x5, v5;
	v32 =	vld.idx.msk [tilespmem:v25+s29+$0x0], $0xffff;
	v25 =	vadd.s32 $0x7, v5  }
0x17d: {  	v30 =	vadd.s32 $0x6, v5;
	v4 =	vld.idx.msk [tilespmem:v4+s29+$0x0], $0xffff  }
0x17e: {  	v38 =	vld.idx.msk [tilespmem:v0+s29+$0x0], $0xffff;
	v0 =	vor.u32 $0x2, v5  }
0x17f: {  	v39 =	vld.idx.msk [tilespmem:v5+s28+$0x0], $0xffff  }
0x180: {  	vm0 =	vgt.s32 v1, $0xFFFFFFFF;
	v35 =	vld.idx.msk [tilespmem:v20+s28+$0x0], $0xffff  }
0x181: {  	v1 =	vadd.s32 $0x4, v5;
	v20 =	vshll.u32 v6, $0x4;
	v40 =	vld.idx.msk [tilespmem:v25+s28+$0x0], $0xffff  }
0x182: {  	v31 =	vor.u32 $0x9, v20;
	v29 =	vor.u32 $0x5, v20;
	v25 =	vor.u32 $0x6, v20;
	v8 =	vld.idx.msk [tilespmem:v8+s28+$0x0], $0xffff  }
0x183: {  	v28 =	vor.u32 $0xA, v20;
	v41 =	vld.idx.msk [tilespmem:v27+s28+$0x0], $0xffff  }
0x184: {  	v27 =	vor.u32 $0x7, v20;
	v42 =	vld.idx.msk [tilespmem:v30+s28+$0x0], $0xffff;
	v30 =	vor.u32 $0x4, v20  }
0x185: {  	v34 =	vor.u32 $0x3, v20;
	v43 =	vmul.f32 v39, v26;
	v44 =	vmul.f32 v39, v33;
	v0 =	vld.idx.msk [tilespmem:v0+s28+$0x0], $0xffff  }
0x186: {  	v45 =	vadd.s32 $0x9, v5;
	v46 =	vmul.f32 v35, v4;
	v47 =	vmul.f32 v35, v24;
	v1 =	vld.idx.msk [tilespmem:v1+s28+$0x0], $0xffff  }
0x187: {  	v49 =	vadd.s32 $0xA, v5;
	v37 =	vor.u32 $0x2, v20;
	v50 =	vmul.f32 v39, v22;
	v48 =	vld.idx.msk [tilespmem:v21+s28+$0x0], $0xffff  }
0x188: {  	v39 =	vor.u32 $0x1, v20;
	v51 =	vmul.f32 v40, v4;
	v52 =	vmul.f32 v40, v24  }
0x189: {  	v21 =	vmul.u32 $0x9, v6;
	v53 =	vmul.f32 v41, v38;
	v54 =	vmul.f32 v41, v32  }
0x18a: {  	v6 =	vadd.s32 $0xB, v7;
	v55 =	vmul.f32 v42, v4;
	v56 =	vmul.f32 v42, v24;
	v36 =	vld.idx.msk [tilespmem:v36+s29+$0x0], $0xffff  }
0x18b: {  	v57 =	vadd.s32 $0xA, v7;
	v40 =	vmul.f32 v40, v23;
	v58 =	vmul.f32 v0, v33  }
0x18c: {  	v7 =	vadd.s32 $0x9, v7;
	v59 =	vmul.f32 v8, v26;
	v60 =	vmul.f32 v0, v26  }
0x18d: {  	v5 =	vadd.s32 $0xB, v5;
	v61 =	vmul.f32 v8, v33;
	v8 =	vmul.f32 v8, v22  }
0x18e: {  	v62 =	vmul.f32 v48, v38;
	v53 =	vadd.f32 v53, v60;
	v60 =	vmul.f32 v1, v32;
	v45 =	vld.idx.msk [tilespmem:v45+s28+$0x0], $0xffff  }
0x18f: {  	v0 =	vmul.f32 v0, v22;
	v63 =	vmul.f32 v48, v32;
	v54 =	vadd.f32 v54, v58  }
0x190: {  	v42 =	vmul.f32 v42, v23;
	v46 =	vadd.f32 v46, v53;
	v53 =	vadd.f32 v60, v61  }
0x191: {  	v58 =	vmul.f32 v1, v38;
	v43 =	vadd.f32 v62, v43;
	v44 =	vadd.f32 v63, v44;
	v49 =	vld.idx.msk [tilespmem:v49+s28+$0x0], $0xffff  }
0x192: {  	v47 =	vadd.f32 v47, v54;
	v60 =	vshrl.u32 v46, $0x10;
	v52 =	vadd.f32 v52, v53;
	v5 =	vld.idx.msk [tilespmem:v5+s28+$0x0], $0xffff  }
0x193: {  	v43 =	vadd.f32 v55, v43;
	v53 =	vadd.f32 v58, v59;
	v54 =	vand.u32 $0x1, v60  }
0x194: {  	v41 =	vmul.f32 v41, v36;
	v44 =	vadd.f32 v56, v44;
	v46 =	vadd.s32 v54, v46  }
0x195: {  	v48 =	vmul.f32 v48, v36;
	v51 =	vadd.f32 v51, v53;
	v46 =	vadd.s32 $0x7FFF, v46  }
0x196: {  	v53 =	vshrl.u32 v43, $0x10;
	v54 =	vmul.f32 v45, v26;
	v46 =	vand.u32 $0xFFFF0000, v46  }
0x197: {  	v46 =	vsel vm0, v46, v4;
	v55 =	vmul.f32 v49, v38;
	v56 =	vmul.f32 v49, v32  }
0x198: {  	v1 =	vmul.f32 v1, v36;
	v53 =	vand.u32 $0x1, v53;
	v58 =	vshrl.u32 v51, $0x10;
	v7 =	vld.idx.msk [tilespmem:v7+s29+$0x0], $0xffff  }
0x199: {  	v59 =	vshrl.u32 v44, $0x10;
	v60 =	vmul.f32 v45, v33;
	v61 =	vmul.f32 v5, v24;
	v57 =	vld.idx.msk [tilespmem:v57+s29+$0x0], $0xffff  }
0x19a: {  	v43 =	vadd.s32 v53, v43;
	v4 =	vmul.f32 v5, v4;
	v53 =	vadd.f32 v55, v54  }
0x19b: {  	v49 =	vmul.f32 v49, v36;
	v54 =	vand.u32 $0x1, v58;
	v55 =	vadd.f32 v56, v60  }
0x19c: {  	v43 =	vadd.s32 $0x7FFF, v43;
	v5 =	vmul.f32 v5, v23;
	v4 =	vadd.f32 v4, v53  }
0x19d: {  	v45 =	vmul.f32 v45, v22;
	v51 =	vadd.s32 v54, v51;
	v53 =	vadd.f32 v61, v55  }
0x19e: {  	v54 =	vand.u32 $0x1, v59;
	v51 =	vadd.s32 $0x7FFF, v51;
	v4 =	vadd.f32 v4, v7  }
0x19f: {  	v0 =	vadd.f32 v41, v0;
	v44 =	vadd.s32 v54, v44;
	v53 =	vadd.f32 v53, v57  }
0x1a0: {  	v1 =	vadd.f32 v1, v8;
	v41 =	vadd.s32 $0x7FFF, v44;
	v44 =	vshrl.u32 v47, $0x10  }
0x1a1: {  	v8 =	vand.u32 $0xFFFF0000, v51;
	v4 =	vsel vm0, v4, v7;
	v7 =	vand.u32 $0xFFFF0000, v41  }
0x1a2: {  	v8 =	vsel vm0, v8, v38;
	v38 =	vshrl.u32 v52, $0x10;
	v41 =	vsel vm0, v53, v57  }
0x1a3: {  	v7 =	vsel vm0, v7, v33;
	v33 =	vand.u32 $0x1, v38;
	v38 =	vadd.f32 v49, v45  }
0x1a4: {  	v1 =	vadd.f32 v40, v1;
	v45 =	vadd.f32 v48, v50;
	v33 =	vadd.s32 v33, v52;
	v6 =	vld.idx.msk [tilespmem:v6+s29+$0x0], $0xffff  }
0x1a5: {  	v35 =	vmul.f32 v35, v23;
	v40 =	vand.u32 $0xFFFF0000, v43;
	v33 =	vadd.s32 $0x7FFF, v33  }
0x1a6: {  	v43 =	vand.u32 $0x1, v44;
	v44 =	vshrl.u32 v1, $0x10;
	v33 =	vand.u32 $0xFFFF0000, v33  }
0x1a7: {  	v32 =	vsel vm0, v33, v32;
	v33 =	vadd.f32 v42, v45;
	v42 =	vand.u32 $0x1, v44  }
0x1a8: {  	v26 =	vsel vm0, v40, v26;
	v40 =	vadd.s32 v43, v47;
	v1 =	vadd.s32 v42, v1  }
0x1a9: {  	v1 =	vadd.s32 $0x7FFF, v1;
	[tilespmem:v20+s30+$0x0] =	vst.idx.msk $0xffff, v26;
	v26 =	vadd.s32 $0x7FFF, v40;
	v40 =	vshrl.u32 v33, $0x10  }
0x1aa: {  	v5 =	vadd.f32 v5, v38;
	[tilespmem:v39+s30+$0x0] =	vst.idx.msk $0xffff, v8;
	v8 =	vand.u32 $0xFFFF0000, v26;
	v26 =	vand.u32 $0x1, v40  }
0x1ab: {  	v0 =	vadd.f32 v35, v0;
	[tilespmem:v37+s30+$0x0] =	vst.idx.msk $0xffff, v46;
	v8 =	vsel vm0, v8, v24;
	v24 =	vor.u32 $0x8, v20  }
0x1ac: {  	v1 =	vand.u32 $0xFFFF0000, v1;
	v5 =	vadd.f32 v5, v6;
	[tilespmem:v31+s30+$0x0] =	vst.idx.msk $0xffff, v4;
	v4 =	vadd.s32 v26, v33  }
0x1ad: {  	v1 =	vsel vm0, v1, v36;
	[tilespmem:v34+s30+$0x0] =	vst.idx.msk $0xffff, v7;
	v4 =	vadd.s32 $0x7FFF, v4;
	v7 =	vshrl.u32 v0, $0x10  }
0x1ae: {  	v5 =	vsel vm0, v5, v6;
	[tilespmem:v30+s30+$0x0] =	vst.idx.msk $0xffff, v32;
	v4 =	vand.u32 $0xFFFF0000, v4;
	v7 =	vand.u32 $0x1, v7  }
0x1af: {  	v6 =	vor.u32 $0xB, v20;
	[tilespmem:v29+s30+$0x0] =	vst.idx.msk $0xffff, v8;
	v4 =	vsel vm0, v4, v22;
	v0 =	vadd.s32 v7, v0  }
0x1b0: {  	[tilespmem:v28+s30+$0x0] =	vst.idx.msk $0xffff, v41;
	v0 =	vadd.s32 $0x7FFF, v0  }
0x1b1: {  	[tilespmem:v25+s30+$0x0] =	vst.idx.msk $0xffff, v4;
	v0 =	vand.u32 $0xFFFF0000, v0  }
0x1b2: {  	[tilespmem:v27+s30+$0x0] =	vst.idx.msk $0xffff, v1;
	v0 =	vsel vm0, v0, v23  }
0x1b3: {  	[tilespmem:v24+s30+$0x0] =	vst.idx.msk $0xffff, v0  }
0x1b4: {  	[tilespmem:v6+s30+$0x0] =	vst.idx.msk $0xffff, v5  }
0x1b5: {  	v0 =	vld.idx.msk [tilespmem:v21+s26+$0x0], $0xffff;
	_ =	sdelay $0x5  }
0x1b6: {  	v4 =	vor.u32 $0xC, v20;
	v1 =	vshrl.u32 v0, $0x10  }
0x1b7: {  	v5 =	vadd.s32 $0x4, v21;
	v1 =	vand.u32 $0x1, v1  }
.Ltmp4:
0x1b8: {  	v0 =	vadd.s32 v1, v0;
	(pc) =	sbr.rel @p0 .LBB2_4-.Ltmp4, $4  }
0x1b9: {  	v0 =	vadd.s32 $0x7FFF, v0  }
0x1ba: {  	v0 =	vand.u32 $0xFFFF0000, v0  }
0x1bb: {  	[tilespmem:v4+s30+$0x0] =	vst.idx.msk $0xffff, v0  }
0x1bc: {  	v22 =	vld.idx.msk [tilespmem:v5+s26+$0x0], $0xffff  }
.LBB2_5:
0x1bd: {  	_ =	sdelay $0x3  }
0x1be: {  	v1 =	vor.u32 $0xD, v20;
	v0 =	vshrl.u32 v22, $0x10  }
0x1bf: {  	v4 =	vadd.s32 $0x2, v21;
	v0 =	vand.u32 $0x1, v0  }
0x1c0: {  	v0 =	vadd.s32 v0, v22  }
0x1c1: {  	v0 =	vadd.s32 $0x7FFF, v0  }
0x1c2: {  	v0 =	vand.u32 $0xFFFF0000, v0  }
0x1c3: {  	[tilespmem:v1+s30+$0x0] =	vst.idx.msk $0xffff, v0  }
0x1c4: {  	v0 =	vld.idx.msk [tilespmem:v4+s26+$0x0], $0xffff;
	_ =	sdelay $0x4  }
0x1c5: {  	v4 =	vor.u32 $0xE, v20;
	v1 =	vshrl.u32 v0, $0x10  }
0x1c6: {  	v5 =	vadd.s32 $0x5, v21;
	v1 =	vand.u32 $0x1, v1  }
0x1c7: {  	v0 =	vadd.s32 v1, v0  }
0x1c8: {  	v0 =	vadd.s32 $0x7FFF, v0  }
0x1c9: {  	v0 =	vand.u32 $0xFFFF0000, v0  }
0x1ca: {  	[tilespmem:v4+s30+$0x0] =	vst.idx.msk $0xffff, v0  }
0x1cb: {  	v0 =	vld.idx.msk [tilespmem:v5+s26+$0x0], $0xffff;
	_ =	sdelay $0x4  }
0x1cc: {  	v4 =	vor.u32 $0xF, v20;
	v1 =	vshrl.u32 v0, $0x10  }
0x1cd: {  	v1 =	vand.u32 $0x1, v1  }
0x1ce: {  	v0 =	vadd.s32 v1, v0  }
0x1cf: {  	v0 =	vadd.s32 $0x7FFF, v0  }
0x1d0: {  	v0 =	vand.u32 $0xFFFF0000, v0  }
0x1d1: {  	s0 =	rddreg [dreg:$0x8];
	[tilespmem:v4+s30+$0x0] =	vst.idx.msk $0xffff, v0  }
0x1d2: {  	[spmem:s0] =	stream.linear.scatter [tilespmem:s30], [sflag:$0x2], $0x1400, $0x38;
	[tilespmem:$0x1DD80] =	vst v63  }
0x1d3: {  	_ =	swait.ge [sflag:s23], $0x1400  }
0x1d4: {  	[sflag:s23] =	ssyncset.done $0x0  }
0x1d5: {  	[sflag:s23] =	ssyncadd.s32 $0xFFFFEC00  }
0x1d6: {  	[bflag:$0x0] =	sbarrier.arrive $0xFFFF  }
0x1d7: {  	s1 =	rddreg [dreg:$0x2]  }
0x1d8: {  	[tilespmem:s31], [sflag:$0x2] =	stream.linear.gather [spmem:s1], $0x14000, $0x38;
	[tilespmem:$0x1DD80] =	vst v63  }
0x1d9: {  	_ =	swait.ge [sflag:s23], $0x14000  }
0x1da: {  	s16 =	simm.s32 $0x0;
	[sflag:s23] =	ssyncset.done $0x0  }
0x1db: {  	s1 =	simm.s32 $0x19200;
	s2 =	rddreg [dreg:$0x9];
	[sflag:s23] =	ssyncadd.s32 $0xFFFEC000  }
0x1dc: {  	[tilespmem:s1], [sflag:$0x2] =	stream.linear.gather [hbm4b:s2+s16], $0x320, $0x38;
	[tilespmem:$0x1DD80] =	vst v63  }
0x1dd: {  	_ =	swait.ge [sflag:s23], $0x320  }
0x1de: {  	[sflag:s23] =	ssyncset.done $0x0  }
0x1df: {  	s2 =	simm.s32 $0x19900;
	s3 =	rddreg [dreg:$0xa];
	[sflag:s23] =	ssyncadd.s32 $0xFFFFFCE0  }
0x1e0: {  	[tilespmem:s2], [sflag:$0x2] =	stream.linear.gather [hbm4b:s3+s16], $0x320, $0x38;
	[tilespmem:$0x1DD80] =	vst v63  }
0x1e1: {  	_ =	swait.ge [sflag:s23], $0x320  }
0x1e2: {  	[sflag:s23] =	ssyncset.done $0x0  }
0x1e3: {  	s17 =	simm.s32 $0x1A000;
	s15 =	rddreg [dreg:$0xb];
	[sflag:s23] =	ssyncadd.s32 $0xFFFFFCE0  }
0x1e4: {  	[tilespmem:s17], [sflag:$0x2] =	stream.linear.gather [hbm4b:s15+s16], $0x320, $0x38;
	[tilespmem:$0x1DD80] =	vst v63  }
0x1e5: {  	_ =	swait.ge [sflag:s23], $0x320  }
0x1e6: {  	[sflag:s23] =	ssyncset.done $0x0  }
0x1e7: {  	s19 =	simm.s32 $0x1A700;
	s18 =	rddreg [dreg:$0xc];
	[sflag:s23] =	ssyncadd.s32 $0xFFFFFCE0  }
0x1e8: {  	[tilespmem:s19], [sflag:$0x2] =	stream.linear.gather [hbm4b:s18+s16], $0x320, $0x38;
	[tilespmem:$0x1DD80] =	vst v63  }
0x1e9: {  	_ =	swait.ge [sflag:s23], $0x320  }
0x1ea: {  	[sflag:s23] =	ssyncset.done $0x0  }
0x1eb: {  	s20 =	simm.s32 $0x320;
	s21 =	simm.s32 $0x1AE00;
	[sflag:s23] =	ssyncadd.s32 $0xFFFFFCE0  }
0x1ec: {  	[tilespmem:s21], [sflag:$0x1] =	stream.indirect.gather [hbm4b:s8+s20], $0x1, s1, s20, $0xb8;
	[tilespmem:$0x1DD80] =	vst v63  }
.Ltmp5:
0x1ed: {  	_ = 	snop;
	(pc) =	sbr.rel .LBB2_6-.Ltmp5, $4  }
0x1ee: {  	s22 =	simm.s32 $0x1B180  }
0x1ef: {  	[tilespmem:s22], [sflag:$0x1] =	stream.indirect.gather [hbm4b:s9+s20], $0x1, s1, s20, $0xb8;
	[tilespmem:$0x1DD80] =	vst v63  }
0x1f0: {  	s24 =	simm.s32 $0x1B500  }
0x1f1: {  	[tilespmem:s24], [sflag:$0x1] =	stream.indirect.gather [hbm4b:s10+s20], $0x1, s1, s20, $0xb8;
	[tilespmem:$0x1DD80] =	vst v63  }
.LBB2_13:
0x1f2: {  	s16 =	sadd.s32 $0x1, s16  }
0x1f3: {  	p0 =	sne.s32 s16, $0x28  }
.Ltmp6:
0x1f4: {  	_ = 	snop;
	(pc) =	sbr.rel @!p0 .LBB2_14-.Ltmp6, $1  }
0x1f5: {  	_ =	sdelay $0x3  }
.LBB2_6:
0x1f6: {  	s0 =	sshll.u32 s16, $0x6  }
0x1f7: {  	s18 =	sor.u32 s13, s0  }
0x1f8: {  	p0 =	sgt.u32 s18, $0x9C3  }
.Ltmp7:
0x1f9: {  	_ = 	snop;
	(pc) =	sbr.rel @p0 .LBB2_13-.Ltmp7, $1  }
0x1fa: {  	_ =	sdelay $0x3  }
0x1fb: {  	_ =	swait.ge [sflag:s5], $0x320  }
0x1fc: {  	[sflag:s5] =	ssyncset.done $0x0  }
0x1fd: {  	[sflag:s5] =	ssyncadd.s32 $0xFFFFFCE0  }
0x1fe: {  	_ =	swait.ge [sflag:s5], $0x320  }
0x1ff: {  	s17 =	sor.u32 $0x20, s18;
	[sflag:s5] =	ssyncset.done $0x0  }
0x200: {  	p0 =	sgt.u32 s17, $0x9C3;
	[sflag:s5] =	ssyncadd.s32 $0xFFFFFCE0  }
0x201: {  	s0 =	smul.u32 @!p0 $0x64, s17;
	_ =	swait.ge [sflag:s5], $0x320  }
0x202: {  	s3 =	simm.s32 @!p0 $0x0;
	[sflag:s5] =	ssyncset.done $0x0  }
0x203: {  	s15 =	simm.s32 @!p0 $0x19580;
	s2 =	sadd.s32 @!p0 s11, s0;
	[sflag:s5] =	ssyncadd.s32 $0xFFFFFCE0  }
0x204: {  	[tilespmem:s15], [sflag:$0x3] =	stream.linear.gather @!p0 [hbm4b:s2+s3], $0x320, $0x38;
	[tilespmem:$0x1DD80] =	vst v63  }
0x205: {  	s2 =	simm.s32 @!p0 $0x3  }
0x206: {  	_ =	swait.ge @!p0 [sflag:s2], $0x320  }
0x207: {  	[sflag:s2] =	ssyncset.done @!p0 $0x0  }
0x208: {  	[sflag:s2] =	ssyncadd.s32 @!p0 $0xFFFFFCE0  }
0x209: {  	s1 =	rddreg [dreg:$0x0]  }
0x20a: {  	s20 =	simm.s32 @!p0 $0x19C80;
	s19 =	sadd.s32 @!p0 s1, s0  }
0x20b: {  	[tilespmem:s20], [sflag:$0x3] =	stream.linear.gather @!p0 [hbm4b:s19+s3], $0x320, $0x38;
	[tilespmem:$0x1DD80] =	vst v63  }
0x20c: {  	_ =	swait.ge @!p0 [sflag:s2], $0x320  }
0x20d: {  	[sflag:s2] =	ssyncset.done @!p0 $0x0  }
0x20e: {  	s19 =	sadd.s32 @!p0 s12, s0;
	s20 =	simm.s32 @!p0 $0x1A380;
	[sflag:s2] =	ssyncadd.s32 @!p0 $0xFFFFFCE0  }
0x20f: {  	[tilespmem:s20], [sflag:$0x3] =	stream.linear.gather @!p0 [hbm4b:s19+s3], $0x320, $0x38;
	[tilespmem:$0x1DD80] =	vst v63  }
0x210: {  	_ =	swait.ge @!p0 [sflag:s2], $0x320  }
0x211: {  	[sflag:s2] =	ssyncset.done @!p0 $0x0  }
0x212: {  	s0 =	sadd.s32 @!p0 s14, s0;
	s19 =	simm.s32 @!p0 $0x1AA80;
	[sflag:s2] =	ssyncadd.s32 @!p0 $0xFFFFFCE0  }
0x213: {  	[tilespmem:s19], [sflag:$0x3] =	stream.linear.gather @!p0 [hbm4b:s0+s3], $0x320, $0x38;
	[tilespmem:$0x1DD80] =	vst v63  }
0x214: {  	_ =	swait.ge @!p0 [sflag:s2], $0x320  }
0x215: {  	[sflag:s2] =	ssyncset.done @!p0 $0x0  }
0x216: {  	s0 =	simm.s32 @!p0 $0x320;
	[sflag:s2] =	ssyncadd.s32 @!p0 $0xFFFFFCE0;
	s2 =	simm.s32 @!p0 $0x1B880  }
0x217: {  	[tilespmem:s2], [sflag:$0x1] =	stream.indirect.gather @!p0 [hbm4b:s8+s0], $0x1, s15, s0, $0xb8;
	[tilespmem:$0x1DD80] =	vst v63  }
0x218: {  	s2 =	simm.s32 @!p0 $0x1BC00  }
0x219: {  	[tilespmem:s2], [sflag:$0x1] =	stream.indirect.gather @!p0 [hbm4b:s9+s0], $0x1, s15, s0, $0xb8;
	[tilespmem:$0x1DD80] =	vst v63  }
0x21a: {  	s21 =	simm.s32 $0x19910;
	s2 =	simm.s32 @!p0 $0x1BF80  }
0x21b: {  	[tilespmem:s2], [sflag:$0x1] =	stream.indirect.gather @!p0 [hbm4b:s10+s0], $0x1, s15, s0, $0xb8;
	[tilespmem:$0x1DD80] =	vst v63  }
0x21c: {  	v0 =	vld [tilespmem:s21+$0x0];
	_ =	sdelay $0x2  }
0x21d: {  	s22 =	simm.s32 $0x1AE10;
	v5 =	vld [tilespmem:s21+$0xFFFFFFF0]  }
0x21e: {  	s24 =	simm.s32 $0x1B190;
	v7 =	vld [tilespmem:s22+$0x0]  }
0x21f: {  	s1 =	simm.s32 $0x1B510;
	v20 =	vld [tilespmem:s24+$0x0];
	v1 =	vadd.s32 $0x6, v0  }
0x220: {  	v23 =	vld [tilespmem:s1+$0x0];
	v4 =	vadd.s32 $0x7, v0  }
0x221: {  	v30 =	vld [tilespmem:s22+$0xFFFFFFF0];
	v6 =	vadd.s32 $0x8, v0  }
0x222: {  	v32 =	vld [tilespmem:s24+$0xFFFFFFF0];
	v8 =	vadd.s32 $0x1, v0  }
0x223: {  	v24 =	vadd.s32 $0x2, v0;
	v26 =	vld.idx.msk [tilespmem:v0+s31+$0x0], $0xffff  }
0x224: {  	v25 =	vadd.s32 $0x7, v5;
	v1 =	vld.idx.msk [tilespmem:v1+s31+$0x0], $0xffff  }
0x225: {  	v21 =	vadd.s32 $0xB, v0;
	v4 =	vld.idx.msk [tilespmem:v4+s31+$0x0], $0xffff  }
0x226: {  	v22 =	vadd.s32 $0x6, v5;
	v6 =	vld.idx.msk [tilespmem:v6+s31+$0x0], $0xffff  }
0x227: {  	v27 =	vadd.s32 $0x9, v0;
	v8 =	vld.idx.msk [tilespmem:v8+s31+$0x0], $0xffff  }
0x228: {  	v28 =	vadd.s32 $0x3, v0;
	v24 =	vld.idx.msk [tilespmem:v24+s31+$0x0], $0xffff  }
0x229: {  	v46 =	vld.idx.msk [tilespmem:v25+s31+$0x0], $0xffff;
	v25 =	vadd.s32 $0x4, v0  }
0x22a: {  	v29 =	vadd.s32 $0x8, v5;
	v31 =	vadd.s32 $0x5, v0;
	v21 =	vld.idx.msk [tilespmem:v21+s31+$0x0], $0xffff  }
0x22b: {  	v33 =	vadd.s32 $0xC, v0;
	v22 =	vld.idx.msk [tilespmem:v22+s31+$0x0], $0xffff;
	v1 =	vmul.f32 v1, v7;
	v4 =	vmul.f32 v4, v20  }
0x22c: {  	v34 =	vadd.s32 $0xE, v0;
	v27 =	vld.idx.msk [tilespmem:v27+s31+$0x0], $0xffff;
	v26 =	vmul.f32 v26, v7;
	v8 =	vmul.f32 v8, v20  }
0x22d: {  	v35 =	vadd.s32 $0x2, v5;
	v28 =	vld.idx.msk [tilespmem:v28+s31+$0x0], $0xffff;
	v1 =	vadd.f32 v4, v1;
	v4 =	vmul.f32 v6, v23  }
0x22e: {  	v36 =	vadd.s32 $0xA, v0;
	v24 =	vmul.f32 v24, v23;
	v25 =	vld.idx.msk [tilespmem:v25+s31+$0x0], $0xffff;
	v8 =	vadd.f32 v8, v26  }
0x22f: {  	v38 =	vld [tilespmem:s1+$0xFFFFFFF0];
	v37 =	vadd.s32 $0x9, v5;
	v48 =	vadd.s32 $0xD, v0;
	v1 =	vadd.f32 v4, v1  }
0x230: {  	v29 =	vld.idx.msk [tilespmem:v29+s31+$0x0], $0xffff;
	v0 =	vadd.s32 $0xF, v0;
	v4 =	vadd.s32 $0x1, v5;
	v8 =	vadd.f32 v24, v8  }
0x231: {  	v22 =	vmul.f32 v22, v30;
	v6 =	vmul.f32 v46, v32;
	v24 =	vld.idx.msk [tilespmem:v31+s31+$0x0], $0xffff;
	v1 =	vadd.f32 v1, v21  }
0x232: {  	v34 =	vld.idx.msk [tilespmem:v34+s31+$0x0], $0xffff;
	v7 =	vmul.f32 v28, v7;
	v31 =	vadd.s32 $0x4, v5;
	v8 =	vadd.f32 v8, v27  }
0x233: {  	v28 =	vld.idx.msk [tilespmem:v36+s31+$0x0], $0xffff;
	v6 =	vadd.f32 v6, v22;
	v20 =	vmul.f32 v25, v20;
	v26 =	vshrl.u32 v1, $0x10  }
0x234: {  	v21 =	vadd.s32 $0xB, v5;
	v27 =	vld.idx.msk [tilespmem:v33+s31+$0x0], $0xffff;
	v41 =	vshrl.u32 v8, $0x10;
	v26 =	vand.u32 $0x1, v26  }
0x235: {  	v7 =	vadd.f32 v20, v7;
	v4 =	vld.idx.msk [tilespmem:v4+s31+$0x0], $0xffff;
	v25 =	vand.u32 $0x1, v41;
	v1 =	vadd.s32 v26, v1  }
0x236: {  	v49 =	vld.idx.msk [tilespmem:v5+s31+$0x0], $0xffff;
	v20 =	vmul.f32 v24, v23;
	v8 =	vadd.s32 v25, v8;
	v1 =	vadd.s32 $0x7FFF, v1  }
0x237: {  	v22 =	vmul.f32 v29, v38;
	v8 =	vadd.s32 $0x7FFF, v8;
	v1 =	vand.u32 $0xFFFF0000, v1  }
0x238: {  	v0 =	vld.idx.msk [tilespmem:v0+s31+$0x0], $0xffff;
	v7 =	vadd.f32 v20, v7;
	v8 =	vand.u32 $0xFFFF0000, v8;
	(erf) = vrcp.f32 v1  }
0x239: {  	s20 =	simm.s32 $0x10;
	v39 =	vadd.s32 $0x5, v5;
	v21 =	vld.idx.msk [tilespmem:v21+s31+$0x0], $0xffff;
	v8 =	vmul.f32 v8, v27;
	v24 =	vmul.f32 v1, v34  }
0x23a: {  	v23 =	vld.idx.msk [tilespmem:v35+s31+$0x0], $0xffff;
	v27 =	vmov s20;
	v7 =	vadd.f32 v7, v28;
	v4 =	vmul.f32 v4, v32  }
0x23b: {  	v52 =	vld.idx.msk [tilespmem:v31+s31+$0x0], $0xffff;
	v8 =	vadd.f32 v24, v8;
	v24 =	vshll.u32 v27, $0x1;
	v27 =	vmul.f32 v49, v30  }
0x23c: {  	s21 =	simm.s32 $0x19930;
	v47 =	vadd.s32 $0xC, v5;
	v40 =	vadd.s32 $0xA, v5;
	v6 =	vadd.f32 v22, v6;
	v22 =	vld.idx.msk [tilespmem:v48+s31+$0x0], $0xffff  }
0x23d: {  	v50 =	vadd.s32 $0xE, v5;
	v51 =	vshrl.u32 v7, $0x10;
	v4 =	vadd.f32 v4, v27;
	v27 =	vld [tilespmem:s21+$0x0]  }
0x23e: {  	s15 =	simm.s32 $0x1A010;
	v26 =	vadd.s32 $0x3, v5;
	v28 =	vld.idx.msk [tilespmem:v37+s31+$0x0], $0xffff;
	v6 =	vadd.f32 v6, v21;
	v21 =	vand.u32 $0x1, v51  }
0x23f: {  	v25 =	vld [tilespmem:s15+$0x0];
	v20 =	vmul.u32 $0x2, v2;
	v23 =	vmul.f32 v23, v38;
	v7 =	vadd.s32 v21, v7  }
0x240: {  	v0 =	vmul.f32 v1, v0;
	v54 =	vmul.f32 v52, v32;
	v21 =	vld.idx.msk [tilespmem:v39+s31+$0x0], $0xffff;
	v7 =	vadd.s32 $0x7FFF, v7  }
0x241: {  	v33 =	vld.idx.msk [tilespmem:v47+s31+$0x0], $0xffff;
	v24 =	vor.u32 v20, v24;
	v4 =	vadd.f32 v23, v4;
	v7 =	vand.u32 $0xFFFF0000, v7;
	v29 =	vpop (erf)  }
0x242: {  	v34 =	vld [tilespmem:s15+$0xFFFFFFF0];
	v7 =	vmul.f32 v7, v22;
	v56 =	vadd.s32 $0x1, v27;
	v8 =	vmul.f32 v8, v29  }
0x243: {  	s22 =	simm.s32 $0x0;
	s20 =	simm.s32 $0x1AE30;
	v26 =	vld.idx.msk [tilespmem:v26+s31+$0x0], $0xffff;
	v31 =	vshrl.u32 v6, $0x10;
	v1 =	vadd.f32 v4, v28;
	v48 =	vadd.s32 $0x2, v27  }
0x244: {  	v35 =	vld [tilespmem:s20+$0x0];
	v23 =	vmov s22;
	s22 =	simm.s32 $0x1B530;
	v0 =	vadd.f32 v0, v7;
	v8 =	vsub.f32 v8, v25  }
0x245: {  	v51 =	vld [tilespmem:s22+$0x0];
	v21 =	vmul.f32 v21, v38;
	v45 =	vadd.s32 $0xB, v27;
	v58 =	vadd.s32 $0x9, v27  }
0x246: {  	v28 =	vld.idx.msk [tilespmem:v40+s31+$0x0], $0xffff;
	v60 =	vadd.s32 $0x4, v27;
	v53 =	vshrl.u32 v1, $0x10;
	[tilespmem:v24+s6+$0x0] =	vst.idx.msk $0xffff, v8;
	v8 =	vand.u32 $0x1, v31  }
0x247: {  	v31 =	vor.u32 $0x1, v24;
	v24 =	vadd.s32 $0x7, v27;
	v41 =	vld.idx.msk [tilespmem:v56+s31+$0x0], $0xffff;
	v4 =	vadd.s32 v8, v6  }
0x248: {  	s19 =	simm.s32 $0x1A710;
	v48 =	vld.idx.msk [tilespmem:v48+s31+$0x0], $0xffff;
	v8 =	vshll.u32 v23, $0x1;
	v23 =	vmul.f32 v26, v30;
	v30 =	vadd.s32 $0x6, v27  }
0x249: {  	v61 =	vadd.s32 $0x5, v27;
	v52 =	vadd.s32 $0xE, v27;
	v7 =	vand.u32 $0x1, v53;
	v22 =	vld [tilespmem:s19+$0x0]  }
0x24a: {  	v0 =	vmul.f32 v0, v29;
	v29 =	vadd.s32 $0x8, v27;
	v1 =	vadd.s32 v7, v1;
	v6 =	vld [tilespmem:s21+$0xFFFFFFF0];
	s21 =	simm.s32 $0x1B1B0  }
0x24b: {  	v25 =	vadd.s32 $0xD, v5;
	v5 =	vadd.s32 $0xF, v5;
	v1 =	vadd.s32 $0x7FFF, v1;
	v44 =	vld [tilespmem:s21+$0x0]  }
0x24c: {  	v1 =	vand.u32 $0xFFFF0000, v1;
	v4 =	vadd.s32 $0x7FFF, v4;
	v7 =	vadd.f32 v54, v23;
	v42 =	vld.idx.msk [tilespmem:v24+s31+$0x0], $0xffff  }
0x24d: {  	v56 =	vadd.s32 $0xC, v27;
	v1 =	vmul.f32 v1, v33;
	v4 =	vand.u32 $0xFFFF0000, v4;
	v30 =	vld.idx.msk [tilespmem:v30+s31+$0x0], $0xffff  }
0x24e: {  	v57 =	vld.idx.msk [tilespmem:v45+s31+$0x0], $0xffff;
	v8 =	vor.u32 v20, v8;
	(erf) = vrcp.f32 v4;
	v7 =	vadd.f32 v21, v7  }
0x24f: {  	v29 =	vld.idx.msk [tilespmem:v29+s31+$0x0], $0xffff;
	v62 =	vmul.f32 v48, v51;
	v32 =	vsub.f32 v0, v22;
	v0 =	vadd.s32 $0x6, v6  }
0x250: {  	v26 =	vld.idx.msk [tilespmem:v50+s31+$0x0], $0xffff;
	v55 =	vadd.s32 $0x7, v6;
	v37 =	vadd.s32 $0x8, v6;
	v38 =	vadd.s32 $0x1, v6  }
0x251: {  	v36 =	vld.idx.msk [tilespmem:v60+s31+$0x0], $0xffff;
	v39 =	vadd.s32 $0xB, v6;
	v40 =	vadd.s32 $0x2, v6;
	v43 =	vadd.s32 $0x9, v6  }
0x252: {  	v21 =	vld.idx.msk [tilespmem:v27+s31+$0x0], $0xffff;
	v7 =	vadd.f32 v7, v28;
	v28 =	vmul.f32 v30, v35;
	v30 =	vmul.f32 v42, v44  }
0x253: {  	v60 =	vld.idx.msk [tilespmem:v52+s31+$0x0], $0xffff;
	v46 =	vadd.s32 $0x3, v6;
	v47 =	vadd.s32 $0x4, v6;
	v49 =	vadd.s32 $0x5, v6  }
0x254: {  	v5 =	vld.idx.msk [tilespmem:v5+s31+$0x0], $0xffff;
	v50 =	vadd.s32 $0xC, v6;
	v29 =	vmul.f32 v29, v51;
	v28 =	vadd.f32 v30, v28  }
0x255: {  	v33 =	vld.idx.msk [tilespmem:v58+s31+$0x0], $0xffff;
	v23 =	vadd.s32 $0xA, v6;
	v26 =	vmul.f32 v4, v26;
	v30 =	vadd.s32 $0x3, v27  }
0x256: {  	v25 =	vld.idx.msk [tilespmem:v25+s31+$0x0], $0xffff;
	v41 =	vmul.f32 v41, v44;
	v59 =	vshrl.u32 v7, $0x10;
	v29 =	vadd.f32 v29, v28  }
0x257: {  	v1 =	vadd.f32 v26, v1;
	v26 =	vld [tilespmem:s21+$0xFFFFFFF0];
	v45 =	vand.u32 $0x1, v59;
	v21 =	vmul.f32 v21, v35  }
0x258: {  	v24 =	vadd.s32 $0xE, v6;
	v0 =	vld.idx.msk [tilespmem:v0+s31+$0x0], $0xffff;
	v7 =	vadd.s32 v45, v7;
	v29 =	vadd.f32 v29, v57  }
0x259: {  	v4 =	vmul.f32 v4, v5;
	v5 =	vld.idx.msk [tilespmem:v55+s31+$0x0], $0xffff;
	v21 =	vadd.f32 v41, v21;
	v7 =	vadd.s32 $0x7FFF, v7  }
0x25a: {  	v22 =	vadd.s32 $0xD, v6;
	v7 =	vand.u32 $0xFFFF0000, v7;
	v63 =	vld.idx.msk [tilespmem:v30+s31+$0x0], $0xffff;
	v30 =	vshrl.u32 v29, $0x10  }
0x25b: {  	v45 =	vld.idx.msk [tilespmem:v61+s31+$0x0], $0xffff;
	v21 =	vadd.f32 v62, v21;
	v7 =	vmul.f32 v7, v25;
	v25 =	vand.u32 $0x1, v30  }
0x25c: {  	v36 =	vmul.f32 v36, v44;
	v28 =	vld [tilespmem:s20+$0xFFFFFFF0];
	v57 =	vadd.s32 $0xA, v27;
	v30 =	vadd.s32 v25, v29  }
0x25d: {  	v58 =	vld.idx.msk [tilespmem:v56+s31+$0x0], $0xffff;
	v59 =	vpop (erf);
	v62 =	vadd.s32 $0xD, v27;
	v33 =	vadd.f32 v21, v33;
	v30 =	vadd.s32 $0x7FFF, v30  }
0x25e: {  	v37 =	vld.idx.msk [tilespmem:v37+s31+$0x0], $0xffff;
	v1 =	vmul.f32 v1, v59;
	v4 =	vadd.f32 v4, v7;
	v30 =	vand.u32 $0xFFFF0000, v30  }
0x25f: {  	v5 =	vmul.f32 v5, v26;
	v61 =	vshrl.u32 v33, $0x10;
	v29 =	vld [tilespmem:s22+$0xFFFFFFF0];
	(erf) = vrcp.f32 v30  }
0x260: {  	v38 =	vld.idx.msk [tilespmem:v38+s31+$0x0], $0xffff;
	v56 =	vmul.f32 v45, v51;
	v44 =	vand.u32 $0x1, v61;
	v35 =	vmul.f32 v63, v35  }
0x261: {  	v1 =	vsub.f32 v1, v34;
	v0 =	vmul.f32 v0, v28;
	v33 =	vadd.s32 v44, v33;
	v41 =	vld.idx.msk [tilespmem:v57+s31+$0x0], $0xffff  }
0x262: {  	v34 =	vld.idx.msk [tilespmem:v62+s31+$0x0], $0xffff;
	v25 =	vadd.s32 $0xF, v6;
	v33 =	vadd.s32 $0x7FFF, v33;
	v35 =	vadd.f32 v36, v35  }
0x263: {  	v6 =	vld.idx.msk [tilespmem:v6+s31+$0x0], $0xffff;
	v0 =	vadd.f32 v5, v0;
	v33 =	vand.u32 $0xFFFF0000, v33;
	v63 =	vadd.s32 $0xF, v27  }
0x264: {  	v57 =	vld.idx.msk [tilespmem:v39+s31+$0x0], $0xffff;
	v27 =	vmul.f32 v4, v59;
	v5 =	vmul.f32 v37, v29;
	v35 =	vadd.f32 v56, v35  }
0x265: {  	s3 =	simm.s32 $0x1A030;
	s24 =	simm.s32 $0x30;
	v21 =	vor.u32 $0x1, v8;
	v4 =	vld.idx.msk [tilespmem:v40+s31+$0x0], $0xffff;
	v7 =	vmul.f32 v33, v58;
	v58 =	vmul.f32 v30, v60  }
0x266: {  	v59 =	vld [tilespmem:s3+$0x0];
	v60 =	vmov s24;
	v0 =	vadd.f32 v5, v0;
	v5 =	vadd.f32 v35, v41  }
0x267: {  	v61 =	vmul.f32 v38, v26;
	v33 =	vld.idx.msk [tilespmem:v49+s31+$0x0], $0xffff;
	v62 =	vshll.u32 v60, $0x1;
	v7 =	vadd.f32 v58, v7  }
0x268: {  	v6 =	vmul.f32 v6, v28;
	v38 =	vor.u32 v20, v62;
	v39 =	vld.idx.msk [tilespmem:v63+s31+$0x0], $0xffff;
	v63 =	vshrl.u32 v5, $0x10;
	v37 =	vpop (erf)  }
0x269: {  	v41 =	vld.idx.msk [tilespmem:v43+s31+$0x0], $0xffff;
	v43 =	vadd.f32 v0, v57;
	v0 =	vand.u32 $0x1, v63;
	v7 =	vmul.f32 v7, v37  }
0x26a: {  	v36 =	vld.idx.msk [tilespmem:v46+s31+$0x0], $0xffff;
	v6 =	vadd.f32 v61, v6;
	v4 =	vmul.f32 v4, v29;
	v0 =	vadd.s32 v0, v5  }
0x26b: {  	s2 =	simm.s32 $0x19950;
	[tilespmem:v31+s6+$0x0] =	vst.idx.msk $0xffff, v32;
	v40 =	vld.idx.msk [tilespmem:v50+s31+$0x0], $0xffff;
	v5 =	vshrl.u32 v43, $0x10;
	v0 =	vadd.s32 $0x7FFF, v0;
	v42 =	vsub.f32 v7, v59  }
0x26c: {  	s0 =	simm.s32 $0x1A710;
	s15 =	simm.s32 $0x2;
	[tilespmem:v8+s6+$0x0] =	vst.idx.msk $0xffff, v1;
	s24 =	simm.s32 $0x20;
	v35 =	vld.idx.msk [tilespmem:v47+s31+$0x0], $0xffff;
	v44 =	vadd.f32 v4, v6;
	v45 =	vand.u32 $0x1, v5;
	v32 =	vand.u32 $0xFFFF0000, v0  }
.LBB2_8:
0x26d: {  	v31 =	vld [tilespmem:s2+$0x0];
	v0 =	vmov s24;
	v1 =	vmul.f32 v32, v34;
	v4 =	vmul.f32 v30, v39;
	[tilespmem:v38+s6+$0x0] =	vst.idx.msk $0xffff, v42;
	s19 =	sadd.s32 $0x20, s19  }
0x26e: {  	s15 =	sadd.s32 $0x2, s15;
	v6 =	vadd.s32 v45, v43;
	v5 =	vadd.f32 v44, v41;
	v0 =	vshll.u32 v0, $0x1;
	v7 =	vld [tilespmem:s19+$0x0]  }
0x26f: {  	p1 =	slt.u32 s15, $0x30;
	v8 =	vmul.f32 v36, v28;
	v6 =	vadd.s32 $0x7FFF, v6;
	v34 =	vld [tilespmem:s2+$0xFFFFFFF0];
	v1 =	vadd.f32 v4, v1  }
0x270: {  	v6 =	vand.u32 $0xFFFF0000, v6;
	v4 =	vshrl.u32 v5, $0x10;
	v28 =	vld.idx.msk [tilespmem:v24+s31+$0x0], $0xffff;
	v24 =	vor.u32 $0x1, v38  }
0x271: {  	v4 =	vand.u32 $0x1, v4;
	v30 =	vld.idx.msk [tilespmem:v23+s31+$0x0], $0xffff;
	v1 =	vmul.f32 v1, v37;
	(erf) = vrcp.f32 v6  }
0x272: {  	v23 =	vadd.s32 $0x6, v31;
	v4 =	vadd.s32 v4, v5;
	v5 =	vmul.f32 v35, v26;
	v26 =	vld [tilespmem:s3+$0xFFFFFFF0]  }
0x273: {  	v29 =	vmul.f32 v33, v29;
	v41 =	vadd.s32 $0x7, v31;
	v42 =	vld.idx.msk [tilespmem:v22+s31+$0x0], $0xffff;
	v1 =	vsub.f32 v1, v7  }
0x274: {  	v7 =	vadd.s32 $0x6, v34;
	v43 =	vadd.s32 $0x7, v34;
	v44 =	vadd.s32 $0x8, v34;
	v45 =	vld.idx.msk [tilespmem:v25+s31+$0x0], $0xffff  }
0x275: {  	s20 =	sadd.s32 $0x20, s20;
	v46 =	vadd.s32 $0x1, v34;
	v38 =	vadd.s32 $0xB, v34;
	v25 =	vadd.s32 $0x8, v31;
	[tilespmem:v24+s6+$0x0] =	vst.idx.msk $0xffff, v1;
	v1 =	vld [tilespmem:s0+$0xFFFFFFF0];
	s0 =	smov.u32 s19  }
0x276: {  	v39 =	vadd.s32 $0x2, v34;
	v37 =	vadd.s32 $0x9, v34;
	v36 =	vadd.s32 $0x3, v34;
	v47 =	vld [tilespmem:s20+$0x0]  }
0x277: {  	v35 =	vadd.s32 $0x4, v34;
	v33 =	vadd.s32 $0x5, v34;
	v32 =	vadd.s32 $0xC, v34;
	v48 =	vld.idx.msk [tilespmem:v23+s31+$0x0], $0xffff  }
0x278: {  	s21 =	sadd.s32 $0x20, s21;
	v49 =	vadd.s32 $0x1, v31;
	v24 =	vadd.s32 $0xE, v34;
	v23 =	vadd.s32 $0xA, v34;
	v41 =	vld.idx.msk [tilespmem:v41+s31+$0x0], $0xffff  }
0x279: {  	v51 =	vadd.s32 $0xB, v31;
	v4 =	vadd.s32 $0x7FFF, v4;
	v5 =	vadd.f32 v5, v8;
	v50 =	vld [tilespmem:s21+$0x0]  }
0x27a: {  	s22 =	sadd.s32 $0x20, s22;
	v22 =	vadd.s32 $0xD, v34;
	v4 =	vand.u32 $0xFFFF0000, v4;
	v28 =	vmul.f32 v6, v28;
	v8 =	vld.idx.msk [tilespmem:v25+s31+$0x0], $0xffff;
	v52 =	vpop (erf)  }
0x27b: {  	v54 =	vadd.s32 $0x2, v31;
	v4 =	vmul.f32 v4, v40;
	v5 =	vadd.f32 v29, v5;
	v53 =	vld [tilespmem:s22+$0x0]  }
0x27c: {  	v0 =	vor.u32 v20, v0;
	v6 =	vmul.f32 v6, v45;
	v25 =	vadd.s32 $0xF, v34;
	v29 =	vld.idx.msk [tilespmem:v31+s31+$0x0], $0xffff  }
0x27d: {  	v4 =	vadd.f32 v28, v4;
	v5 =	vadd.f32 v5, v30;
	v30 =	vor.u32 $0x1, v0;
	v40 =	vld.idx.msk [tilespmem:v49+s31+$0x0], $0xffff  }
0x27e: {  	v1 =	vsub.f32 v27, v1;
	v28 =	vmul.f32 v48, v47;
	v41 =	vmul.f32 v41, v50;
	v45 =	vld.idx.msk [tilespmem:v51+s31+$0x0], $0xffff  }
0x27f: {  	v27 =	vadd.s32 $0x9, v31;
	v4 =	vmul.f32 v4, v52;
	v48 =	vshrl.u32 v5, $0x10;
	v7 =	vld.idx.msk [tilespmem:v7+s31+$0x0], $0xffff  }
0x280: {  	v51 =	vadd.s32 $0x3, v31;
	v49 =	vld.idx.msk [tilespmem:v54+s31+$0x0], $0xffff;
	v41 =	vadd.f32 v41, v28;
	v8 =	vmul.f32 v8, v53  }
0x281: {  	v48 =	vand.u32 $0x1, v48;
	v4 =	vsub.f32 v4, v26;
	v54 =	vadd.s32 $0x4, v31;
	v43 =	vld.idx.msk [tilespmem:v43+s31+$0x0], $0xffff;
	[tilespmem:v21+s6+$0x0] =	vst.idx.msk $0xffff, v1  }
0x282: {  	v5 =	vadd.s32 v48, v5;
	v21 =	vmov v30;
	v28 =	vld [tilespmem:s20+$0xFFFFFFF0];
	v1 =	vadd.f32 v8, v41  }
0x283: {  	v5 =	vadd.s32 $0x7FFF, v5;
	v8 =	vadd.s32 $0x5, v31;
	v26 =	vld [tilespmem:s21+$0xFFFFFFF0];
	[tilespmem:v0+s6+$0x0] =	vst.idx.msk $0xffff, v4  }
0x284: {  	v0 =	vmul.f32 v29, v47;
	v4 =	vmul.f32 v40, v50;
	v27 =	vld.idx.msk [tilespmem:v27+s31+$0x0], $0xffff;
	v1 =	vadd.f32 v1, v45  }
0x285: {  	v5 =	vand.u32 $0xFFFF0000, v5;
	v41 =	vadd.s32 $0xC, v31;
	v45 =	vadd.s32 $0xE, v31;
	v40 =	vld.idx.msk [tilespmem:v51+s31+$0x0], $0xffff  }
0x286: {  	v0 =	vadd.f32 v4, v0;
	v4 =	vmul.f32 v49, v53;
	v48 =	vld.idx.msk [tilespmem:v54+s31+$0x0], $0xffff;
	v29 =	vshrl.u32 v1, $0x10  }
0x287: {  	v49 =	vadd.s32 $0xA, v31;
	v7 =	vmul.f32 v7, v28;
	v44 =	vld.idx.msk [tilespmem:v44+s31+$0x0], $0xffff;
	v29 =	vand.u32 $0x1, v29  }
0x288: {  	v0 =	vadd.f32 v4, v0;
	v30 =	vmul.f32 v43, v26;
	v4 =	vld.idx.msk [tilespmem:v8+s31+$0x0], $0xffff;
	v1 =	vadd.s32 v29, v1  }
0x289: {  	v5 =	vmul.f32 v5, v42;
	v29 =	vld [tilespmem:s22+$0xFFFFFFF0];
	v1 =	vadd.s32 $0x7FFF, v1  }
0x28a: {  	v0 =	vadd.f32 v0, v27;
	v7 =	vadd.f32 v30, v7;
	v30 =	vand.u32 $0xFFFF0000, v1;
	v1 =	vld.idx.msk [tilespmem:v41+s31+$0x0], $0xffff  }
0x28b: {  	v5 =	vadd.f32 v6, v5;
	v8 =	vld.idx.msk [tilespmem:v45+s31+$0x0], $0xffff;
	(erf) = vrcp.f32 v30  }
0x28c: {  	v27 =	vmul.f32 v40, v47;
	v6 =	vshrl.u32 v0, $0x10;
	v40 =	vmul.f32 v48, v50;
	v41 =	vld.idx.msk [tilespmem:v49+s31+$0x0], $0xffff  }
0x28d: {  	v43 =	vadd.s32 $0xD, v31;
	v31 =	vadd.s32 $0xF, v31;
	v6 =	vand.u32 $0x1, v6;
	v42 =	vld.idx.msk [tilespmem:v46+s31+$0x0], $0xffff  }
0x28e: {  	v0 =	vadd.s32 v6, v0;
	v6 =	vadd.f32 v40, v27;
	v4 =	vmul.f32 v4, v53;
	v45 =	vld.idx.msk [tilespmem:v34+s31+$0x0], $0xffff  }
0x28f: {  	v27 =	vmul.f32 v5, v52;
	v34 =	vmul.f32 v44, v29;
	v0 =	vadd.s32 $0x7FFF, v0;
	v40 =	vld.idx.msk [tilespmem:v38+s31+$0x0], $0xffff  }
0x290: {  	s24 =	sadd.s32 $0x20, s24;
	s3 =	sadd.s32 $0x20, s3;
	v0 =	vand.u32 $0xFFFF0000, v0;
	v4 =	vadd.f32 v4, v6;
	v5 =	vld.idx.msk [tilespmem:v39+s31+$0x0], $0xffff  }
0x291: {  	s1 =	sadd.s32 $0x10, s24;
	v6 =	vadd.f32 v34, v7;
	v0 =	vmul.f32 v0, v1;
	v1 =	vmul.f32 v30, v8;
	v7 =	vld [tilespmem:s3+$0x0]  }
0x292: {  	v8 =	vmov s1;
	v4 =	vadd.f32 v4, v41;
	v34 =	vld.idx.msk [tilespmem:v43+s31+$0x0], $0xffff  }
0x293: {  	v42 =	vmul.f32 v42, v26;
	v0 =	vadd.f32 v1, v0;
	v1 =	vshll.u32 v8, $0x1;
	v39 =	vld.idx.msk [tilespmem:v31+s31+$0x0], $0xffff  }
.Ltmp8:
0x294: {  	v8 =	vmul.f32 v45, v28;
	v31 =	vshrl.u32 v4, $0x10;
	v38 =	vor.u32 v20, v1;
	v41 =	vld.idx.msk [tilespmem:v37+s31+$0x0], $0xffff;
	v37 =	vpop (erf);
	(pc) =	sbr.rel @p1 .LBB2_8-.Ltmp8, $4  }
0x295: {  	v43 =	vadd.f32 v6, v40;
	v1 =	vand.u32 $0x1, v31;
	v36 =	vld.idx.msk [tilespmem:v36+s31+$0x0], $0xffff;
	v0 =	vmul.f32 v0, v37  }
0x296: {  	v6 =	vadd.f32 v42, v8;
	v5 =	vmul.f32 v5, v29;
	v1 =	vadd.s32 v1, v4;
	v35 =	vld.idx.msk [tilespmem:v35+s31+$0x0], $0xffff  }
0x297: {  	v4 =	vshrl.u32 v43, $0x10;
	v1 =	vadd.s32 $0x7FFF, v1;
	v33 =	vld.idx.msk [tilespmem:v33+s31+$0x0], $0xffff;
	v42 =	vsub.f32 v0, v7  }
0x298: {  	s2 =	sadd.s32 $0x20, s2;
	v44 =	vadd.f32 v5, v6;
	v45 =	vand.u32 $0x1, v4;
	v40 =	vld.idx.msk [tilespmem:v32+s31+$0x0], $0xffff;
	v32 =	vand.u32 $0xFFFF0000, v1  }
0x299: {  	v0 =	vadd.s32 v45, v43  }
0x29a: {  	v0 =	vadd.s32 $0x7FFF, v0  }
0x29b: {  	v1 =	vadd.f32 v44, v41;
	v0 =	vand.u32 $0xFFFF0000, v0  }
0x29c: {  	(erf) = vrcp.f32 v0  }
0x29d: {  	v6 =	vld.idx.msk [tilespmem:v24+s31+$0x0], $0xffff;
	v4 =	vmul.f32 v36, v28;
	v7 =	vmul.f32 v35, v26;
	v5 =	vshrl.u32 v1, $0x10  }
0x29e: {  	v8 =	vld.idx.msk [tilespmem:v23+s31+$0x0], $0xffff;
	v5 =	vand.u32 $0x1, v5  }
0x29f: {  	v4 =	vadd.f32 v7, v4;
	v1 =	vadd.s32 v5, v1;
	v5 =	vmul.f32 v33, v29  }
0x2a0: {  	v1 =	vadd.s32 $0x7FFF, v1  }
0x2a1: {  	v1 =	vand.u32 $0xFFFF0000, v1;
	v4 =	vadd.f32 v5, v4  }
0x2a2: {  	v5 =	vmul.f32 v0, v6;
	v1 =	vmul.f32 v1, v40  }
0x2a3: {  	v56 =	vmov s24;
	v57 =	vld [tilespmem:s3+$0xFFFFFFF0];
	v4 =	vadd.f32 v4, v8  }
0x2a4: {  	v6 =	vshll.u32 v56, $0x1;
	v8 =	vld.idx.msk [tilespmem:v22+s31+$0x0], $0xffff;
	v1 =	vadd.f32 v5, v1  }
0x2a5: {  	v6 =	vor.u32 v20, v6;
	v5 =	vld.idx.msk [tilespmem:v25+s31+$0x0], $0xffff;
	v23 =	vshrl.u32 v4, $0x10;
	v22 =	vpop (erf)  }
0x2a6: {  	v23 =	vand.u32 $0x1, v23;
	v1 =	vmul.f32 v1, v22  }
0x2a7: {  	v4 =	vadd.s32 v23, v4  }
0x2a8: {  	v4 =	vadd.s32 $0x7FFF, v4;
	v1 =	vsub.f32 v1, v57  }
0x2a9: {  	v58 =	vmul.f32 v32, v34;
	v59 =	vmul.f32 v30, v39;
	[tilespmem:v38+s6+$0x0] =	vst.idx.msk $0xffff, v42;
	s1 =	sadd.s32 $0x20, s19;
	v61 =	vld [tilespmem:s0+$0xFFFFFFF0];
	v4 =	vand.u32 $0xFFFF0000, v4  }
0x2aa: {  	v60 =	vld [tilespmem:s1+$0x0];
	v0 =	vmul.f32 v0, v5;
	[tilespmem:v6+s6+$0x0] =	vst.idx.msk $0xffff, v1;
	v1 =	vmul.f32 v4, v8  }
0x2ab: {  	v23 =	vadd.f32 v59, v58;
	v5 =	vld [tilespmem:s1+$0xFFFFFFF0]  }
0x2ac: {  	v4 =	vor.u32 $0x1, v38;
	v0 =	vadd.f32 v0, v1  }
0x2ad: {  	v8 =	vmul.f32 v23, v37;
	v1 =	vor.u32 $0x1, v6  }
0x2ae: {  	v63 =	vsub.f32 v27, v61;
	v0 =	vmul.f32 v0, v22  }
0x2af: {  	v62 =	vsub.f32 v8, v60  }
0x2b0: {  	s22 =	smul.u32 $0xC8, s18;
	[tilespmem:v21+s6+$0x0] =	vst.idx.msk $0xffff, v63;
	v0 =	vsub.f32 v0, v5  }
0x2b1: {  	s24 =	rddreg [dreg:$0x1];
	[tilespmem:v4+s6+$0x0] =	vst.idx.msk $0xffff, v62  }
.Ltmp9:
0x2b2: {  	s0 =	sadd.s32 s24, s22;
	[tilespmem:v1+s6+$0x0] =	vst.idx.msk $0xffff, v0;
	(pc) =	sbr.rel @p0 .LBB2_13-.Ltmp9, $4  }
0x2b3: {  	[hbm4b:s0+s4] =	stream.linear.scatter [tilespmem:s6], [sflag:$0x3], $0x640, $0x38;
	[tilespmem:$0x1DD80] =	vst v63  }
0x2b4: {  	_ =	swait.ge [sflag:s7], $0x640  }
0x2b5: {  	[sflag:s7] =	ssyncset.done $0x0  }
0x2b6: {  	[sflag:s7] =	ssyncadd.s32 $0xFFFFF9C0  }
0x2b7: {  	_ =	swait.ge [sflag:s5], $0x320  }
0x2b8: {  	[sflag:s5] =	ssyncset.done $0x0  }
0x2b9: {  	[sflag:s5] =	ssyncadd.s32 $0xFFFFFCE0  }
0x2ba: {  	p0 =	sgt.u32 s17, $0x9A3;
	_ =	swait.ge [sflag:s5], $0x320  }
0x2bb: {  	s0 =	smul.u32 @!p0 $0x320, s17;
	[sflag:s5] =	ssyncset.done $0x0  }
0x2bc: {  	[sflag:s5] =	ssyncadd.s32 $0xFFFFFCE0  }
0x2bd: {  	s0 =	sshrl.u32 @!p0 s0, $0x3;
	_ =	swait.ge [sflag:s5], $0x320  }
0x2be: {  	s2 =	simm.s32 @!p0 $0x0;
	s0 =	sadd.s32 @!p0 $0xC80, s0;
	[sflag:s5] =	ssyncset.done $0x0  }
0x2bf: {  	s3 =	simm.s32 @!p0 $0x19200;
	s1 =	sadd.s32 @!p0 s11, s0;
	[sflag:s5] =	ssyncadd.s32 $0xFFFFFCE0  }
0x2c0: {  	[tilespmem:s3], [sflag:$0x3] =	stream.linear.gather @!p0 [hbm4b:s1+s2], $0x320, $0x38;
	[tilespmem:$0x1DD80] =	vst v63  }
0x2c1: {  	s1 =	simm.s32 @!p0 $0x3  }
0x2c2: {  	_ =	swait.ge @!p0 [sflag:s1], $0x320  }
0x2c3: {  	[sflag:s1] =	ssyncset.done @!p0 $0x0  }
0x2c4: {  	[sflag:s1] =	ssyncadd.s32 @!p0 $0xFFFFFCE0  }
0x2c5: {  	s15 =	rddreg [dreg:$0x0]  }
0x2c6: {  	s18 =	simm.s32 @!p0 $0x19900;
	s15 =	sadd.s32 @!p0 s15, s0  }
0x2c7: {  	[tilespmem:s18], [sflag:$0x3] =	stream.linear.gather @!p0 [hbm4b:s15+s2], $0x320, $0x38;
	[tilespmem:$0x1DD80] =	vst v63  }
0x2c8: {  	_ =	swait.ge @!p0 [sflag:s1], $0x320  }
0x2c9: {  	[sflag:s1] =	ssyncset.done @!p0 $0x0  }
0x2ca: {  	s15 =	sadd.s32 @!p0 s12, s0;
	s18 =	simm.s32 @!p0 $0x1A000;
	[sflag:s1] =	ssyncadd.s32 @!p0 $0xFFFFFCE0  }
0x2cb: {  	[tilespmem:s18], [sflag:$0x3] =	stream.linear.gather @!p0 [hbm4b:s15+s2], $0x320, $0x38;
	[tilespmem:$0x1DD80] =	vst v63  }
0x2cc: {  	_ =	swait.ge @!p0 [sflag:s1], $0x320  }
0x2cd: {  	[sflag:s1] =	ssyncset.done @!p0 $0x0  }
0x2ce: {  	s0 =	sadd.s32 @!p0 s14, s0;
	s15 =	simm.s32 @!p0 $0x1A700;
	[sflag:s1] =	ssyncadd.s32 @!p0 $0xFFFFFCE0  }
0x2cf: {  	[tilespmem:s15], [sflag:$0x3] =	stream.linear.gather @!p0 [hbm4b:s0+s2], $0x320, $0x38;
	[tilespmem:$0x1DD80] =	vst v63  }
0x2d0: {  	_ =	swait.ge @!p0 [sflag:s1], $0x320  }
0x2d1: {  	[sflag:s1] =	ssyncset.done @!p0 $0x0  }
0x2d2: {  	s0 =	simm.s32 @!p0 $0x320;
	[sflag:s1] =	ssyncadd.s32 @!p0 $0xFFFFFCE0;
	s1 =	simm.s32 @!p0 $0x1AE00  }
0x2d3: {  	[tilespmem:s1], [sflag:$0x1] =	stream.indirect.gather @!p0 [hbm4b:s8+s0], $0x1, s3, s0, $0xb8;
	[tilespmem:$0x1DD80] =	vst v63  }
0x2d4: {  	s1 =	simm.s32 @!p0 $0x1B180  }
0x2d5: {  	[tilespmem:s1], [sflag:$0x1] =	stream.indirect.gather @!p0 [hbm4b:s9+s0], $0x1, s3, s0, $0xb8;
	[tilespmem:$0x1DD80] =	vst v63  }
0x2d6: {  	s2 =	simm.s32 $0x19C90;
	s1 =	simm.s32 @!p0 $0x1B500  }
0x2d7: {  	[tilespmem:s1], [sflag:$0x1] =	stream.indirect.gather @!p0 [hbm4b:s10+s0], $0x1, s3, s0, $0xb8;
	[tilespmem:$0x1DD80] =	vst v63  }
0x2d8: {  	v0 =	vld [tilespmem:s2+$0x0];
	_ =	sdelay $0x1  }
0x2d9: {  	s3 =	simm.s32 $0x1B890;
	v5 =	vld [tilespmem:s2+$0xFFFFFFF0]  }
0x2da: {  	s15 =	simm.s32 $0x1BC10;
	v7 =	vld [tilespmem:s3+$0x0]  }
0x2db: {  	s18 =	simm.s32 $0x1BF90;
	v21 =	vld [tilespmem:s15+$0x0]  }
0x2dc: {  	v24 =	vld [tilespmem:s18+$0x0];
	v1 =	vadd.s32 $0x6, v0  }
0x2dd: {  	v32 =	vld [tilespmem:s3+$0xFFFFFFF0];
	v4 =	vadd.s32 $0x7, v0  }
0x2de: {  	v33 =	vld [tilespmem:s15+$0xFFFFFFF0];
	v6 =	vadd.s32 $0x8, v0  }
0x2df: {  	v39 =	vld [tilespmem:s18+$0xFFFFFFF0];
	v8 =	vadd.s32 $0x1, v0  }
0x2e0: {  	v22 =	vadd.s32 $0xB, v0;
	v27 =	vld.idx.msk [tilespmem:v0+s31+$0x0], $0xffff  }
0x2e1: {  	v23 =	vadd.s32 $0x6, v5;
	v1 =	vld.idx.msk [tilespmem:v1+s31+$0x0], $0xffff  }
0x2e2: {  	v26 =	vadd.s32 $0x7, v5;
	v4 =	vld.idx.msk [tilespmem:v4+s31+$0x0], $0xffff  }
0x2e3: {  	v25 =	vadd.s32 $0x2, v0;
	v6 =	vld.idx.msk [tilespmem:v6+s31+$0x0], $0xffff  }
0x2e4: {  	v28 =	vadd.s32 $0x9, v0;
	v8 =	vld.idx.msk [tilespmem:v8+s31+$0x0], $0xffff  }
0x2e5: {  	v29 =	vadd.s32 $0x3, v0;
	v22 =	vld.idx.msk [tilespmem:v22+s31+$0x0], $0xffff  }
0x2e6: {  	v30 =	vadd.s32 $0x8, v5;
	v23 =	vld.idx.msk [tilespmem:v23+s31+$0x0], $0xffff  }
0x2e7: {  	v31 =	vadd.s32 $0x5, v0;
	v34 =	vadd.s32 $0xC, v0;
	v48 =	vld.idx.msk [tilespmem:v26+s31+$0x0], $0xffff;
	v26 =	vadd.s32 $0x4, v0  }
0x2e8: {  	v35 =	vadd.s32 $0xE, v0;
	v36 =	vadd.s32 $0x2, v5;
	v37 =	vadd.s32 $0xA, v0;
	v25 =	vld.idx.msk [tilespmem:v25+s31+$0x0], $0xffff  }
0x2e9: {  	v38 =	vadd.s32 $0x9, v5;
	v40 =	vadd.s32 $0x5, v5;
	v49 =	vadd.s32 $0xC, v5;
	v28 =	vld.idx.msk [tilespmem:v28+s31+$0x0], $0xffff  }
0x2ea: {  	v41 =	vadd.s32 $0xA, v5;
	v29 =	vld.idx.msk [tilespmem:v29+s31+$0x0], $0xffff;
	v1 =	vmul.f32 v1, v7;
	v4 =	vmul.f32 v4, v21  }
0x2eb: {  	v50 =	vadd.s32 $0xD, v0;
	v30 =	vld.idx.msk [tilespmem:v30+s31+$0x0], $0xffff;
	v27 =	vmul.f32 v27, v7;
	v8 =	vmul.f32 v8, v21  }
0x2ec: {  	v52 =	vadd.s32 $0xD, v5;
	v26 =	vld.idx.msk [tilespmem:v26+s31+$0x0], $0xffff;
	v1 =	vadd.f32 v4, v1;
	v4 =	vmul.f32 v6, v24  }
0x2ed: {  	v0 =	vadd.s32 $0xF, v0;
	v25 =	vmul.f32 v25, v24;
	v8 =	vadd.f32 v8, v27  }
0x2ee: {  	v23 =	vmul.f32 v23, v32;
	v6 =	vmul.f32 v48, v33;
	v1 =	vadd.f32 v4, v1  }
0x2ef: {  	v7 =	vmul.f32 v29, v7;
	v4 =	vadd.s32 $0x1, v5;
	v8 =	vadd.f32 v25, v8;
	v25 =	vld.idx.msk [tilespmem:v31+s31+$0x0], $0xffff  }
0x2f0: {  	v6 =	vadd.f32 v6, v23;
	v23 =	vmul.f32 v30, v39;
	v1 =	vadd.f32 v1, v22  }
0x2f1: {  	v35 =	vld.idx.msk [tilespmem:v35+s31+$0x0], $0xffff;
	v21 =	vmul.f32 v26, v21;
	v22 =	vadd.s32 $0xB, v5;
	v8 =	vadd.f32 v8, v28  }
0x2f2: {  	v29 =	vld.idx.msk [tilespmem:v37+s31+$0x0], $0xffff;
	v31 =	vadd.s32 $0x4, v5;
	v6 =	vadd.f32 v23, v6;
	v27 =	vshrl.u32 v1, $0x10  }
0x2f3: {  	v28 =	vld.idx.msk [tilespmem:v34+s31+$0x0], $0xffff;
	v7 =	vadd.f32 v21, v7;
	v42 =	vshrl.u32 v8, $0x10;
	v27 =	vand.u32 $0x1, v27  }
0x2f4: {  	v4 =	vld.idx.msk [tilespmem:v4+s31+$0x0], $0xffff;
	v26 =	vand.u32 $0x1, v42;
	v21 =	vmul.f32 v25, v24;
	v1 =	vadd.s32 v27, v1  }
0x2f5: {  	v51 =	vld.idx.msk [tilespmem:v5+s31+$0x0], $0xffff;
	v27 =	vadd.s32 $0x3, v5;
	v8 =	vadd.s32 v26, v8;
	v1 =	vadd.s32 $0x7FFF, v1  }
0x2f6: {  	v22 =	vld.idx.msk [tilespmem:v22+s31+$0x0], $0xffff;
	v8 =	vadd.s32 $0x7FFF, v8;
	v7 =	vadd.f32 v21, v7;
	v1 =	vand.u32 $0xFFFF0000, v1  }
0x2f7: {  	v26 =	vadd.s32 $0xE, v5;
	v8 =	vand.u32 $0xFFFF0000, v8;
	(erf) = vrcp.f32 v1  }
0x2f8: {  	s20 =	simm.s32 $0x10;
	v0 =	vld.idx.msk [tilespmem:v0+s31+$0x0], $0xffff;
	v8 =	vmul.f32 v8, v28;
	v21 =	vmul.f32 v1, v35;
	v7 =	vadd.f32 v7, v29  }
0x2f9: {  	v24 =	vld.idx.msk [tilespmem:v36+s31+$0x0], $0xffff;
	v5 =	vadd.s32 $0xF, v5;
	v28 =	vmov s20;
	v4 =	vmul.f32 v4, v33  }
0x2fa: {  	s19 =	simm.s32 $0x1A390;
	v23 =	vld.idx.msk [tilespmem:v50+s31+$0x0], $0xffff;
	v8 =	vadd.f32 v21, v8;
	v21 =	vshll.u32 v28, $0x1;
	v53 =	vshrl.u32 v7, $0x10  }
0x2fb: {  	v25 =	vld [tilespmem:s19+$0x0];
	v28 =	vmul.f32 v51, v32;
	v6 =	vadd.f32 v6, v22;
	v22 =	vand.u32 $0x1, v53  }
0x2fc: {  	s22 =	simm.s32 $0x19CB0;
	v29 =	vld.idx.msk [tilespmem:v38+s31+$0x0], $0xffff;
	v7 =	vadd.s32 v22, v7  }
0x2fd: {  	v4 =	vadd.f32 v4, v28;
	v28 =	vld [tilespmem:s22+$0x0];
	v7 =	vadd.s32 $0x7FFF, v7  }
0x2fe: {  	v54 =	vld.idx.msk [tilespmem:v31+s31+$0x0], $0xffff;
	v24 =	vmul.f32 v24, v39;
	v7 =	vand.u32 $0xFFFF0000, v7  }
0x2ff: {  	v0 =	vmul.f32 v1, v0;
	v27 =	vld.idx.msk [tilespmem:v27+s31+$0x0], $0xffff;
	v7 =	vmul.f32 v7, v23  }
0x300: {  	v5 =	vld.idx.msk [tilespmem:v5+s31+$0x0], $0xffff;
	v21 =	vor.u32 v20, v21;
	v4 =	vadd.f32 v24, v4;
	v30 =	vpop (erf)  }
0x301: {  	v22 =	vld.idx.msk [tilespmem:v40+s31+$0x0], $0xffff;
	v0 =	vadd.f32 v0, v7;
	v8 =	vmul.f32 v8, v30  }
0x302: {  	s21 =	simm.s32 $0x0;
	v24 =	vld.idx.msk [tilespmem:v49+s31+$0x0], $0xffff;
	v1 =	vadd.f32 v4, v29;
	v29 =	vadd.s32 $0x7, v28  }
0x303: {  	v0 =	vmul.f32 v0, v30;
	v30 =	vld.idx.msk [tilespmem:v52+s31+$0x0], $0xffff;
	v8 =	vsub.f32 v8, v25;
	v25 =	vmov s21;
	s21 =	simm.s32 $0x1BFB0  }
0x304: {  	v31 =	vshrl.u32 v6, $0x10;
	v57 =	vadd.s32 $0x8, v28;
	v25 =	vshll.u32 v25, $0x1;
	v44 =	vld [tilespmem:s21+$0x0]  }
0x305: {  	[tilespmem:v21+s6+$0x0] =	vst.idx.msk $0xffff, v8;
	v8 =	vand.u32 $0x1, v31;
	v31 =	vor.u32 v20, v25;
	v25 =	vld.idx.msk [tilespmem:v26+s31+$0x0], $0xffff  }
0x306: {  	v61 =	vadd.s32 $0x4, v28;
	v26 =	vld.idx.msk [tilespmem:v41+s31+$0x0], $0xffff  }
0x307: {  	s20 =	simm.s32 $0x1BC30;
	v29 =	vld.idx.msk [tilespmem:v29+s31+$0x0], $0xffff  }
0x308: {  	v56 =	vmul.f32 v54, v33;
	v41 =	vld [tilespmem:s20+$0x0]  }
0x309: {  	s18 =	simm.s32 $0x1AA90;
	v22 =	vmul.f32 v22, v39;
	v43 =	vadd.s32 $0xB, v28;
	v55 =	vshrl.u32 v1, $0x10;
	v34 =	vld.idx.msk [tilespmem:v57+s31+$0x0], $0xffff  }
0x30a: {  	v23 =	vld [tilespmem:s18+$0x0];
	v4 =	vadd.s32 v8, v6;
	v8 =	vmul.f32 v27, v32;
	v27 =	vadd.s32 $0x6, v28  }
0x30b: {  	v47 =	vadd.s32 $0x2, v28;
	v50 =	vadd.s32 $0x3, v28;
	v7 =	vand.u32 $0x1, v55;
	v36 =	vld.idx.msk [tilespmem:v61+s31+$0x0], $0xffff  }
0x30c: {  	v62 =	vadd.s32 $0x5, v28;
	v1 =	vadd.s32 v7, v1;
	v6 =	vld [tilespmem:s22+$0xFFFFFFF0];
	v4 =	vadd.s32 $0x7FFF, v4  }
0x30d: {  	v1 =	vadd.s32 $0x7FFF, v1;
	v32 =	vor.u32 $0x1, v21;
	v21 =	vld [tilespmem:s19+$0xFFFFFFF0];
	s19 =	simm.s32 $0x1B8B0;
	v4 =	vand.u32 $0xFFFF0000, v4  }
0x30e: {  	v52 =	vadd.s32 $0xA, v28;
	v1 =	vand.u32 $0xFFFF0000, v1;
	v35 =	vld [tilespmem:s19+$0x0];
	(erf) = vrcp.f32 v4  }
0x30f: {  	v7 =	vadd.f32 v56, v8;
	v33 =	vsub.f32 v0, v23;
	v27 =	vld.idx.msk [tilespmem:v27+s31+$0x0], $0xffff;
	v23 =	vadd.s32 $0x1, v28  }
0x310: {  	v57 =	vadd.s32 $0xE, v28;
	v1 =	vmul.f32 v1, v24;
	v56 =	vadd.s32 $0xC, v28  }
0x311: {  	v7 =	vadd.f32 v22, v7;
	v25 =	vmul.f32 v4, v25;
	v34 =	vmul.f32 v34, v44  }
0x312: {  	v49 =	vld.idx.msk [tilespmem:v28+s31+$0x0], $0xffff;
	v4 =	vmul.f32 v4, v5;
	v36 =	vmul.f32 v36, v41;
	v0 =	vadd.s32 $0x6, v6  }
0x313: {  	v47 =	vld.idx.msk [tilespmem:v47+s31+$0x0], $0xffff;
	v58 =	vadd.s32 $0x7, v6;
	v59 =	vadd.s32 $0x8, v6;
	v38 =	vadd.s32 $0x1, v6  }
0x314: {  	v7 =	vadd.f32 v7, v26;
	v24 =	vld.idx.msk [tilespmem:v23+s31+$0x0], $0xffff;
	v26 =	vmul.f32 v27, v35;
	v27 =	vmul.f32 v29, v41  }
0x315: {  	v39 =	vadd.s32 $0xB, v6;
	v1 =	vadd.f32 v25, v1;
	v25 =	vadd.s32 $0x9, v28;
	v29 =	vld.idx.msk [tilespmem:v43+s31+$0x0], $0xffff  }
0x316: {  	v63 =	vld.idx.msk [tilespmem:v50+s31+$0x0], $0xffff;
	v40 =	vadd.s32 $0x2, v6;
	v42 =	vadd.s32 $0x9, v6;
	v26 =	vadd.f32 v27, v26  }
0x317: {  	v8 =	vadd.s32 $0x3, v6;
	v45 =	vadd.s32 $0x4, v6;
	v46 =	vadd.s32 $0x5, v6;
	v0 =	vld.idx.msk [tilespmem:v0+s31+$0x0], $0xffff;
	v51 =	vpop (erf)  }
0x318: {  	v48 =	vadd.s32 $0xC, v6;
	v5 =	vld.idx.msk [tilespmem:v58+s31+$0x0], $0xffff;
	v1 =	vmul.f32 v1, v51;
	v34 =	vadd.f32 v34, v26  }
0x319: {  	v49 =	vmul.f32 v49, v35;
	v60 =	vshrl.u32 v7, $0x10;
	v37 =	vld.idx.msk [tilespmem:v59+s31+$0x0], $0xffff;
	v24 =	vmul.f32 v24, v41  }
0x31a: {  	v43 =	vand.u32 $0x1, v60;
	v1 =	vsub.f32 v1, v21;
	v21 =	vld.idx.msk [tilespmem:v25+s31+$0x0], $0xffff;
	v25 =	vadd.f32 v34, v29  }
0x31b: {  	v55 =	vld.idx.msk [tilespmem:v39+s31+$0x0], $0xffff;
	v7 =	vadd.s32 v43, v7;
	v29 =	vmul.f32 v47, v44;
	v24 =	vadd.f32 v24, v49  }
0x31c: {  	v22 =	vadd.s32 $0xA, v6;
	v43 =	vld.idx.msk [tilespmem:v62+s31+$0x0], $0xffff;
	v7 =	vadd.s32 $0x7FFF, v7;
	v58 =	vshrl.u32 v25, $0x10  }
0x31d: {  	v27 =	vld [tilespmem:s19+$0xFFFFFFF0];
	v7 =	vand.u32 $0xFFFF0000, v7;
	v29 =	vadd.f32 v29, v24;
	v24 =	vand.u32 $0x1, v58  }
0x31e: {  	s22 =	simm.s32 $0x20;
	v23 =	vadd.s32 $0xE, v6;
	v26 =	vld [tilespmem:s20+$0xFFFFFFF0];
	v7 =	vmul.f32 v7, v30;
	v49 =	vadd.s32 v24, v25  }
0x31f: {  	v39 =	vmov s22;
	v62 =	vld.idx.msk [tilespmem:v52+s31+$0x0], $0xffff;
	v53 =	vadd.f32 v29, v21;
	v21 =	vadd.s32 $0x7FFF, v49  }
0x320: {  	v52 =	vadd.s32 $0xF, v28;
	v4 =	vadd.f32 v4, v7;
	v29 =	vld [tilespmem:s21+$0xFFFFFFF0];
	v30 =	vand.u32 $0xFFFF0000, v21  }
0x321: {  	v60 =	vld.idx.msk [tilespmem:v57+s31+$0x0], $0xffff;
	v34 =	vmul.f32 v63, v35;
	v63 =	vadd.s32 $0xD, v28;
	(erf) = vrcp.f32 v30  }
0x322: {  	v59 =	vld.idx.msk [tilespmem:v56+s31+$0x0], $0xffff;
	v54 =	vmul.f32 v43, v44;
	v0 =	vmul.f32 v0, v27;
	v61 =	vshrl.u32 v53, $0x10  }
0x323: {  	v34 =	vadd.f32 v36, v34;
	v5 =	vmul.f32 v5, v26;
	v35 =	vand.u32 $0x1, v61  }
0x324: {  	v38 =	vld.idx.msk [tilespmem:v38+s31+$0x0], $0xffff;
	v24 =	vadd.s32 $0xD, v6;
	v25 =	vadd.s32 $0xF, v6;
	v28 =	vadd.s32 v35, v53  }
0x325: {  	s3 =	simm.s32 $0x1A3B0;
	v6 =	vld.idx.msk [tilespmem:v6+s31+$0x0], $0xffff;
	v0 =	vadd.f32 v5, v0;
	v5 =	vmul.f32 v37, v29;
	v56 =	vadd.s32 $0x7FFF, v28  }
0x326: {  	v57 =	vld [tilespmem:s3+$0x0];
	v34 =	vadd.f32 v54, v34;
	v7 =	vmul.f32 v30, v60;
	v36 =	vand.u32 $0xFFFF0000, v56  }
0x327: {  	s24 =	simm.s32 $0x30;
	v28 =	vmul.f32 v4, v51;
	v4 =	vld.idx.msk [tilespmem:v40+s31+$0x0], $0xffff;
	v0 =	vadd.f32 v5, v0;
	v5 =	vmul.f32 v36, v59  }
0x328: {  	[tilespmem:v32+s6+$0x0] =	vst.idx.msk $0xffff, v33;
	v42 =	vld.idx.msk [tilespmem:v42+s31+$0x0], $0xffff;
	v21 =	vor.u32 $0x1, v31;
	v58 =	vadd.f32 v34, v62;
	v59 =	vmov s24  }
0x329: {  	v41 =	vld.idx.msk [tilespmem:v52+s31+$0x0], $0xffff;
	v60 =	vmul.f32 v38, v26;
	v61 =	vshll.u32 v59, $0x1;
	v5 =	vadd.f32 v7, v5  }
0x32a: {  	v62 =	vshrl.u32 v58, $0x10;
	v35 =	vld.idx.msk [tilespmem:v63+s31+$0x0], $0xffff;
	v6 =	vmul.f32 v6, v27;
	v38 =	vor.u32 v20, v61;
	v37 =	vpop (erf)  }
0x32b: {  	v33 =	vld.idx.msk [tilespmem:v46+s31+$0x0], $0xffff;
	v44 =	vadd.f32 v0, v55;
	v0 =	vand.u32 $0x1, v62;
	v5 =	vmul.f32 v5, v37  }
0x32c: {  	v6 =	vadd.f32 v60, v6;
	v36 =	vld.idx.msk [tilespmem:v8+s31+$0x0], $0xffff;
	v4 =	vmul.f32 v4, v29;
	v0 =	vadd.s32 v0, v58  }
0x32d: {  	v34 =	vld.idx.msk [tilespmem:v45+s31+$0x0], $0xffff;
	v63 =	vshrl.u32 v44, $0x10;
	v0 =	vadd.s32 $0x7FFF, v0;
	v43 =	vsub.f32 v5, v57  }
0x32e: {  	s0 =	simm.s32 $0x1AA90;
	s15 =	simm.s32 $0x2;
	s2 =	simm.s32 $0x19CD0;
	[tilespmem:v31+s6+$0x0] =	vst.idx.msk $0xffff, v1;
	v40 =	vld.idx.msk [tilespmem:v48+s31+$0x0], $0xffff;
	v45 =	vadd.f32 v4, v6;
	v46 =	vand.u32 $0x1, v63;
	v32 =	vand.u32 $0xFFFF0000, v0  }
.LBB2_11:
0x32f: {  	v31 =	vld [tilespmem:s2+$0x0];
	v0 =	vshll.u32 v39, $0x1;
	v1 =	vmul.f32 v32, v35;
	v4 =	vmul.f32 v30, v41;
	[tilespmem:v38+s6+$0x0] =	vst.idx.msk $0xffff, v43;
	s18 =	sadd.s32 $0x20, s18  }
0x330: {  	s15 =	sadd.s32 $0x2, s15;
	v6 =	vadd.s32 v46, v44;
	v5 =	vadd.f32 v45, v42;
	v0 =	vor.u32 v20, v0;
	v7 =	vld [tilespmem:s18+$0x0]  }
0x331: {  	p0 =	slt.u32 s15, $0x30;
	v8 =	vmul.f32 v36, v27;
	v6 =	vadd.s32 $0x7FFF, v6;
	v35 =	vld [tilespmem:s2+$0xFFFFFFF0];
	v1 =	vadd.f32 v4, v1  }
0x332: {  	v6 =	vand.u32 $0xFFFF0000, v6;
	v4 =	vshrl.u32 v5, $0x10;
	v27 =	vld.idx.msk [tilespmem:v23+s31+$0x0], $0xffff;
	v23 =	vor.u32 $0x1, v38  }
0x333: {  	v4 =	vand.u32 $0x1, v4;
	v30 =	vld.idx.msk [tilespmem:v22+s31+$0x0], $0xffff;
	v1 =	vmul.f32 v1, v37;
	(erf) = vrcp.f32 v6  }
0x334: {  	v22 =	vadd.s32 $0x6, v31;
	v4 =	vadd.s32 v4, v5;
	v5 =	vmul.f32 v34, v26;
	v26 =	vld [tilespmem:s3+$0xFFFFFFF0]  }
0x335: {  	v29 =	vmul.f32 v33, v29;
	v41 =	vadd.s32 $0x7, v31;
	v42 =	vld.idx.msk [tilespmem:v24+s31+$0x0], $0xffff;
	v1 =	vsub.f32 v1, v7  }
0x336: {  	v7 =	vadd.s32 $0x6, v35;
	v43 =	vadd.s32 $0x7, v35;
	v44 =	vadd.s32 $0x8, v35;
	v45 =	vld.idx.msk [tilespmem:v25+s31+$0x0], $0xffff  }
0x337: {  	s19 =	sadd.s32 $0x20, s19;
	v46 =	vadd.s32 $0x1, v35;
	v38 =	vadd.s32 $0xB, v35;
	v25 =	vadd.s32 $0x8, v31;
	[tilespmem:v23+s6+$0x0] =	vst.idx.msk $0xffff, v1;
	v1 =	vld [tilespmem:s0+$0xFFFFFFF0];
	s0 =	smov.u32 s18  }
0x338: {  	v39 =	vadd.s32 $0x2, v35;
	v37 =	vadd.s32 $0x9, v35;
	v36 =	vadd.s32 $0x3, v35;
	v47 =	vld [tilespmem:s19+$0x0]  }
0x339: {  	v34 =	vadd.s32 $0x4, v35;
	v33 =	vadd.s32 $0x5, v35;
	v32 =	vadd.s32 $0xC, v35;
	v48 =	vld.idx.msk [tilespmem:v22+s31+$0x0], $0xffff  }
0x33a: {  	s20 =	sadd.s32 $0x20, s20;
	v49 =	vadd.s32 $0x1, v31;
	v23 =	vadd.s32 $0xE, v35;
	v22 =	vadd.s32 $0xA, v35;
	v41 =	vld.idx.msk [tilespmem:v41+s31+$0x0], $0xffff  }
0x33b: {  	v51 =	vadd.s32 $0xB, v31;
	v4 =	vadd.s32 $0x7FFF, v4;
	v5 =	vadd.f32 v5, v8;
	v50 =	vld [tilespmem:s20+$0x0]  }
0x33c: {  	s21 =	sadd.s32 $0x20, s21;
	v24 =	vadd.s32 $0xD, v35;
	v4 =	vand.u32 $0xFFFF0000, v4;
	v27 =	vmul.f32 v6, v27;
	v8 =	vld.idx.msk [tilespmem:v25+s31+$0x0], $0xffff;
	v52 =	vpop (erf)  }
0x33d: {  	v54 =	vadd.s32 $0x2, v31;
	v4 =	vmul.f32 v4, v40;
	v5 =	vadd.f32 v29, v5;
	v53 =	vld [tilespmem:s21+$0x0]  }
0x33e: {  	v6 =	vmul.f32 v6, v45;
	v25 =	vadd.s32 $0xF, v35;
	v1 =	vsub.f32 v28, v1;
	v29 =	vld.idx.msk [tilespmem:v31+s31+$0x0], $0xffff  }
0x33f: {  	v4 =	vadd.f32 v27, v4;
	v27 =	vor.u32 $0x1, v0;
	v5 =	vadd.f32 v5, v30;
	v28 =	vld.idx.msk [tilespmem:v49+s31+$0x0], $0xffff  }
0x340: {  	v30 =	vmul.f32 v48, v47;
	v40 =	vmul.f32 v41, v50;
	v41 =	vld.idx.msk [tilespmem:v51+s31+$0x0], $0xffff;
	[tilespmem:v21+s6+$0x0] =	vst.idx.msk $0xffff, v1  }
0x341: {  	v45 =	vshrl.u32 v5, $0x10;
	v4 =	vmul.f32 v4, v52;
	v21 =	vmovc v27;
	v1 =	vld.idx.msk [tilespmem:v7+s31+$0x0], $0xffff;
	v7 =	vadd.s32 $0x9, v31  }
0x342: {  	v49 =	vadd.s32 $0x3, v31;
	v48 =	vld.idx.msk [tilespmem:v54+s31+$0x0], $0xffff;
	v30 =	vadd.f32 v40, v30;
	v8 =	vmul.f32 v8, v53  }
0x343: {  	v45 =	vand.u32 $0x1, v45;
	v4 =	vsub.f32 v4, v26;
	v40 =	vld.idx.msk [tilespmem:v43+s31+$0x0], $0xffff;
	v43 =	vadd.s32 $0x4, v31  }
0x344: {  	v5 =	vadd.s32 v45, v5;
	v27 =	vld [tilespmem:s19+$0xFFFFFFF0];
	v8 =	vadd.f32 v8, v30  }
0x345: {  	v5 =	vadd.s32 $0x7FFF, v5;
	v30 =	vadd.s32 $0x5, v31;
	v26 =	vld [tilespmem:s20+$0xFFFFFFF0];
	[tilespmem:v0+s6+$0x0] =	vst.idx.msk $0xffff, v4  }
0x346: {  	v0 =	vmul.f32 v29, v47;
	v4 =	vmul.f32 v28, v50;
	v7 =	vld.idx.msk [tilespmem:v7+s31+$0x0], $0xffff;
	v8 =	vadd.f32 v8, v41  }
0x347: {  	v45 =	vadd.s32 $0xE, v31;
	v5 =	vand.u32 $0xFFFF0000, v5;
	v41 =	vadd.s32 $0xC, v31;
	v28 =	vld.idx.msk [tilespmem:v49+s31+$0x0], $0xffff  }
0x348: {  	v0 =	vadd.f32 v4, v0;
	v4 =	vmul.f32 v48, v53;
	v43 =	vld.idx.msk [tilespmem:v43+s31+$0x0], $0xffff;
	v29 =	vshrl.u32 v8, $0x10  }
0x349: {  	v48 =	vadd.s32 $0xA, v31;
	v1 =	vmul.f32 v1, v27;
	v44 =	vld.idx.msk [tilespmem:v44+s31+$0x0], $0xffff;
	v29 =	vand.u32 $0x1, v29  }
0x34a: {  	v0 =	vadd.f32 v4, v0;
	v40 =	vmul.f32 v40, v26;
	v4 =	vld.idx.msk [tilespmem:v30+s31+$0x0], $0xffff;
	v8 =	vadd.s32 v29, v8  }
0x34b: {  	v5 =	vmul.f32 v5, v42;
	v29 =	vld [tilespmem:s21+$0xFFFFFFF0];
	v8 =	vadd.s32 $0x7FFF, v8  }
0x34c: {  	v0 =	vadd.f32 v0, v7;
	v1 =	vadd.f32 v40, v1;
	v30 =	vand.u32 $0xFFFF0000, v8;
	v7 =	vld.idx.msk [tilespmem:v41+s31+$0x0], $0xffff  }
0x34d: {  	v5 =	vadd.f32 v6, v5;
	v8 =	vld.idx.msk [tilespmem:v45+s31+$0x0], $0xffff;
	(erf) = vrcp.f32 v30  }
0x34e: {  	v28 =	vmul.f32 v28, v47;
	v6 =	vshrl.u32 v0, $0x10;
	v40 =	vmul.f32 v43, v50;
	v41 =	vld.idx.msk [tilespmem:v48+s31+$0x0], $0xffff  }
0x34f: {  	v43 =	vadd.s32 $0xD, v31;
	v31 =	vadd.s32 $0xF, v31;
	v6 =	vand.u32 $0x1, v6;
	v42 =	vld.idx.msk [tilespmem:v46+s31+$0x0], $0xffff  }
0x350: {  	v0 =	vadd.s32 v6, v0;
	v6 =	vadd.f32 v40, v28;
	v4 =	vmul.f32 v4, v53;
	v45 =	vld.idx.msk [tilespmem:v35+s31+$0x0], $0xffff  }
0x351: {  	v28 =	vmul.f32 v5, v52;
	v35 =	vmul.f32 v44, v29;
	v0 =	vadd.s32 $0x7FFF, v0;
	v40 =	vld.idx.msk [tilespmem:v38+s31+$0x0], $0xffff  }
0x352: {  	s22 =	sadd.s32 $0x20, s22;
	s3 =	sadd.s32 $0x20, s3;
	v0 =	vand.u32 $0xFFFF0000, v0;
	v4 =	vadd.f32 v4, v6;
	v5 =	vld.idx.msk [tilespmem:v39+s31+$0x0], $0xffff  }
0x353: {  	s1 =	sadd.s32 $0x10, s22;
	v1 =	vadd.f32 v35, v1;
	v0 =	vmul.f32 v0, v7;
	v6 =	vmul.f32 v30, v8;
	v7 =	vld [tilespmem:s3+$0x0]  }
0x354: {  	v39 =	vmov s22;
	v8 =	vmov s1;
	v4 =	vadd.f32 v4, v41;
	v35 =	vld.idx.msk [tilespmem:v43+s31+$0x0], $0xffff  }
0x355: {  	v43 =	vmul.f32 v42, v26;
	v0 =	vadd.f32 v6, v0;
	v6 =	vshll.u32 v8, $0x1;
	v41 =	vld.idx.msk [tilespmem:v31+s31+$0x0], $0xffff  }
.Ltmp10:
0x356: {  	v8 =	vmul.f32 v45, v27;
	v31 =	vshrl.u32 v4, $0x10;
	v38 =	vor.u32 v20, v6;
	v42 =	vld.idx.msk [tilespmem:v37+s31+$0x0], $0xffff;
	v37 =	vpop (erf);
	(pc) =	sbr.rel @p0 .LBB2_11-.Ltmp10, $4  }
0x357: {  	v44 =	vadd.f32 v1, v40;
	v1 =	vand.u32 $0x1, v31;
	v36 =	vld.idx.msk [tilespmem:v36+s31+$0x0], $0xffff;
	v0 =	vmul.f32 v0, v37  }
0x358: {  	v6 =	vadd.f32 v43, v8;
	v5 =	vmul.f32 v5, v29;
	v1 =	vadd.s32 v1, v4;
	v34 =	vld.idx.msk [tilespmem:v34+s31+$0x0], $0xffff  }
0x359: {  	v4 =	vshrl.u32 v44, $0x10;
	v1 =	vadd.s32 $0x7FFF, v1;
	v33 =	vld.idx.msk [tilespmem:v33+s31+$0x0], $0xffff;
	v43 =	vsub.f32 v0, v7  }
0x35a: {  	s2 =	sadd.s32 $0x20, s2;
	v45 =	vadd.f32 v5, v6;
	v46 =	vand.u32 $0x1, v4;
	v40 =	vld.idx.msk [tilespmem:v32+s31+$0x0], $0xffff;
	v32 =	vand.u32 $0xFFFF0000, v1  }
0x35b: {  	v0 =	vadd.s32 v46, v44  }
0x35c: {  	v0 =	vadd.s32 $0x7FFF, v0  }
0x35d: {  	v1 =	vadd.f32 v45, v42;
	v0 =	vand.u32 $0xFFFF0000, v0  }
0x35e: {  	(erf) = vrcp.f32 v0  }
0x35f: {  	v6 =	vld.idx.msk [tilespmem:v23+s31+$0x0], $0xffff;
	v4 =	vmul.f32 v36, v27;
	v7 =	vmul.f32 v34, v26;
	v5 =	vshrl.u32 v1, $0x10  }
0x360: {  	v8 =	vld.idx.msk [tilespmem:v22+s31+$0x0], $0xffff;
	v5 =	vand.u32 $0x1, v5  }
0x361: {  	v4 =	vadd.f32 v7, v4;
	v1 =	vadd.s32 v5, v1;
	v5 =	vmul.f32 v33, v29  }
0x362: {  	v1 =	vadd.s32 $0x7FFF, v1  }
0x363: {  	v1 =	vand.u32 $0xFFFF0000, v1;
	v4 =	vadd.f32 v5, v4  }
0x364: {  	v5 =	vmul.f32 v0, v6;
	v1 =	vmul.f32 v1, v40  }
0x365: {  	v53 =	vld [tilespmem:s3+$0xFFFFFFF0];
	v4 =	vadd.f32 v4, v8  }
0x366: {  	v54 =	vshll.u32 v39, $0x1;
	v55 =	vld.idx.msk [tilespmem:v25+s31+$0x0], $0xffff;
	v1 =	vadd.f32 v5, v1  }
0x367: {  	v8 =	vld.idx.msk [tilespmem:v24+s31+$0x0], $0xffff;
	v5 =	vor.u32 v20, v54;
	v56 =	vshrl.u32 v4, $0x10;
	v20 =	vpop (erf)  }
0x368: {  	v22 =	vand.u32 $0x1, v56;
	v1 =	vmul.f32 v1, v20  }
0x369: {  	v4 =	vadd.s32 v22, v4  }
0x36a: {  	v4 =	vadd.s32 $0x7FFF, v4;
	v1 =	vsub.f32 v1, v53  }
0x36b: {  	v57 =	vmul.f32 v32, v35;
	v58 =	vmul.f32 v30, v41;
	[tilespmem:v38+s6+$0x0] =	vst.idx.msk $0xffff, v43;
	s1 =	sadd.s32 $0x20, s18;
	v61 =	vld [tilespmem:s0+$0xFFFFFFF0];
	v4 =	vand.u32 $0xFFFF0000, v4  }
0x36c: {  	v59 =	vld [tilespmem:s1+$0x0];
	v0 =	vmul.f32 v0, v55;
	[tilespmem:v5+s6+$0x0] =	vst.idx.msk $0xffff, v1;
	v1 =	vmul.f32 v4, v8  }
0x36d: {  	v60 =	vadd.f32 v58, v57;
	v62 =	vld [tilespmem:s1+$0xFFFFFFF0]  }
0x36e: {  	v4 =	vor.u32 $0x1, v38;
	v0 =	vadd.f32 v0, v1  }
0x36f: {  	v8 =	vmul.f32 v60, v37;
	v1 =	vor.u32 $0x1, v5  }
0x370: {  	v63 =	vsub.f32 v28, v61;
	v0 =	vmul.f32 v0, v20  }
0x371: {  	v5 =	vsub.f32 v8, v59  }
0x372: {  	s22 =	smul.u32 $0xC8, s17;
	[tilespmem:v21+s6+$0x0] =	vst.idx.msk $0xffff, v63;
	v0 =	vsub.f32 v0, v62  }
0x373: {  	s24 =	rddreg [dreg:$0x1];
	[tilespmem:v4+s6+$0x0] =	vst.idx.msk $0xffff, v5  }
.Ltmp11:
0x374: {  	s0 =	sadd.s32 s24, s22;
	[tilespmem:v1+s6+$0x0] =	vst.idx.msk $0xffff, v0;
	(pc) =	sbr.rel .LBB2_13-.Ltmp11, $4  }
0x375: {  	[hbm4b:s0+s4] =	stream.linear.scatter [tilespmem:s6], [sflag:$0x2], $0x640, $0x38;
	[tilespmem:$0x1DD80] =	vst v63  }
0x376: {  	_ =	swait.ge [sflag:s23], $0x640  }
0x377: {  	[sflag:s23] =	ssyncset.done $0x0  }
0x378: {  	[sflag:s23] =	ssyncadd.s32 $0xFFFFF9C0  }
.LBB2_15:
0x379: {  	_ =	sfence.sel $0x180000  }
0x37a: {  	[bflag:$0x0] =	sbarrier.arrive $0xFFFF  }
0x37b: {  	_ =	strace $0x90000047  }
0x37c: {  	s0 =	stileid.u32;
	[bflag:$0x2] =	sbarrier.arrive $0xFFFF  }
0x37d: {  	p0 =	sne.s32 s0, $0x0;
	s0 =	rddreg [dreg:$0x3]  }
0x37e: {  	s0 =	sadd.s32 @!p0 $0x100000, s0  }
0x37f: {  	[sflag:s0] =	ssyncadd.tile.s32 @!p0 $0x1;
	_ =	shalt  }
.Lfunc_end2:
_tile_overlayer_lowered:
.L_overlay_start_2:
0x380: {  	(tag) =	ssettag $0x2  }
0x381: {  	s0 =	rddreg [dreg:$0x0];
	s2 =	stileid.u32  }
0x382: {  	s1 =	rddreg [dreg:$0x1];
	p0 =	sne.s32 s2, $0x0  }
0x383: {  	s3 =	rddreg [dreg:$0x2];
	[bflag:$0x3] =	sbarrier.arrive $0xFFFF;
	s2 =	simm.s32 @!p0 $0x1C02  }
0x384: {  	[timem:s3], [sflag:s2] =	dma.local @!p0 [hbm:s0], s1  }
0x385: {  	s0 =	simm.s32 @!p0 $0x2  }
0x386: {  	_ =	swait.ge @!p0 [sflag:s0], s1  }
0x387: {  	s1 =	ssub.s32 @!p0 $0x0, s1;
	[sflag:s0] =	ssyncset.done @!p0 $0x0  }
0x388: {  	[sflag:s0] =	ssyncadd.s32 @!p0 s1  }
0x389: {  	[bflag:$0x3] =	sbarrier.arrive $0xFFFF  }
0x38a: {  	_ =	shalt  }

</sc_bundles>
